<compile_context>
chip_gen: v7x
topology: tpu7x:2x2x1
jax: 0.10.2.dev20260603
libtpu: 0.0.44.dev20260713+nightly
codegen_flags: <defaults>
</compile_context>

<pallas_src>
import functools
import jax
import jax.numpy as jnp
from jax import lax
from jax.experimental import pallas as pl
from jax.experimental.pallas import tpu as pltpu
from jax.experimental.pallas import tpu_sc as plsc

NC = 2
NS = 16
NW = NC * NS
CH = 128

_HI = None
_CORE1_OFF = True


def _proj_rows(et_ref, w_ref, b_ref):
    return jnp.dot(et_ref[...], w_ref[...], preferred_element_type=jnp.float32,
                   precision=_HI) + b_ref[...]


def _write_z4(o4_ref, z, t):
    for k in range(4):
        o4_ref[k] = jnp.maximum(z + t[k:k + 1, :], 0.0)



def _embed_z4_body(x_ref, tab_ref, et_ref, w_ref, b_ref, oz_ref, o4_ref):
    xi = x_ref[...]
    z = jnp.broadcast_to(tab_ref[0:1, :], oz_ref.shape)
    for k in range(1, 4):
        z = jnp.where(xi == k, tab_ref[k:k + 1, :], z)
    oz_ref[...] = z
    _write_z4(o4_ref, z, _proj_rows(et_ref, w_ref, b_ref))


def _embed_z4(x, node_table, edge_table, We_l, be_l, N, H):
    Bn = 1000
    return pl.pallas_call(
        _embed_z4_body,
        grid=(N // Bn,),
        in_specs=[
            pl.BlockSpec((Bn, 1), lambda i: (i, 0)),
            pl.BlockSpec((4, H), lambda i: (0, 0)),
            pl.BlockSpec((4, H), lambda i: (0, 0)),
            pl.BlockSpec((H, H), lambda i: (0, 0)),
            pl.BlockSpec((1, H), lambda i: (0, 0)),
        ],
        out_specs=[
            pl.BlockSpec((Bn, H), lambda i: (i, 0)),
            pl.BlockSpec((4, Bn, H), lambda i: (0, i, 0)),
        ],
        out_shape=[
            jax.ShapeDtypeStruct((N, H), jnp.float32),
            jax.ShapeDtypeStruct((4, N, H), jnp.float32),
        ],
    )(x, node_table, edge_table, We_l, be_l)


def _mlp(z_ref, a_ref, s_ref, w1_ref, b1_ref, w2_ref, b2_ref):
    a = a_ref[0] + a_ref[1]
    h = z_ref[...] * s_ref[0, 0] + a
    h = jnp.maximum(jnp.dot(h, w1_ref[...], preferred_element_type=jnp.float32,
                            precision=_HI) + b1_ref[...], 0.0)
    h = jnp.dot(h, w2_ref[...], preferred_element_type=jnp.float32,
                precision=_HI) + b2_ref[...]
    return jnp.maximum(h, 0.0)


def _upd_z4_body(z_ref, a_ref, s_ref, w1_ref, b1_ref, w2_ref, b2_ref,
                 et_ref, wn_ref, bn_ref, oz_ref, o4_ref):
    z = _mlp(z_ref, a_ref, s_ref, w1_ref, b1_ref, w2_ref, b2_ref)
    oz_ref[...] = z
    _write_z4(o4_ref, z, _proj_rows(et_ref, wn_ref, bn_ref))


def _upd_z4(z, aggr2, scale, W1_l, b1_l, W2_l, b2_l,
            edge_table, We_n, be_n, N, H):
    Bn = 1000
    return pl.pallas_call(
        _upd_z4_body,
        grid=(N // Bn,),
        in_specs=[
            pl.BlockSpec((Bn, H), lambda i: (i, 0)),
            pl.BlockSpec((2, Bn, H), lambda i: (0, i, 0)),
            pl.BlockSpec((1, 1), lambda i: (0, 0)),
            pl.BlockSpec((H, H), lambda i: (0, 0)),
            pl.BlockSpec((1, H), lambda i: (0, 0)),
            pl.BlockSpec((H, H), lambda i: (0, 0)),
            pl.BlockSpec((1, H), lambda i: (0, 0)),
            pl.BlockSpec((4, H), lambda i: (0, 0)),
            pl.BlockSpec((H, H), lambda i: (0, 0)),
            pl.BlockSpec((1, H), lambda i: (0, 0)),
        ],
        out_specs=[
            pl.BlockSpec((Bn, H), lambda i: (i, 0)),
            pl.BlockSpec((4, Bn, H), lambda i: (0, i, 0)),
        ],
        out_shape=[
            jax.ShapeDtypeStruct((N, H), jnp.float32),
            jax.ShapeDtypeStruct((4, N, H), jnp.float32),
        ],
    )(z, aggr2, scale, W1_l, b1_l, W2_l, b2_l, edge_table, We_n, be_n)


def _upd_head_body(z_ref, a_ref, s_ref, w1_ref, b1_ref, w2_ref, b2_ref,
                   wh1_ref, bh1_ref, wh2_ref, bh2_ref, o_ref):
    z = _mlp(z_ref, a_ref, s_ref, w1_ref, b1_ref, w2_ref, b2_ref)
    B = o_ref.shape[0]
    g = jnp.concatenate([z[:B], z[B:]], axis=1)
    hh = jnp.maximum(jnp.dot(g, wh1_ref[...], preferred_element_type=jnp.float32,
                             precision=_HI) + bh1_ref[...], 0.0)
    o_ref[...] = jnp.dot(hh, wh2_ref[...], preferred_element_type=jnp.float32,
                         precision=_HI) + bh2_ref[...]


def _upd_head(z, aggr2, scale, W1_l, b1_l, W2_l, b2_l,
              Wh1, bh1, Wh2, bh2, B, H):
    B2 = 2 * B
    return pl.pallas_call(
        _upd_head_body,
        grid=(1,),
        in_specs=[
            pl.BlockSpec((B2, H), lambda i: (0, 0)),
            pl.BlockSpec((2, B2, H), lambda i: (0, 0, 0)),
            pl.BlockSpec((1, 1), lambda i: (0, 0)),
            pl.BlockSpec((H, H), lambda i: (0, 0)),
            pl.BlockSpec((1, H), lambda i: (0, 0)),
            pl.BlockSpec((H, H), lambda i: (0, 0)),
            pl.BlockSpec((1, H), lambda i: (0, 0)),
            pl.BlockSpec((2 * H, H), lambda i: (0, 0)),
            pl.BlockSpec((1, H), lambda i: (0, 0)),
            pl.BlockSpec((H, 1), lambda i: (0, 0)),
            pl.BlockSpec((1, 1), lambda i: (0, 0)),
        ],
        out_specs=pl.BlockSpec((B, 1), lambda i: (0, 0)),
        out_shape=jax.ShapeDtypeStruct((B, 1), jnp.float32),
    )(z, aggr2, scale, W1_l, b1_l, W2_l, b2_l, Wh1, bh1, Wh2, bh2)



def _make_sc_aggregate(N, H, NPAD, CPW0, CPW1):
    RPS = NPAD // NS

    mesh = plsc.VectorSubcoreMesh(core_axis_name="c", subcore_axis_name="s",
                                  num_cores=NC, num_subcores=NS)

    @functools.partial(
        pl.kernel,
        out_type=jax.ShapeDtypeStruct((NC, NPAD, H), jnp.float32),
        mesh=mesh,
        scratch_types=[
            pltpu.VMEM((CH,), jnp.int32),
            pltpu.VMEM((CH,), jnp.int32),
            pltpu.VMEM((CH,), jnp.int32),
            pltpu.VMEM((CH,), jnp.int32),
            pltpu.VMEM((2, CH, H), jnp.float32),
            pltpu.VMEM_SHARED((NPAD, H), jnp.float32),
            pltpu.SemaphoreType.DMA,
            pltpu.SemaphoreType.DMA,
            pltpu.SemaphoreType.DMA,
            pltpu.SemaphoreType.DMA,
        ],
    )
    def sc_aggr(z4_hbm, gidx_hbm, dst_hbm, zeros_hbm, out_hbm,
                idxg0, idxg1, idxs0, idxs1, rows, aggr,
                gs0, gs1, ss0, ss1, ):
        c = lax.axis_index("c")
        s = lax.axis_index("s")
        r0 = s * RPS
        cpw = jnp.where(c == 0, CPW0, CPW1)
        idxg = (idxg0, idxg1)
        idxs = (idxs0, idxs1)
        gsem = (gs0, gs1)
        ssem = (ss0, ss1)

        pltpu.sync_copy(zeros_hbm.at[pl.ds(r0, RPS)], aggr.at[pl.ds(r0, RPS)])
        plsc.subcore_barrier()

        row_base = jnp.where(c == 0, s * CPW0, NS * CPW0 + s * CPW1)


        @pl.when(cpw >= 2)
        def _():
            for b in range(2):
                pltpu.sync_copy(gidx_hbm.at[row_base + b], idxg[b])
                pltpu.sync_copy(dst_hbm.at[row_base + b], idxs[b])
                pltpu.async_copy(z4_hbm.at[idxg[b]], rows.at[b], gsem[b])

        def body(jj, carry):
            for b in range(2):
                j = 2 * jj + b
                pltpu.make_async_copy(z4_hbm.at[idxg[b]], rows.at[b],
                                      gsem[b]).wait()
                sc = pltpu.async_copy(rows.at[b], aggr.at[idxs[b]], ssem[b],
                                      add=True)
                sc.wait()

                @pl.when(j + 2 < cpw)
                def _():
                    pltpu.sync_copy(gidx_hbm.at[row_base + j + 2], idxg[b])
                    pltpu.sync_copy(dst_hbm.at[row_base + j + 2], idxs[b])
                    pltpu.async_copy(z4_hbm.at[idxg[b]], rows.at[b], gsem[b])
            return carry

        lax.fori_loop(0, cpw // 2, body, 0)
        plsc.subcore_barrier()

        pltpu.sync_copy(aggr.at[pl.ds(r0, RPS)], out_hbm.at[c].at[pl.ds(r0, RPS)])

    return sc_aggr



def kernel(x, edge_type, edge_index, edge_label, node_table, edge_table, eps,
           We, be, W1, b1, W2, b2, Wh1, bh1, Wh2, bh2):
    N, H = x.shape[0], node_table.shape[1]
    E = edge_type.shape[0]
    B = edge_label.shape[0]
    L = We.shape[0]

    NPAD = ((N + NS * 8 - 1) // (NS * 8)) * (NS * 8)
    CPWT = 2 * ((E + 2 * NW * CH - 1) // (2 * NW * CH)) * 2
    CPW0 = 136
    CPW1 = CPWT - CPW0
    if _CORE1_OFF:
        CPW0, CPW1 = CPWT, 0
    E_pad = NS * CH * CPWT

    src = edge_index[0]
    dst = edge_index[1]
    gidx = (edge_type * N + src).astype(jnp.int32)
    gidx = jnp.pad(gidx, (0, E_pad - E)).reshape(E_pad // CH, CH)
    trash = N + (jnp.arange(E_pad - E, dtype=jnp.int32) % (NPAD - N))
    dstp = jnp.concatenate([dst.astype(jnp.int32), trash])
    dstp = dstp.reshape(E_pad // CH, CH)

    zeros = jnp.zeros((NPAD, H), jnp.float32)
    sc_aggr = _make_sc_aggregate(N, H, NPAD, CPW0, CPW1)

    z, z4 = _embed_z4(x, node_table, edge_table, We[0],
                      be[0].reshape(1, H), N, H)
    for l in range(L - 1):
        aggr2 = sc_aggr(z4.reshape(4 * N, H), gidx, dstp, zeros)
        scale = (1.0 + eps[l]).reshape(1, 1)
        z, z4 = _upd_z4(z, aggr2, scale, W1[l], b1[l].reshape(1, H),
                        W2[l], b2[l].reshape(1, H),
                        edge_table, We[l + 1], be[l + 1].reshape(1, H), N, H)

    aggr2 = sc_aggr(z4.reshape(4 * N, H), gidx, dstp, zeros)
    scale = (1.0 + eps[L - 1]).reshape(1, 1)
    pred = _upd_head(z[:2 * B], aggr2[:, :2 * B], scale,
                     W1[L - 1], b1[L - 1].reshape(1, H),
                     W2[L - 1], b2[L - 1].reshape(1, H),
                     Wh1, bh1.reshape(1, H), Wh2,
                     bh2.reshape(1, 1), B, H)
    return (pred, edge_label)

# --- scband reference (transcript-rebuilt; emitter-appended) ---
"""Pipeline reference for scband-graph-head-55851754717823 (READ-ONLY COPY).

The authoritative reference and input builder live on the scoring server;
editing this copy changes nothing except your own understanding.
"""

import jax, jax.numpy as jnp
import numpy as np

N = 10000
E = 320000
H = 128
B = 512
L = 3

def _init_params(key):
    ks = jax.random.split(key, 20)
    s = 1.0 / np.sqrt(H)
    p = {}
    p["node_table"] = jax.random.normal(ks[0], (4, H), dtype=jnp.float32) * s
    p["edge_table"] = jax.random.normal(ks[1], (4, H), dtype=jnp.float32) * s
    p["eps"] = jnp.zeros((L,), dtype=jnp.float32)
    p["We"] = jax.random.normal(ks[2], (L, H, H), dtype=jnp.float32) * s
    p["be"] = jnp.zeros((L, H), dtype=jnp.float32)
    p["W1"] = jax.random.normal(ks[3], (L, H, H), dtype=jnp.float32) * s
    p["b1"] = jnp.zeros((L, H), dtype=jnp.float32)
    p["W2"] = jax.random.normal(ks[4], (L, H, H), dtype=jnp.float32) * s
    p["b2"] = jnp.zeros((L, H), dtype=jnp.float32)
    p["Wh1"] = jax.random.normal(ks[5], (2 * H, H), dtype=jnp.float32) * (1.0 / np.sqrt(2 * H))
    p["bh1"] = jnp.zeros((H,), dtype=jnp.float32)
    p["Wh2"] = jax.random.normal(ks[6], (H, 1), dtype=jnp.float32) * s
    p["bh2"] = jnp.zeros((1,), dtype=jnp.float32)
    return p

def setup_inputs(seed: int = 0):
    key = jax.random.key(seed)
    ks = jax.random.split(key, 8)
    inp = {}
    inp["x"] = jax.random.randint(ks[0], (N, 1), 0, 4, dtype=jnp.int32)
    inp["edge_type"] = jax.random.randint(ks[1], (E,), 0, 4, dtype=jnp.int32)
    inp["edge_index"] = jax.random.randint(ks[2], (2, E), 0, N, dtype=jnp.int32)
    inp["edge_label"] = (jax.random.uniform(ks[3], (B,), dtype=jnp.float32) > 0.5).astype(jnp.float32)
    inp.update(_init_params(ks[4]))
    return inp

def reference(x, edge_type, edge_index, edge_label, node_table, edge_table, eps, We, be, W1, b1, W2, b2, Wh1, bh1, Wh2, bh2):
    # node/edge type embeddings
    z = node_table[x[:, 0]]
    ze = edge_table[edge_type]
    src = edge_index[0]
    dst = edge_index[1]
    # 3x GINEConv(hidden, hidden, edge_dim=hidden, train_eps=True) + ReLU (no BN, dropout=0)
    for l in range(L):
        e_proj = ze @ We[l] + be[l]                      # GINEConv.lin(edge_attr)
        m = jax.nn.relu(z[src] + e_proj)                 # message: relu(x_j + lin(e))
        aggr = jax.ops.segment_sum(m, dst, num_segments=N)  # sum aggregation at dst
        h = (1.0 + eps[l]) * z + aggr
        h = jax.nn.relu(h @ W1[l] + b1[l])               # GINE internal MLP (2 layers)
        z = h @ W2[l] + b2[l]
        z = jax.nn.relu(z)                               # GraphHead post-conv activation
    # src_dst_agg = 'concat'
    src_emb = z[:B]
    dst_emb = z[B:2 * B]
    g = jnp.concatenate([src_emb, dst_emb], axis=1)
    # head MLP: Linear(2H,H) -> relu -> Linear(H,1)
    hh = jax.nn.relu(g @ Wh1 + bh1)
    pred = hh @ Wh2 + bh2
    return (pred, edge_label)

if __name__ == "__main__":
    import jax
    _d = setup_inputs()
    print(jax.jit(kernel)(*tuple(_d.values())))

</pallas_src>

<mosaic_0001>
#map = affine_map<(d0, d1) -> (0, 0)>
#map1 = affine_map<(d0, d1) -> (0, 0, 0)>
module attributes {stable_mosaic.version = 14 : i64} {
  func.func @sc_aggr(%arg0: i32, %arg1: i32, %arg2: memref<40000x128xf32, #tpu.memory_space<hbm>>, %arg3: memref<2560x128xi32, #tpu.memory_space<hbm>>, %arg4: memref<2560x128xi32, #tpu.memory_space<hbm>>, %arg5: memref<10112x128xf32, #tpu.memory_space<hbm>>, %arg6: memref<2x10112x128xf32, #tpu.memory_space<hbm>>, %arg7: memref<128xi32, #tpu.memory_space<vmem>>, %arg8: memref<128xi32, #tpu.memory_space<vmem>>, %arg9: memref<128xi32, #tpu.memory_space<vmem>>, %arg10: memref<128xi32, #tpu.memory_space<vmem>>, %arg11: memref<2x128x128xf32, #tpu.memory_space<vmem>>, %arg12: memref<10112x128xf32, #tpu.memory_space<vmem_shared>>, %arg13: memref<!tpu.dma_semaphore, #tpu.memory_space<semaphore_mem>>, %arg14: memref<!tpu.dma_semaphore, #tpu.memory_space<semaphore_mem>>, %arg15: memref<!tpu.dma_semaphore, #tpu.memory_space<semaphore_mem>>, %arg16: memref<!tpu.dma_semaphore, #tpu.memory_space<semaphore_mem>>) attributes {dimension_semantics = [#tpu.dimension_semantics<core_parallel>, #tpu.dimension_semantics<subcore_parallel>], iteration_bounds = array<i64: 2, 16>, scalar_prefetch = 0 : i64, scratch_operands = 10 : i64, tpu.core_type = #tpu.core_type<sc_vector_subcore>, window_params = [{transform_indices = #map}, {transform_indices = #map}, {transform_indices = #map}, {transform_indices = #map}, {transform_indices = #map1}]} {
    %mul3A = arith.constant 632 : i32
    %mul3A_0 = arith.muli %arg1, %mul3A : i32
    %eq3A = arith.constant 0 : i32
    %eq3A_1 = arith.cmpi eq, %arg0, %eq3A : i32
    %jit3A = arith.constant 160 : i32
    %jit3A_2 = arith.constant 0 : i32
    %select_n3A = arith.select %eq3A_1, %jit3A, %jit3A_2 : i32
    "tpu.region"() ({
      %run_scoped3A = tpu.sem_alloc : memref<!tpu.dma_semaphore, #tpu.memory_space<semaphore_mem>>
      %dma_start3A = arith.constant 0 : i32
      %dma_start3A_41 = tpu.memref_slice %arg12[%mul3A_0, %dma_start3A] : memref<10112x128xf32, #tpu.memory_space<vmem_shared>> -> memref<632x128xf32, #tpu.memory_space<vmem_shared>>
      %dma_start3A_42 = arith.constant 0 : i32
      %dma_start3A_43 = tpu.memref_slice %arg5[%mul3A_0, %dma_start3A_42] : memref<10112x128xf32, #tpu.memory_space<hbm>> -> memref<632x128xf32, #tpu.memory_space<hbm>>
      tpu.enqueue_dma source(%dma_start3A_43 : memref<632x128xf32, #tpu.memory_space<hbm>>) target(%dma_start3A_41 : memref<632x128xf32, #tpu.memory_space<vmem_shared>>) target_semaphore(%run_scoped3A : memref<!tpu.dma_semaphore, #tpu.memory_space<semaphore_mem>>)
      %dma_wait3A = arith.constant 0 : i32
      %dma_wait3A_44 = tpu.memref_slice %arg12[%mul3A_0, %dma_wait3A] : memref<10112x128xf32, #tpu.memory_space<vmem_shared>> -> memref<632x128xf32, #tpu.memory_space<vmem_shared>>
      %dma_wait3A_45 = arith.constant 0 : i32
      %dma_wait3A_46 = tpu.memref_slice %arg5[%mul3A_0, %dma_wait3A_45] : memref<10112x128xf32, #tpu.memory_space<hbm>> -> memref<632x128xf32, #tpu.memory_space<hbm>>
      tpu.wait_dma2 semaphore(%run_scoped3A : memref<!tpu.dma_semaphore, #tpu.memory_space<semaphore_mem>>) src(%dma_wait3A_46 : memref<632x128xf32, #tpu.memory_space<hbm>>) dst(%dma_wait3A_44 : memref<632x128xf32, #tpu.memory_space<vmem_shared>>)
      tpu.yield
    }) : () -> ()
    %barrier3A = arith.constant 0 : index
    tpu.barrier barrier_id(%barrier3A)
    %eq3A_3 = arith.constant 0 : i32
    %eq3A_4 = arith.cmpi eq, %arg0, %eq3A_3 : i32
    %mul3A_5 = arith.constant 160 : i32
    %mul3A_6 = arith.muli %arg1, %mul3A_5 : i32
    %mul3A_7 = arith.constant 0 : i32
    %mul3A_8 = arith.muli %arg1, %mul3A_7 : i32
    %add3A = arith.constant 2560 : i32
    %add3A_9 = arith.addi %add3A, %mul3A_8 : i32
    %select_n3A_10 = arith.select %eq3A_4, %mul3A_6, %add3A_9 : i32
    %ge3A = arith.constant 2 : i32
    %ge3A_11 = arith.cmpi sge, %select_n3A, %ge3A : i32
    %convert_element_type3A = arith.extui %ge3A_11 : i1 to i32
    %cond3A = arith.constant 0 : i32
    %cond3A_12 = arith.cmpi ne, %convert_element_type3A, %cond3A : i32
    scf.if %cond3A_12 {
      %add3A_41 = arith.constant 0 : i32
      %add3A_42 = arith.addi %select_n3A_10, %add3A_41 : i32
      "tpu.region"() ({
        %run_scoped3A = tpu.sem_alloc : memref<!tpu.dma_semaphore, #tpu.memory_space<semaphore_mem>>
        %dma_start3A_64 = arith.constant 0 : i32
        %dma_start3A_65 = tpu.memref_slice %arg3[%add3A_42, %dma_start3A_64] : memref<2560x128xi32, #tpu.memory_space<hbm>> -> memref<1x128xi32, #tpu.memory_space<hbm>>
        %dma_start3A_66 = tpu.memref_squeeze %dma_start3A_65 : memref<1x128xi32, #tpu.memory_space<hbm>> -> memref<128xi32, #tpu.memory_space<hbm>>
        %dma_start3A_67 = arith.constant 0 : i32
        %dma_start3A_68 = tpu.memref_slice %arg3[%add3A_42, %dma_start3A_67] : memref<2560x128xi32, #tpu.memory_space<hbm>> -> memref<1x128xi32, #tpu.memory_space<hbm>>
        %dma_start3A_69 = tpu.memref_squeeze %dma_start3A_68 : memref<1x128xi32, #tpu.memory_space<hbm>> -> memref<128xi32, #tpu.memory_space<hbm>>
        tpu.enqueue_dma source(%dma_start3A_69 : memref<128xi32, #tpu.memory_space<hbm>>) target(%arg7 : memref<128xi32, #tpu.memory_space<vmem>>) target_semaphore(%run_scoped3A : memref<!tpu.dma_semaphore, #tpu.memory_space<semaphore_mem>>)
        %dma_wait3A = arith.constant 0 : i32
        %dma_wait3A_70 = tpu.memref_slice %arg3[%add3A_42, %dma_wait3A] : memref<2560x128xi32, #tpu.memory_space<hbm>> -> memref<1x128xi32, #tpu.memory_space<hbm>>
        %dma_wait3A_71 = tpu.memref_squeeze %dma_wait3A_70 : memref<1x128xi32, #tpu.memory_space<hbm>> -> memref<128xi32, #tpu.memory_space<hbm>>
        %dma_wait3A_72 = arith.constant 0 : i32
        %dma_wait3A_73 = tpu.memref_slice %arg3[%add3A_42, %dma_wait3A_72] : memref<2560x128xi32, #tpu.memory_space<hbm>> -> memref<1x128xi32, #tpu.memory_space<hbm>>
        %dma_wait3A_74 = tpu.memref_squeeze %dma_wait3A_73 : memref<1x128xi32, #tpu.memory_space<hbm>> -> memref<128xi32, #tpu.memory_space<hbm>>
        tpu.wait_dma2 semaphore(%run_scoped3A : memref<!tpu.dma_semaphore, #tpu.memory_space<semaphore_mem>>) src(%dma_wait3A_74 : memref<128xi32, #tpu.memory_space<hbm>>) dst(%arg7 : memref<128xi32, #tpu.memory_space<vmem>>)
        tpu.yield
      }) : () -> ()
      %add3A_43 = arith.constant 0 : i32
      %add3A_44 = arith.addi %select_n3A_10, %add3A_43 : i32
      "tpu.region"() ({
        %run_scoped3A = tpu.sem_alloc : memref<!tpu.dma_semaphore, #tpu.memory_space<semaphore_mem>>
        %dma_start3A_64 = arith.constant 0 : i32
        %dma_start3A_65 = tpu.memref_slice %arg4[%add3A_44, %dma_start3A_64] : memref<2560x128xi32, #tpu.memory_space<hbm>> -> memref<1x128xi32, #tpu.memory_space<hbm>>
        %dma_start3A_66 = tpu.memref_squeeze %dma_start3A_65 : memref<1x128xi32, #tpu.memory_space<hbm>> -> memref<128xi32, #tpu.memory_space<hbm>>
        %dma_start3A_67 = arith.constant 0 : i32
        %dma_start3A_68 = tpu.memref_slice %arg4[%add3A_44, %dma_start3A_67] : memref<2560x128xi32, #tpu.memory_space<hbm>> -> memref<1x128xi32, #tpu.memory_space<hbm>>
        %dma_start3A_69 = tpu.memref_squeeze %dma_start3A_68 : memref<1x128xi32, #tpu.memory_space<hbm>> -> memref<128xi32, #tpu.memory_space<hbm>>
        tpu.enqueue_dma source(%dma_start3A_69 : memref<128xi32, #tpu.memory_space<hbm>>) target(%arg9 : memref<128xi32, #tpu.memory_space<vmem>>) target_semaphore(%run_scoped3A : memref<!tpu.dma_semaphore, #tpu.memory_space<semaphore_mem>>)
        %dma_wait3A = arith.constant 0 : i32
        %dma_wait3A_70 = tpu.memref_slice %arg4[%add3A_44, %dma_wait3A] : memref<2560x128xi32, #tpu.memory_space<hbm>> -> memref<1x128xi32, #tpu.memory_space<hbm>>
        %dma_wait3A_71 = tpu.memref_squeeze %dma_wait3A_70 : memref<1x128xi32, #tpu.memory_space<hbm>> -> memref<128xi32, #tpu.memory_space<hbm>>
        %dma_wait3A_72 = arith.constant 0 : i32
        %dma_wait3A_73 = tpu.memref_slice %arg4[%add3A_44, %dma_wait3A_72] : memref<2560x128xi32, #tpu.memory_space<hbm>> -> memref<1x128xi32, #tpu.memory_space<hbm>>
        %dma_wait3A_74 = tpu.memref_squeeze %dma_wait3A_73 : memref<1x128xi32, #tpu.memory_space<hbm>> -> memref<128xi32, #tpu.memory_space<hbm>>
        tpu.wait_dma2 semaphore(%run_scoped3A : memref<!tpu.dma_semaphore, #tpu.memory_space<semaphore_mem>>) src(%dma_wait3A_74 : memref<128xi32, #tpu.memory_space<hbm>>) dst(%arg9 : memref<128xi32, #tpu.memory_space<vmem>>)
        tpu.yield
      }) : () -> ()
      %dma_start3A = arith.constant 0 : i32
      %dma_start3A_45 = arith.constant 0 : i32
      %dma_start3A_46 = arith.constant 0 : i32
      %dma_start3A_47 = tpu.memref_slice %arg11[%dma_start3A, %dma_start3A_45, %dma_start3A_46] : memref<2x128x128xf32, #tpu.memory_space<vmem>> -> memref<1x128x128xf32, #tpu.memory_space<vmem>>
      %dma_start3A_48 = tpu.memref_squeeze %dma_start3A_47 : memref<1x128x128xf32, #tpu.memory_space<vmem>> -> memref<128x128xf32, #tpu.memory_space<vmem>>
      %dma_start3A_49 = arith.constant 0 : i32
      %dma_start3A_50 = arith.constant 0 : i32
      %dma_start3A_51 = tpu.memref_slice %arg2[%dma_start3A_49, %dma_start3A_50] : memref<40000x128xf32, #tpu.memory_space<hbm>> -> memref<40000x128xf32, #tpu.memory_space<hbm>>
      tpu.enqueue_indirect_dma source(%dma_start3A_51 : memref<40000x128xf32, #tpu.memory_space<hbm>>) target(%dma_start3A_48 : memref<128x128xf32, #tpu.memory_space<vmem>>) offsets(%arg7 : memref<128xi32, #tpu.memory_space<vmem>>) semaphore(%arg13 : memref<!tpu.dma_semaphore, #tpu.memory_space<semaphore_mem>>)
      %add3A_52 = arith.constant 1 : i32
      %add3A_53 = arith.addi %select_n3A_10, %add3A_52 : i32
      "tpu.region"() ({
        %run_scoped3A = tpu.sem_alloc : memref<!tpu.dma_semaphore, #tpu.memory_space<semaphore_mem>>
        %dma_start3A_64 = arith.constant 0 : i32
        %dma_start3A_65 = tpu.memref_slice %arg3[%add3A_53, %dma_start3A_64] : memref<2560x128xi32, #tpu.memory_space<hbm>> -> memref<1x128xi32, #tpu.memory_space<hbm>>
        %dma_start3A_66 = tpu.memref_squeeze %dma_start3A_65 : memref<1x128xi32, #tpu.memory_space<hbm>> -> memref<128xi32, #tpu.memory_space<hbm>>
        %dma_start3A_67 = arith.constant 0 : i32
        %dma_start3A_68 = tpu.memref_slice %arg3[%add3A_53, %dma_start3A_67] : memref<2560x128xi32, #tpu.memory_space<hbm>> -> memref<1x128xi32, #tpu.memory_space<hbm>>
        %dma_start3A_69 = tpu.memref_squeeze %dma_start3A_68 : memref<1x128xi32, #tpu.memory_space<hbm>> -> memref<128xi32, #tpu.memory_space<hbm>>
        tpu.enqueue_dma source(%dma_start3A_69 : memref<128xi32, #tpu.memory_space<hbm>>) target(%arg8 : memref<128xi32, #tpu.memory_space<vmem>>) target_semaphore(%run_scoped3A : memref<!tpu.dma_semaphore, #tpu.memory_space<semaphore_mem>>)
        %dma_wait3A = arith.constant 0 : i32
        %dma_wait3A_70 = tpu.memref_slice %arg3[%add3A_53, %dma_wait3A] : memref<2560x128xi32, #tpu.memory_space<hbm>> -> memref<1x128xi32, #tpu.memory_space<hbm>>
        %dma_wait3A_71 = tpu.memref_squeeze %dma_wait3A_70 : memref<1x128xi32, #tpu.memory_space<hbm>> -> memref<128xi32, #tpu.memory_space<hbm>>
        %dma_wait3A_72 = arith.constant 0 : i32
        %dma_wait3A_73 = tpu.memref_slice %arg3[%add3A_53, %dma_wait3A_72] : memref<2560x128xi32, #tpu.memory_space<hbm>> -> memref<1x128xi32, #tpu.memory_space<hbm>>
        %dma_wait3A_74 = tpu.memref_squeeze %dma_wait3A_73 : memref<1x128xi32, #tpu.memory_space<hbm>> -> memref<128xi32, #tpu.memory_space<hbm>>
        tpu.wait_dma2 semaphore(%run_scoped3A : memref<!tpu.dma_semaphore, #tpu.memory_space<semaphore_mem>>) src(%dma_wait3A_74 : memref<128xi32, #tpu.memory_space<hbm>>) dst(%arg8 : memref<128xi32, #tpu.memory_space<vmem>>)
        tpu.yield
      }) : () -> ()
      %add3A_54 = arith.constant 1 : i32
      %add3A_55 = arith.addi %select_n3A_10, %add3A_54 : i32
      "tpu.region"() ({
        %run_scoped3A = tpu.sem_alloc : memref<!tpu.dma_semaphore, #tpu.memory_space<semaphore_mem>>
        %dma_start3A_64 = arith.constant 0 : i32
        %dma_start3A_65 = tpu.memref_slice %arg4[%add3A_55, %dma_start3A_64] : memref<2560x128xi32, #tpu.memory_space<hbm>> -> memref<1x128xi32, #tpu.memory_space<hbm>>
        %dma_start3A_66 = tpu.memref_squeeze %dma_start3A_65 : memref<1x128xi32, #tpu.memory_space<hbm>> -> memref<128xi32, #tpu.memory_space<hbm>>
        %dma_start3A_67 = arith.constant 0 : i32
        %dma_start3A_68 = tpu.memref_slice %arg4[%add3A_55, %dma_start3A_67] : memref<2560x128xi32, #tpu.memory_space<hbm>> -> memref<1x128xi32, #tpu.memory_space<hbm>>
        %dma_start3A_69 = tpu.memref_squeeze %dma_start3A_68 : memref<1x128xi32, #tpu.memory_space<hbm>> -> memref<128xi32, #tpu.memory_space<hbm>>
        tpu.enqueue_dma source(%dma_start3A_69 : memref<128xi32, #tpu.memory_space<hbm>>) target(%arg10 : memref<128xi32, #tpu.memory_space<vmem>>) target_semaphore(%run_scoped3A : memref<!tpu.dma_semaphore, #tpu.memory_space<semaphore_mem>>)
        %dma_wait3A = arith.constant 0 : i32
        %dma_wait3A_70 = tpu.memref_slice %arg4[%add3A_55, %dma_wait3A] : memref<2560x128xi32, #tpu.memory_space<hbm>> -> memref<1x128xi32, #tpu.memory_space<hbm>>
        %dma_wait3A_71 = tpu.memref_squeeze %dma_wait3A_70 : memref<1x128xi32, #tpu.memory_space<hbm>> -> memref<128xi32, #tpu.memory_space<hbm>>
        %dma_wait3A_72 = arith.constant 0 : i32
        %dma_wait3A_73 = tpu.memref_slice %arg4[%add3A_55, %dma_wait3A_72] : memref<2560x128xi32, #tpu.memory_space<hbm>> -> memref<1x128xi32, #tpu.memory_space<hbm>>
        %dma_wait3A_74 = tpu.memref_squeeze %dma_wait3A_73 : memref<1x128xi32, #tpu.memory_space<hbm>> -> memref<128xi32, #tpu.memory_space<hbm>>
        tpu.wait_dma2 semaphore(%run_scoped3A : memref<!tpu.dma_semaphore, #tpu.memory_space<semaphore_mem>>) src(%dma_wait3A_74 : memref<128xi32, #tpu.memory_space<hbm>>) dst(%arg10 : memref<128xi32, #tpu.memory_space<vmem>>)
        tpu.yield
      }) : () -> ()
      %dma_start3A_56 = arith.constant 1 : i32
      %dma_start3A_57 = arith.constant 0 : i32
      %dma_start3A_58 = arith.constant 0 : i32
      %dma_start3A_59 = tpu.memref_slice %arg11[%dma_start3A_56, %dma_start3A_57, %dma_start3A_58] : memref<2x128x128xf32, #tpu.memory_space<vmem>> -> memref<1x128x128xf32, #tpu.memory_space<vmem>>
      %dma_start3A_60 = tpu.memref_squeeze %dma_start3A_59 : memref<1x128x128xf32, #tpu.memory_space<vmem>> -> memref<128x128xf32, #tpu.memory_space<vmem>>
      %dma_start3A_61 = arith.constant 0 : i32
      %dma_start3A_62 = arith.constant 0 : i32
      %dma_start3A_63 = tpu.memref_slice %arg2[%dma_start3A_61, %dma_start3A_62] : memref<40000x128xf32, #tpu.memory_space<hbm>> -> memref<40000x128xf32, #tpu.memory_space<hbm>>
      tpu.enqueue_indirect_dma source(%dma_start3A_63 : memref<40000x128xf32, #tpu.memory_space<hbm>>) target(%dma_start3A_60 : memref<128x128xf32, #tpu.memory_space<vmem>>) offsets(%arg8 : memref<128xi32, #tpu.memory_space<vmem>>) semaphore(%arg14 : memref<!tpu.dma_semaphore, #tpu.memory_space<semaphore_mem>>)
    } else {
    }
    %jit3A_13 = arith.constant 2 : i32
    %div3A = arith.divsi %select_n3A, %jit3A_13 : i32
    %sign3A = arith.constant 0 : i32
    %sign3A_14 = arith.cmpi sgt, %select_n3A, %sign3A : i32
    %sign3A_15 = arith.extui %sign3A_14 : i1 to i32
    %sign3A_16 = arith.constant 0 : i32
    %sign3A_17 = arith.cmpi slt, %select_n3A, %sign3A_16 : i32
    %sign3A_18 = arith.extui %sign3A_17 : i1 to i32
    %sign3A_19 = arith.subi %sign3A_15, %sign3A_18 : i32
    %sign3A_20 = arith.constant 0 : i32
    %sign3A_21 = arith.cmpi sgt, %jit3A_13, %sign3A_20 : i32
    %sign3A_22 = arith.extui %sign3A_21 : i1 to i32
    %sign3A_23 = arith.constant 0 : i32
    %sign3A_24 = arith.cmpi slt, %jit3A_13, %sign3A_23 : i32
    %sign3A_25 = arith.extui %sign3A_24 : i1 to i32
    %sign3A_26 = arith.subi %sign3A_22, %sign3A_25 : i32
    %ne3A = arith.cmpi ne, %sign3A_19, %sign3A_26 : i32
    %rem3A = arith.remsi %select_n3A, %jit3A_13 : i32
    %ne3A_27 = arith.constant 0 : i32
    %ne3A_28 = arith.cmpi ne, %rem3A, %ne3A_27 : i32
    %and3A = arith.andi %ne3A, %ne3A_28 : i1
    %sub3A = arith.constant 1 : i32
    %sub3A_29 = arith.subi %div3A, %sub3A : i32
    %select_n3A_30 = arith.select %and3A, %sub3A_29, %div3A : i32
    %while3A = arith.constant 0 : i32
    %while3A_31 = arith.constant 0 : i32
    %while3A_32 = arith.subi %select_n3A_30, %while3A_31 : i32
    %while3A_33 = arith.addi %while3A_31, %while3A_32 : i32
    %while3A_34 = arith.constant 1 : i32
    %while3A_35 = arith.divsi %while3A_32, %while3A_34 : i32
    %while3A_36 = arith.muli %while3A_35, %while3A_34 : i32
    %while3A_37 = arith.addi %while3A_31, %while3A_36 : i32
    %while3A_38 = arith.constant 1 : i32
    scf.for %while3A_41 = %while3A_31 to %while3A_37 step %while3A_38  : i32 {
      %mul3A_42 = arith.constant 2 : i32
      %mul3A_43 = arith.muli %mul3A_42, %while3A_41 : i32
      %add3A_44 = arith.constant 0 : i32
      %add3A_45 = arith.addi %mul3A_43, %add3A_44 : i32
      %dma_wait3A = arith.constant 0 : i32
      %dma_wait3A_46 = arith.constant 0 : i32
      %dma_wait3A_47 = arith.constant 0 : i32
      %dma_wait3A_48 = tpu.memref_slice %arg11[%dma_wait3A, %dma_wait3A_46, %dma_wait3A_47] : memref<2x128x128xf32, #tpu.memory_space<vmem>> -> memref<1x128x128xf32, #tpu.memory_space<vmem>>
      %dma_wait3A_49 = tpu.memref_squeeze %dma_wait3A_48 : memref<1x128x128xf32, #tpu.memory_space<vmem>> -> memref<128x128xf32, #tpu.memory_space<vmem>>
      %dma_wait3A_50 = arith.constant 0 : i32
      %dma_wait3A_51 = arith.constant 0 : i32
      %dma_wait3A_52 = tpu.memref_slice %arg2[%dma_wait3A_50, %dma_wait3A_51] : memref<40000x128xf32, #tpu.memory_space<hbm>> -> memref<40000x128xf32, #tpu.memory_space<hbm>>
      tpu.wait_indirect_dma semaphore(%arg13 : memref<!tpu.dma_semaphore, #tpu.memory_space<semaphore_mem>>) src(%dma_wait3A_52 : memref<40000x128xf32, #tpu.memory_space<hbm>>) dst(%dma_wait3A_49 : memref<128x128xf32, #tpu.memory_space<vmem>>)
      %dma_start3A = arith.constant 0 : i32
      %dma_start3A_53 = arith.constant 0 : i32
      %dma_start3A_54 = arith.constant 0 : i32
      %dma_start3A_55 = tpu.memref_slice %arg11[%dma_start3A, %dma_start3A_53, %dma_start3A_54] : memref<2x128x128xf32, #tpu.memory_space<vmem>> -> memref<1x128x128xf32, #tpu.memory_space<vmem>>
      %dma_start3A_56 = tpu.memref_squeeze %dma_start3A_55 : memref<1x128x128xf32, #tpu.memory_space<vmem>> -> memref<128x128xf32, #tpu.memory_space<vmem>>
      %dma_start3A_57 = arith.constant 0 : i32
      %dma_start3A_58 = arith.constant 0 : i32
      %dma_start3A_59 = tpu.memref_slice %arg12[%dma_start3A_57, %dma_start3A_58] : memref<10112x128xf32, #tpu.memory_space<vmem_shared>> -> memref<10112x128xf32, #tpu.memory_space<vmem_shared>>
      tpu.enqueue_indirect_dma source(%dma_start3A_56 : memref<128x128xf32, #tpu.memory_space<vmem>>) target(%dma_start3A_59 : memref<10112x128xf32, #tpu.memory_space<vmem_shared>>) offsets(%arg9 : memref<128xi32, #tpu.memory_space<vmem>>) semaphore(%arg15 : memref<!tpu.dma_semaphore, #tpu.memory_space<semaphore_mem>>) {add = true}
      %dma_wait3A_60 = arith.constant 0 : i32
      %dma_wait3A_61 = arith.constant 0 : i32
      %dma_wait3A_62 = arith.constant 0 : i32
      %dma_wait3A_63 = tpu.memref_slice %arg11[%dma_wait3A_60, %dma_wait3A_61, %dma_wait3A_62] : memref<2x128x128xf32, #tpu.memory_space<vmem>> -> memref<1x128x128xf32, #tpu.memory_space<vmem>>
      %dma_wait3A_64 = tpu.memref_squeeze %dma_wait3A_63 : memref<1x128x128xf32, #tpu.memory_space<vmem>> -> memref<128x128xf32, #tpu.memory_space<vmem>>
      %dma_wait3A_65 = arith.constant 0 : i32
      %dma_wait3A_66 = arith.constant 0 : i32
      %dma_wait3A_67 = tpu.memref_slice %arg12[%dma_wait3A_65, %dma_wait3A_66] : memref<10112x128xf32, #tpu.memory_space<vmem_shared>> -> memref<10112x128xf32, #tpu.memory_space<vmem_shared>>
      tpu.wait_indirect_dma semaphore(%arg15 : memref<!tpu.dma_semaphore, #tpu.memory_space<semaphore_mem>>) src(%dma_wait3A_64 : memref<128x128xf32, #tpu.memory_space<vmem>>) dst(%dma_wait3A_67 : memref<10112x128xf32, #tpu.memory_space<vmem_shared>>)
      %add3A_68 = arith.constant 2 : i32
      %add3A_69 = arith.addi %add3A_45, %add3A_68 : i32
      %lt3A = arith.cmpi slt, %add3A_69, %select_n3A : i32
      %convert_element_type3A_70 = arith.extui %lt3A : i1 to i32
      %cond3A_71 = arith.constant 0 : i32
      %cond3A_72 = arith.cmpi ne, %convert_element_type3A_70, %cond3A_71 : i32
      scf.if %cond3A_72 {
        %add3A_107 = arith.addi %select_n3A_10, %add3A_45 : i32
        %add3A_108 = arith.constant 2 : i32
        %add3A_109 = arith.addi %add3A_107, %add3A_108 : i32
        "tpu.region"() ({
          %run_scoped3A = tpu.sem_alloc : memref<!tpu.dma_semaphore, #tpu.memory_space<semaphore_mem>>
          %dma_start3A_121 = arith.constant 0 : i32
          %dma_start3A_122 = tpu.memref_slice %arg3[%add3A_109, %dma_start3A_121] : memref<2560x128xi32, #tpu.memory_space<hbm>> -> memref<1x128xi32, #tpu.memory_space<hbm>>
          %dma_start3A_123 = tpu.memref_squeeze %dma_start3A_122 : memref<1x128xi32, #tpu.memory_space<hbm>> -> memref<128xi32, #tpu.memory_space<hbm>>
          %dma_start3A_124 = arith.constant 0 : i32
          %dma_start3A_125 = tpu.memref_slice %arg3[%add3A_109, %dma_start3A_124] : memref<2560x128xi32, #tpu.memory_space<hbm>> -> memref<1x128xi32, #tpu.memory_space<hbm>>
          %dma_start3A_126 = tpu.memref_squeeze %dma_start3A_125 : memref<1x128xi32, #tpu.memory_space<hbm>> -> memref<128xi32, #tpu.memory_space<hbm>>
          tpu.enqueue_dma source(%dma_start3A_126 : memref<128xi32, #tpu.memory_space<hbm>>) target(%arg7 : memref<128xi32, #tpu.memory_space<vmem>>) target_semaphore(%run_scoped3A : memref<!tpu.dma_semaphore, #tpu.memory_space<semaphore_mem>>)
          %dma_wait3A_127 = arith.constant 0 : i32
          %dma_wait3A_128 = tpu.memref_slice %arg3[%add3A_109, %dma_wait3A_127] : memref<2560x128xi32, #tpu.memory_space<hbm>> -> memref<1x128xi32, #tpu.memory_space<hbm>>
          %dma_wait3A_129 = tpu.memref_squeeze %dma_wait3A_128 : memref<1x128xi32, #tpu.memory_space<hbm>> -> memref<128xi32, #tpu.memory_space<hbm>>
          %dma_wait3A_130 = arith.constant 0 : i32
          %dma_wait3A_131 = tpu.memref_slice %arg3[%add3A_109, %dma_wait3A_130] : memref<2560x128xi32, #tpu.memory_space<hbm>> -> memref<1x128xi32, #tpu.memory_space<hbm>>
          %dma_wait3A_132 = tpu.memref_squeeze %dma_wait3A_131 : memref<1x128xi32, #tpu.memory_space<hbm>> -> memref<128xi32, #tpu.memory_space<hbm>>
          tpu.wait_dma2 semaphore(%run_scoped3A : memref<!tpu.dma_semaphore, #tpu.memory_space<semaphore_mem>>) src(%dma_wait3A_132 : memref<128xi32, #tpu.memory_space<hbm>>) dst(%arg7 : memref<128xi32, #tpu.memory_space<vmem>>)
          tpu.yield
        }) : () -> ()
        %add3A_110 = arith.addi %select_n3A_10, %add3A_45 : i32
        %add3A_111 = arith.constant 2 : i32
        %add3A_112 = arith.addi %add3A_110, %add3A_111 : i32
        "tpu.region"() ({
          %run_scoped3A = tpu.sem_alloc : memref<!tpu.dma_semaphore, #tpu.memory_space<semaphore_mem>>
          %dma_start3A_121 = arith.constant 0 : i32
          %dma_start3A_122 = tpu.memref_slice %arg4[%add3A_112, %dma_start3A_121] : memref<2560x128xi32, #tpu.memory_space<hbm>> -> memref<1x128xi32, #tpu.memory_space<hbm>>
          %dma_start3A_123 = tpu.memref_squeeze %dma_start3A_122 : memref<1x128xi32, #tpu.memory_space<hbm>> -> memref<128xi32, #tpu.memory_space<hbm>>
          %dma_start3A_124 = arith.constant 0 : i32
          %dma_start3A_125 = tpu.memref_slice %arg4[%add3A_112, %dma_start3A_124] : memref<2560x128xi32, #tpu.memory_space<hbm>> -> memref<1x128xi32, #tpu.memory_space<hbm>>
          %dma_start3A_126 = tpu.memref_squeeze %dma_start3A_125 : memref<1x128xi32, #tpu.memory_space<hbm>> -> memref<128xi32, #tpu.memory_space<hbm>>
          tpu.enqueue_dma source(%dma_start3A_126 : memref<128xi32, #tpu.memory_space<hbm>>) target(%arg9 : memref<128xi32, #tpu.memory_space<vmem>>) target_semaphore(%run_scoped3A : memref<!tpu.dma_semaphore, #tpu.memory_space<semaphore_mem>>)
          %dma_wait3A_127 = arith.constant 0 : i32
          %dma_wait3A_128 = tpu.memref_slice %arg4[%add3A_112, %dma_wait3A_127] : memref<2560x128xi32, #tpu.memory_space<hbm>> -> memref<1x128xi32, #tpu.memory_space<hbm>>
          %dma_wait3A_129 = tpu.memref_squeeze %dma_wait3A_128 : memref<1x128xi32, #tpu.memory_space<hbm>> -> memref<128xi32, #tpu.memory_space<hbm>>
          %dma_wait3A_130 = arith.constant 0 : i32
          %dma_wait3A_131 = tpu.memref_slice %arg4[%add3A_112, %dma_wait3A_130] : memref<2560x128xi32, #tpu.memory_space<hbm>> -> memref<1x128xi32, #tpu.memory_space<hbm>>
          %dma_wait3A_132 = tpu.memref_squeeze %dma_wait3A_131 : memref<1x128xi32, #tpu.memory_space<hbm>> -> memref<128xi32, #tpu.memory_space<hbm>>
          tpu.wait_dma2 semaphore(%run_scoped3A : memref<!tpu.dma_semaphore, #tpu.memory_space<semaphore_mem>>) src(%dma_wait3A_132 : memref<128xi32, #tpu.memory_space<hbm>>) dst(%arg9 : memref<128xi32, #tpu.memory_space<vmem>>)
          tpu.yield
        }) : () -> ()
        %dma_start3A_113 = arith.constant 0 : i32
        %dma_start3A_114 = arith.constant 0 : i32
        %dma_start3A_115 = arith.constant 0 : i32
        %dma_start3A_116 = tpu.memref_slice %arg11[%dma_start3A_113, %dma_start3A_114, %dma_start3A_115] : memref<2x128x128xf32, #tpu.memory_space<vmem>> -> memref<1x128x128xf32, #tpu.memory_space<vmem>>
        %dma_start3A_117 = tpu.memref_squeeze %dma_start3A_116 : memref<1x128x128xf32, #tpu.memory_space<vmem>> -> memref<128x128xf32, #tpu.memory_space<vmem>>
        %dma_start3A_118 = arith.constant 0 : i32
        %dma_start3A_119 = arith.constant 0 : i32
        %dma_start3A_120 = tpu.memref_slice %arg2[%dma_start3A_118, %dma_start3A_119] : memref<40000x128xf32, #tpu.memory_space<hbm>> -> memref<40000x128xf32, #tpu.memory_space<hbm>>
        tpu.enqueue_indirect_dma source(%dma_start3A_120 : memref<40000x128xf32, #tpu.memory_space<hbm>>) target(%dma_start3A_117 : memref<128x128xf32, #tpu.memory_space<vmem>>) offsets(%arg7 : memref<128xi32, #tpu.memory_space<vmem>>) semaphore(%arg13 : memref<!tpu.dma_semaphore, #tpu.memory_space<semaphore_mem>>)
      } else {
      }
      %mul3A_73 = arith.constant 2 : i32
      %mul3A_74 = arith.muli %mul3A_73, %while3A_41 : i32
      %add3A_75 = arith.constant 1 : i32
      %add3A_76 = arith.addi %mul3A_74, %add3A_75 : i32
      %dma_wait3A_77 = arith.constant 1 : i32
      %dma_wait3A_78 = arith.constant 0 : i32
      %dma_wait3A_79 = arith.constant 0 : i32
      %dma_wait3A_80 = tpu.memref_slice %arg11[%dma_wait3A_77, %dma_wait3A_78, %dma_wait3A_79] : memref<2x128x128xf32, #tpu.memory_space<vmem>> -> memref<1x128x128xf32, #tpu.memory_space<vmem>>
      %dma_wait3A_81 = tpu.memref_squeeze %dma_wait3A_80 : memref<1x128x128xf32, #tpu.memory_space<vmem>> -> memref<128x128xf32, #tpu.memory_space<vmem>>
      %dma_wait3A_82 = arith.constant 0 : i32
      %dma_wait3A_83 = arith.constant 0 : i32
      %dma_wait3A_84 = tpu.memref_slice %arg2[%dma_wait3A_82, %dma_wait3A_83] : memref<40000x128xf32, #tpu.memory_space<hbm>> -> memref<40000x128xf32, #tpu.memory_space<hbm>>
      tpu.wait_indirect_dma semaphore(%arg14 : memref<!tpu.dma_semaphore, #tpu.memory_space<semaphore_mem>>) src(%dma_wait3A_84 : memref<40000x128xf32, #tpu.memory_space<hbm>>) dst(%dma_wait3A_81 : memref<128x128xf32, #tpu.memory_space<vmem>>)
      %dma_start3A_85 = arith.constant 1 : i32
      %dma_start3A_86 = arith.constant 0 : i32
      %dma_start3A_87 = arith.constant 0 : i32
      %dma_start3A_88 = tpu.memref_slice %arg11[%dma_start3A_85, %dma_start3A_86, %dma_start3A_87] : memref<2x128x128xf32, #tpu.memory_space<vmem>> -> memref<1x128x128xf32, #tpu.memory_space<vmem>>
      %dma_start3A_89 = tpu.memref_squeeze %dma_start3A_88 : memref<1x128x128xf32, #tpu.memory_space<vmem>> -> memref<128x128xf32, #tpu.memory_space<vmem>>
      %dma_start3A_90 = arith.constant 0 : i32
      %dma_start3A_91 = arith.constant 0 : i32
      %dma_start3A_92 = tpu.memref_slice %arg12[%dma_start3A_90, %dma_start3A_91] : memref<10112x128xf32, #tpu.memory_space<vmem_shared>> -> memref<10112x128xf32, #tpu.memory_space<vmem_shared>>
      tpu.enqueue_indirect_dma source(%dma_start3A_89 : memref<128x128xf32, #tpu.memory_space<vmem>>) target(%dma_start3A_92 : memref<10112x128xf32, #tpu.memory_space<vmem_shared>>) offsets(%arg10 : memref<128xi32, #tpu.memory_space<vmem>>) semaphore(%arg16 : memref<!tpu.dma_semaphore, #tpu.memory_space<semaphore_mem>>) {add = true}
      %dma_wait3A_93 = arith.constant 1 : i32
      %dma_wait3A_94 = arith.constant 0 : i32
      %dma_wait3A_95 = arith.constant 0 : i32
      %dma_wait3A_96 = tpu.memref_slice %arg11[%dma_wait3A_93, %dma_wait3A_94, %dma_wait3A_95] : memref<2x128x128xf32, #tpu.memory_space<vmem>> -> memref<1x128x128xf32, #tpu.memory_space<vmem>>
      %dma_wait3A_97 = tpu.memref_squeeze %dma_wait3A_96 : memref<1x128x128xf32, #tpu.memory_space<vmem>> -> memref<128x128xf32, #tpu.memory_space<vmem>>
      %dma_wait3A_98 = arith.constant 0 : i32
      %dma_wait3A_99 = arith.constant 0 : i32
      %dma_wait3A_100 = tpu.memref_slice %arg12[%dma_wait3A_98, %dma_wait3A_99] : memref<10112x128xf32, #tpu.memory_space<vmem_shared>> -> memref<10112x128xf32, #tpu.memory_space<vmem_shared>>
      tpu.wait_indirect_dma semaphore(%arg16 : memref<!tpu.dma_semaphore, #tpu.memory_space<semaphore_mem>>) src(%dma_wait3A_97 : memref<128x128xf32, #tpu.memory_space<vmem>>) dst(%dma_wait3A_100 : memref<10112x128xf32, #tpu.memory_space<vmem_shared>>)
      %add3A_101 = arith.constant 2 : i32
      %add3A_102 = arith.addi %add3A_76, %add3A_101 : i32
      %lt3A_103 = arith.cmpi slt, %add3A_102, %select_n3A : i32
      %convert_element_type3A_104 = arith.extui %lt3A_103 : i1 to i32
      %cond3A_105 = arith.constant 0 : i32
      %cond3A_106 = arith.cmpi ne, %convert_element_type3A_104, %cond3A_105 : i32
      scf.if %cond3A_106 {
        %add3A_107 = arith.addi %select_n3A_10, %add3A_76 : i32
        %add3A_108 = arith.constant 2 : i32
        %add3A_109 = arith.addi %add3A_107, %add3A_108 : i32
        "tpu.region"() ({
          %run_scoped3A = tpu.sem_alloc : memref<!tpu.dma_semaphore, #tpu.memory_space<semaphore_mem>>
          %dma_start3A_121 = arith.constant 0 : i32
          %dma_start3A_122 = tpu.memref_slice %arg3[%add3A_109, %dma_start3A_121] : memref<2560x128xi32, #tpu.memory_space<hbm>> -> memref<1x128xi32, #tpu.memory_space<hbm>>
          %dma_start3A_123 = tpu.memref_squeeze %dma_start3A_122 : memref<1x128xi32, #tpu.memory_space<hbm>> -> memref<128xi32, #tpu.memory_space<hbm>>
          %dma_start3A_124 = arith.constant 0 : i32
          %dma_start3A_125 = tpu.memref_slice %arg3[%add3A_109, %dma_start3A_124] : memref<2560x128xi32, #tpu.memory_space<hbm>> -> memref<1x128xi32, #tpu.memory_space<hbm>>
          %dma_start3A_126 = tpu.memref_squeeze %dma_start3A_125 : memref<1x128xi32, #tpu.memory_space<hbm>> -> memref<128xi32, #tpu.memory_space<hbm>>
          tpu.enqueue_dma source(%dma_start3A_126 : memref<128xi32, #tpu.memory_space<hbm>>) target(%arg8 : memref<128xi32, #tpu.memory_space<vmem>>) target_semaphore(%run_scoped3A : memref<!tpu.dma_semaphore, #tpu.memory_space<semaphore_mem>>)
          %dma_wait3A_127 = arith.constant 0 : i32
          %dma_wait3A_128 = tpu.memref_slice %arg3[%add3A_109, %dma_wait3A_127] : memref<2560x128xi32, #tpu.memory_space<hbm>> -> memref<1x128xi32, #tpu.memory_space<hbm>>
          %dma_wait3A_129 = tpu.memref_squeeze %dma_wait3A_128 : memref<1x128xi32, #tpu.memory_space<hbm>> -> memref<128xi32, #tpu.memory_space<hbm>>
          %dma_wait3A_130 = arith.constant 0 : i32
          %dma_wait3A_131 = tpu.memref_slice %arg3[%add3A_109, %dma_wait3A_130] : memref<2560x128xi32, #tpu.memory_space<hbm>> -> memref<1x128xi32, #tpu.memory_space<hbm>>
          %dma_wait3A_132 = tpu.memref_squeeze %dma_wait3A_131 : memref<1x128xi32, #tpu.memory_space<hbm>> -> memref<128xi32, #tpu.memory_space<hbm>>
          tpu.wait_dma2 semaphore(%run_scoped3A : memref<!tpu.dma_semaphore, #tpu.memory_space<semaphore_mem>>) src(%dma_wait3A_132 : memref<128xi32, #tpu.memory_space<hbm>>) dst(%arg8 : memref<128xi32, #tpu.memory_space<vmem>>)
          tpu.yield
        }) : () -> ()
        %add3A_110 = arith.addi %select_n3A_10, %add3A_76 : i32
        %add3A_111 = arith.constant 2 : i32
        %add3A_112 = arith.addi %add3A_110, %add3A_111 : i32
        "tpu.region"() ({
          %run_scoped3A = tpu.sem_alloc : memref<!tpu.dma_semaphore, #tpu.memory_space<semaphore_mem>>
          %dma_start3A_121 = arith.constant 0 : i32
          %dma_start3A_122 = tpu.memref_slice %arg4[%add3A_112, %dma_start3A_121] : memref<2560x128xi32, #tpu.memory_space<hbm>> -> memref<1x128xi32, #tpu.memory_space<hbm>>
          %dma_start3A_123 = tpu.memref_squeeze %dma_start3A_122 : memref<1x128xi32, #tpu.memory_space<hbm>> -> memref<128xi32, #tpu.memory_space<hbm>>
          %dma_start3A_124 = arith.constant 0 : i32
          %dma_start3A_125 = tpu.memref_slice %arg4[%add3A_112, %dma_start3A_124] : memref<2560x128xi32, #tpu.memory_space<hbm>> -> memref<1x128xi32, #tpu.memory_space<hbm>>
          %dma_start3A_126 = tpu.memref_squeeze %dma_start3A_125 : memref<1x128xi32, #tpu.memory_space<hbm>> -> memref<128xi32, #tpu.memory_space<hbm>>
          tpu.enqueue_dma source(%dma_start3A_126 : memref<128xi32, #tpu.memory_space<hbm>>) target(%arg10 : memref<128xi32, #tpu.memory_space<vmem>>) target_semaphore(%run_scoped3A : memref<!tpu.dma_semaphore, #tpu.memory_space<semaphore_mem>>)
          %dma_wait3A_127 = arith.constant 0 : i32
          %dma_wait3A_128 = tpu.memref_slice %arg4[%add3A_112, %dma_wait3A_127] : memref<2560x128xi32, #tpu.memory_space<hbm>> -> memref<1x128xi32, #tpu.memory_space<hbm>>
          %dma_wait3A_129 = tpu.memref_squeeze %dma_wait3A_128 : memref<1x128xi32, #tpu.memory_space<hbm>> -> memref<128xi32, #tpu.memory_space<hbm>>
          %dma_wait3A_130 = arith.constant 0 : i32
          %dma_wait3A_131 = tpu.memref_slice %arg4[%add3A_112, %dma_wait3A_130] : memref<2560x128xi32, #tpu.memory_space<hbm>> -> memref<1x128xi32, #tpu.memory_space<hbm>>
          %dma_wait3A_132 = tpu.memref_squeeze %dma_wait3A_131 : memref<1x128xi32, #tpu.memory_space<hbm>> -> memref<128xi32, #tpu.memory_space<hbm>>
          tpu.wait_dma2 semaphore(%run_scoped3A : memref<!tpu.dma_semaphore, #tpu.memory_space<semaphore_mem>>) src(%dma_wait3A_132 : memref<128xi32, #tpu.memory_space<hbm>>) dst(%arg10 : memref<128xi32, #tpu.memory_space<vmem>>)
          tpu.yield
        }) : () -> ()
        %dma_start3A_113 = arith.constant 1 : i32
        %dma_start3A_114 = arith.constant 0 : i32
        %dma_start3A_115 = arith.constant 0 : i32
        %dma_start3A_116 = tpu.memref_slice %arg11[%dma_start3A_113, %dma_start3A_114, %dma_start3A_115] : memref<2x128x128xf32, #tpu.memory_space<vmem>> -> memref<1x128x128xf32, #tpu.memory_space<vmem>>
        %dma_start3A_117 = tpu.memref_squeeze %dma_start3A_116 : memref<1x128x128xf32, #tpu.memory_space<vmem>> -> memref<128x128xf32, #tpu.memory_space<vmem>>
        %dma_start3A_118 = arith.constant 0 : i32
        %dma_start3A_119 = arith.constant 0 : i32
        %dma_start3A_120 = tpu.memref_slice %arg2[%dma_start3A_118, %dma_start3A_119] : memref<40000x128xf32, #tpu.memory_space<hbm>> -> memref<40000x128xf32, #tpu.memory_space<hbm>>
        tpu.enqueue_indirect_dma source(%dma_start3A_120 : memref<40000x128xf32, #tpu.memory_space<hbm>>) target(%dma_start3A_117 : memref<128x128xf32, #tpu.memory_space<vmem>>) offsets(%arg8 : memref<128xi32, #tpu.memory_space<vmem>>) semaphore(%arg14 : memref<!tpu.dma_semaphore, #tpu.memory_space<semaphore_mem>>)
      } else {
      }
    }
    %while3A_39 = arith.constant 1 : i32
    scf.for %while3A_41 = %while3A_37 to %while3A_33 step %while3A_39  : i32 {
      %mul3A_42 = arith.constant 2 : i32
      %mul3A_43 = arith.muli %mul3A_42, %while3A_41 : i32
      %add3A_44 = arith.constant 0 : i32
      %add3A_45 = arith.addi %mul3A_43, %add3A_44 : i32
      %dma_wait3A = arith.constant 0 : i32
      %dma_wait3A_46 = arith.constant 0 : i32
      %dma_wait3A_47 = arith.constant 0 : i32
      %dma_wait3A_48 = tpu.memref_slice %arg11[%dma_wait3A, %dma_wait3A_46, %dma_wait3A_47] : memref<2x128x128xf32, #tpu.memory_space<vmem>> -> memref<1x128x128xf32, #tpu.memory_space<vmem>>
      %dma_wait3A_49 = tpu.memref_squeeze %dma_wait3A_48 : memref<1x128x128xf32, #tpu.memory_space<vmem>> -> memref<128x128xf32, #tpu.memory_space<vmem>>
      %dma_wait3A_50 = arith.constant 0 : i32
      %dma_wait3A_51 = arith.constant 0 : i32
      %dma_wait3A_52 = tpu.memref_slice %arg2[%dma_wait3A_50, %dma_wait3A_51] : memref<40000x128xf32, #tpu.memory_space<hbm>> -> memref<40000x128xf32, #tpu.memory_space<hbm>>
      tpu.wait_indirect_dma semaphore(%arg13 : memref<!tpu.dma_semaphore, #tpu.memory_space<semaphore_mem>>) src(%dma_wait3A_52 : memref<40000x128xf32, #tpu.memory_space<hbm>>) dst(%dma_wait3A_49 : memref<128x128xf32, #tpu.memory_space<vmem>>)
      %dma_start3A = arith.constant 0 : i32
      %dma_start3A_53 = arith.constant 0 : i32
      %dma_start3A_54 = arith.constant 0 : i32
      %dma_start3A_55 = tpu.memref_slice %arg11[%dma_start3A, %dma_start3A_53, %dma_start3A_54] : memref<2x128x128xf32, #tpu.memory_space<vmem>> -> memref<1x128x128xf32, #tpu.memory_space<vmem>>
      %dma_start3A_56 = tpu.memref_squeeze %dma_start3A_55 : memref<1x128x128xf32, #tpu.memory_space<vmem>> -> memref<128x128xf32, #tpu.memory_space<vmem>>
      %dma_start3A_57 = arith.constant 0 : i32
      %dma_start3A_58 = arith.constant 0 : i32
      %dma_start3A_59 = tpu.memref_slice %arg12[%dma_start3A_57, %dma_start3A_58] : memref<10112x128xf32, #tpu.memory_space<vmem_shared>> -> memref<10112x128xf32, #tpu.memory_space<vmem_shared>>
      tpu.enqueue_indirect_dma source(%dma_start3A_56 : memref<128x128xf32, #tpu.memory_space<vmem>>) target(%dma_start3A_59 : memref<10112x128xf32, #tpu.memory_space<vmem_shared>>) offsets(%arg9 : memref<128xi32, #tpu.memory_space<vmem>>) semaphore(%arg15 : memref<!tpu.dma_semaphore, #tpu.memory_space<semaphore_mem>>) {add = true}
      %dma_wait3A_60 = arith.constant 0 : i32
      %dma_wait3A_61 = arith.constant 0 : i32
      %dma_wait3A_62 = arith.constant 0 : i32
      %dma_wait3A_63 = tpu.memref_slice %arg11[%dma_wait3A_60, %dma_wait3A_61, %dma_wait3A_62] : memref<2x128x128xf32, #tpu.memory_space<vmem>> -> memref<1x128x128xf32, #tpu.memory_space<vmem>>
      %dma_wait3A_64 = tpu.memref_squeeze %dma_wait3A_63 : memref<1x128x128xf32, #tpu.memory_space<vmem>> -> memref<128x128xf32, #tpu.memory_space<vmem>>
      %dma_wait3A_65 = arith.constant 0 : i32
      %dma_wait3A_66 = arith.constant 0 : i32
      %dma_wait3A_67 = tpu.memref_slice %arg12[%dma_wait3A_65, %dma_wait3A_66] : memref<10112x128xf32, #tpu.memory_space<vmem_shared>> -> memref<10112x128xf32, #tpu.memory_space<vmem_shared>>
      tpu.wait_indirect_dma semaphore(%arg15 : memref<!tpu.dma_semaphore, #tpu.memory_space<semaphore_mem>>) src(%dma_wait3A_64 : memref<128x128xf32, #tpu.memory_space<vmem>>) dst(%dma_wait3A_67 : memref<10112x128xf32, #tpu.memory_space<vmem_shared>>)
      %add3A_68 = arith.constant 2 : i32
      %add3A_69 = arith.addi %add3A_45, %add3A_68 : i32
      %lt3A = arith.cmpi slt, %add3A_69, %select_n3A : i32
      %convert_element_type3A_70 = arith.extui %lt3A : i1 to i32
      %cond3A_71 = arith.constant 0 : i32
      %cond3A_72 = arith.cmpi ne, %convert_element_type3A_70, %cond3A_71 : i32
      scf.if %cond3A_72 {
        %add3A_107 = arith.addi %select_n3A_10, %add3A_45 : i32
        %add3A_108 = arith.constant 2 : i32
        %add3A_109 = arith.addi %add3A_107, %add3A_108 : i32
        "tpu.region"() ({
          %run_scoped3A = tpu.sem_alloc : memref<!tpu.dma_semaphore, #tpu.memory_space<semaphore_mem>>
          %dma_start3A_121 = arith.constant 0 : i32
          %dma_start3A_122 = tpu.memref_slice %arg3[%add3A_109, %dma_start3A_121] : memref<2560x128xi32, #tpu.memory_space<hbm>> -> memref<1x128xi32, #tpu.memory_space<hbm>>
          %dma_start3A_123 = tpu.memref_squeeze %dma_start3A_122 : memref<1x128xi32, #tpu.memory_space<hbm>> -> memref<128xi32, #tpu.memory_space<hbm>>
          %dma_start3A_124 = arith.constant 0 : i32
          %dma_start3A_125 = tpu.memref_slice %arg3[%add3A_109, %dma_start3A_124] : memref<2560x128xi32, #tpu.memory_space<hbm>> -> memref<1x128xi32, #tpu.memory_space<hbm>>
          %dma_start3A_126 = tpu.memref_squeeze %dma_start3A_125 : memref<1x128xi32, #tpu.memory_space<hbm>> -> memref<128xi32, #tpu.memory_space<hbm>>
          tpu.enqueue_dma source(%dma_start3A_126 : memref<128xi32, #tpu.memory_space<hbm>>) target(%arg7 : memref<128xi32, #tpu.memory_space<vmem>>) target_semaphore(%run_scoped3A : memref<!tpu.dma_semaphore, #tpu.memory_space<semaphore_mem>>)
          %dma_wait3A_127 = arith.constant 0 : i32
          %dma_wait3A_128 = tpu.memref_slice %arg3[%add3A_109, %dma_wait3A_127] : memref<2560x128xi32, #tpu.memory_space<hbm>> -> memref<1x128xi32, #tpu.memory_space<hbm>>
          %dma_wait3A_129 = tpu.memref_squeeze %dma_wait3A_128 : memref<1x128xi32, #tpu.memory_space<hbm>> -> memref<128xi32, #tpu.memory_space<hbm>>
          %dma_wait3A_130 = arith.constant 0 : i32
          %dma_wait3A_131 = tpu.memref_slice %arg3[%add3A_109, %dma_wait3A_130] : memref<2560x128xi32, #tpu.memory_space<hbm>> -> memref<1x128xi32, #tpu.memory_space<hbm>>
          %dma_wait3A_132 = tpu.memref_squeeze %dma_wait3A_131 : memref<1x128xi32, #tpu.memory_space<hbm>> -> memref<128xi32, #tpu.memory_space<hbm>>
          tpu.wait_dma2 semaphore(%run_scoped3A : memref<!tpu.dma_semaphore, #tpu.memory_space<semaphore_mem>>) src(%dma_wait3A_132 : memref<128xi32, #tpu.memory_space<hbm>>) dst(%arg7 : memref<128xi32, #tpu.memory_space<vmem>>)
          tpu.yield
        }) : () -> ()
        %add3A_110 = arith.addi %select_n3A_10, %add3A_45 : i32
        %add3A_111 = arith.constant 2 : i32
        %add3A_112 = arith.addi %add3A_110, %add3A_111 : i32
        "tpu.region"() ({
          %run_scoped3A = tpu.sem_alloc : memref<!tpu.dma_semaphore, #tpu.memory_space<semaphore_mem>>
          %dma_start3A_121 = arith.constant 0 : i32
          %dma_start3A_122 = tpu.memref_slice %arg4[%add3A_112, %dma_start3A_121] : memref<2560x128xi32, #tpu.memory_space<hbm>> -> memref<1x128xi32, #tpu.memory_space<hbm>>
          %dma_start3A_123 = tpu.memref_squeeze %dma_start3A_122 : memref<1x128xi32, #tpu.memory_space<hbm>> -> memref<128xi32, #tpu.memory_space<hbm>>
          %dma_start3A_124 = arith.constant 0 : i32
          %dma_start3A_125 = tpu.memref_slice %arg4[%add3A_112, %dma_start3A_124] : memref<2560x128xi32, #tpu.memory_space<hbm>> -> memref<1x128xi32, #tpu.memory_space<hbm>>
          %dma_start3A_126 = tpu.memref_squeeze %dma_start3A_125 : memref<1x128xi32, #tpu.memory_space<hbm>> -> memref<128xi32, #tpu.memory_space<hbm>>
          tpu.enqueue_dma source(%dma_start3A_126 : memref<128xi32, #tpu.memory_space<hbm>>) target(%arg9 : memref<128xi32, #tpu.memory_space<vmem>>) target_semaphore(%run_scoped3A : memref<!tpu.dma_semaphore, #tpu.memory_space<semaphore_mem>>)
          %dma_wait3A_127 = arith.constant 0 : i32
          %dma_wait3A_128 = tpu.memref_slice %arg4[%add3A_112, %dma_wait3A_127] : memref<2560x128xi32, #tpu.memory_space<hbm>> -> memref<1x128xi32, #tpu.memory_space<hbm>>
          %dma_wait3A_129 = tpu.memref_squeeze %dma_wait3A_128 : memref<1x128xi32, #tpu.memory_space<hbm>> -> memref<128xi32, #tpu.memory_space<hbm>>
          %dma_wait3A_130 = arith.constant 0 : i32
          %dma_wait3A_131 = tpu.memref_slice %arg4[%add3A_112, %dma_wait3A_130] : memref<2560x128xi32, #tpu.memory_space<hbm>> -> memref<1x128xi32, #tpu.memory_space<hbm>>
          %dma_wait3A_132 = tpu.memref_squeeze %dma_wait3A_131 : memref<1x128xi32, #tpu.memory_space<hbm>> -> memref<128xi32, #tpu.memory_space<hbm>>
          tpu.wait_dma2 semaphore(%run_scoped3A : memref<!tpu.dma_semaphore, #tpu.memory_space<semaphore_mem>>) src(%dma_wait3A_132 : memref<128xi32, #tpu.memory_space<hbm>>) dst(%arg9 : memref<128xi32, #tpu.memory_space<vmem>>)
          tpu.yield
        }) : () -> ()
        %dma_start3A_113 = arith.constant 0 : i32
        %dma_start3A_114 = arith.constant 0 : i32
        %dma_start3A_115 = arith.constant 0 : i32
        %dma_start3A_116 = tpu.memref_slice %arg11[%dma_start3A_113, %dma_start3A_114, %dma_start3A_115] : memref<2x128x128xf32, #tpu.memory_space<vmem>> -> memref<1x128x128xf32, #tpu.memory_space<vmem>>
        %dma_start3A_117 = tpu.memref_squeeze %dma_start3A_116 : memref<1x128x128xf32, #tpu.memory_space<vmem>> -> memref<128x128xf32, #tpu.memory_space<vmem>>
        %dma_start3A_118 = arith.constant 0 : i32
        %dma_start3A_119 = arith.constant 0 : i32
        %dma_start3A_120 = tpu.memref_slice %arg2[%dma_start3A_118, %dma_start3A_119] : memref<40000x128xf32, #tpu.memory_space<hbm>> -> memref<40000x128xf32, #tpu.memory_space<hbm>>
        tpu.enqueue_indirect_dma source(%dma_start3A_120 : memref<40000x128xf32, #tpu.memory_space<hbm>>) target(%dma_start3A_117 : memref<128x128xf32, #tpu.memory_space<vmem>>) offsets(%arg7 : memref<128xi32, #tpu.memory_space<vmem>>) semaphore(%arg13 : memref<!tpu.dma_semaphore, #tpu.memory_space<semaphore_mem>>)
      } else {
      }
      %mul3A_73 = arith.constant 2 : i32
      %mul3A_74 = arith.muli %mul3A_73, %while3A_41 : i32
      %add3A_75 = arith.constant 1 : i32
      %add3A_76 = arith.addi %mul3A_74, %add3A_75 : i32
      %dma_wait3A_77 = arith.constant 1 : i32
      %dma_wait3A_78 = arith.constant 0 : i32
      %dma_wait3A_79 = arith.constant 0 : i32
      %dma_wait3A_80 = tpu.memref_slice %arg11[%dma_wait3A_77, %dma_wait3A_78, %dma_wait3A_79] : memref<2x128x128xf32, #tpu.memory_space<vmem>> -> memref<1x128x128xf32, #tpu.memory_space<vmem>>
      %dma_wait3A_81 = tpu.memref_squeeze %dma_wait3A_80 : memref<1x128x128xf32, #tpu.memory_space<vmem>> -> memref<128x128xf32, #tpu.memory_space<vmem>>
      %dma_wait3A_82 = arith.constant 0 : i32
      %dma_wait3A_83 = arith.constant 0 : i32
      %dma_wait3A_84 = tpu.memref_slice %arg2[%dma_wait3A_82, %dma_wait3A_83] : memref<40000x128xf32, #tpu.memory_space<hbm>> -> memref<40000x128xf32, #tpu.memory_space<hbm>>
      tpu.wait_indirect_dma semaphore(%arg14 : memref<!tpu.dma_semaphore, #tpu.memory_space<semaphore_mem>>) src(%dma_wait3A_84 : memref<40000x128xf32, #tpu.memory_space<hbm>>) dst(%dma_wait3A_81 : memref<128x128xf32, #tpu.memory_space<vmem>>)
      %dma_start3A_85 = arith.constant 1 : i32
      %dma_start3A_86 = arith.constant 0 : i32
      %dma_start3A_87 = arith.constant 0 : i32
      %dma_start3A_88 = tpu.memref_slice %arg11[%dma_start3A_85, %dma_start3A_86, %dma_start3A_87] : memref<2x128x128xf32, #tpu.memory_space<vmem>> -> memref<1x128x128xf32, #tpu.memory_space<vmem>>
      %dma_start3A_89 = tpu.memref_squeeze %dma_start3A_88 : memref<1x128x128xf32, #tpu.memory_space<vmem>> -> memref<128x128xf32, #tpu.memory_space<vmem>>
      %dma_start3A_90 = arith.constant 0 : i32
      %dma_start3A_91 = arith.constant 0 : i32
      %dma_start3A_92 = tpu.memref_slice %arg12[%dma_start3A_90, %dma_start3A_91] : memref<10112x128xf32, #tpu.memory_space<vmem_shared>> -> memref<10112x128xf32, #tpu.memory_space<vmem_shared>>
      tpu.enqueue_indirect_dma source(%dma_start3A_89 : memref<128x128xf32, #tpu.memory_space<vmem>>) target(%dma_start3A_92 : memref<10112x128xf32, #tpu.memory_space<vmem_shared>>) offsets(%arg10 : memref<128xi32, #tpu.memory_space<vmem>>) semaphore(%arg16 : memref<!tpu.dma_semaphore, #tpu.memory_space<semaphore_mem>>) {add = true}
      %dma_wait3A_93 = arith.constant 1 : i32
      %dma_wait3A_94 = arith.constant 0 : i32
      %dma_wait3A_95 = arith.constant 0 : i32
      %dma_wait3A_96 = tpu.memref_slice %arg11[%dma_wait3A_93, %dma_wait3A_94, %dma_wait3A_95] : memref<2x128x128xf32, #tpu.memory_space<vmem>> -> memref<1x128x128xf32, #tpu.memory_space<vmem>>
      %dma_wait3A_97 = tpu.memref_squeeze %dma_wait3A_96 : memref<1x128x128xf32, #tpu.memory_space<vmem>> -> memref<128x128xf32, #tpu.memory_space<vmem>>
      %dma_wait3A_98 = arith.constant 0 : i32
      %dma_wait3A_99 = arith.constant 0 : i32
      %dma_wait3A_100 = tpu.memref_slice %arg12[%dma_wait3A_98, %dma_wait3A_99] : memref<10112x128xf32, #tpu.memory_space<vmem_shared>> -> memref<10112x128xf32, #tpu.memory_space<vmem_shared>>
      tpu.wait_indirect_dma semaphore(%arg16 : memref<!tpu.dma_semaphore, #tpu.memory_space<semaphore_mem>>) src(%dma_wait3A_97 : memref<128x128xf32, #tpu.memory_space<vmem>>) dst(%dma_wait3A_100 : memref<10112x128xf32, #tpu.memory_space<vmem_shared>>)
      %add3A_101 = arith.constant 2 : i32
      %add3A_102 = arith.addi %add3A_76, %add3A_101 : i32
      %lt3A_103 = arith.cmpi slt, %add3A_102, %select_n3A : i32
      %convert_element_type3A_104 = arith.extui %lt3A_103 : i1 to i32
      %cond3A_105 = arith.constant 0 : i32
      %cond3A_106 = arith.cmpi ne, %convert_element_type3A_104, %cond3A_105 : i32
      scf.if %cond3A_106 {
        %add3A_107 = arith.addi %select_n3A_10, %add3A_76 : i32
        %add3A_108 = arith.constant 2 : i32
        %add3A_109 = arith.addi %add3A_107, %add3A_108 : i32
        "tpu.region"() ({
          %run_scoped3A = tpu.sem_alloc : memref<!tpu.dma_semaphore, #tpu.memory_space<semaphore_mem>>
          %dma_start3A_121 = arith.constant 0 : i32
          %dma_start3A_122 = tpu.memref_slice %arg3[%add3A_109, %dma_start3A_121] : memref<2560x128xi32, #tpu.memory_space<hbm>> -> memref<1x128xi32, #tpu.memory_space<hbm>>
          %dma_start3A_123 = tpu.memref_squeeze %dma_start3A_122 : memref<1x128xi32, #tpu.memory_space<hbm>> -> memref<128xi32, #tpu.memory_space<hbm>>
          %dma_start3A_124 = arith.constant 0 : i32
          %dma_start3A_125 = tpu.memref_slice %arg3[%add3A_109, %dma_start3A_124] : memref<2560x128xi32, #tpu.memory_space<hbm>> -> memref<1x128xi32, #tpu.memory_space<hbm>>
          %dma_start3A_126 = tpu.memref_squeeze %dma_start3A_125 : memref<1x128xi32, #tpu.memory_space<hbm>> -> memref<128xi32, #tpu.memory_space<hbm>>
          tpu.enqueue_dma source(%dma_start3A_126 : memref<128xi32, #tpu.memory_space<hbm>>) target(%arg8 : memref<128xi32, #tpu.memory_space<vmem>>) target_semaphore(%run_scoped3A : memref<!tpu.dma_semaphore, #tpu.memory_space<semaphore_mem>>)
          %dma_wait3A_127 = arith.constant 0 : i32
          %dma_wait3A_128 = tpu.memref_slice %arg3[%add3A_109, %dma_wait3A_127] : memref<2560x128xi32, #tpu.memory_space<hbm>> -> memref<1x128xi32, #tpu.memory_space<hbm>>
          %dma_wait3A_129 = tpu.memref_squeeze %dma_wait3A_128 : memref<1x128xi32, #tpu.memory_space<hbm>> -> memref<128xi32, #tpu.memory_space<hbm>>
          %dma_wait3A_130 = arith.constant 0 : i32
          %dma_wait3A_131 = tpu.memref_slice %arg3[%add3A_109, %dma_wait3A_130] : memref<2560x128xi32, #tpu.memory_space<hbm>> -> memref<1x128xi32, #tpu.memory_space<hbm>>
          %dma_wait3A_132 = tpu.memref_squeeze %dma_wait3A_131 : memref<1x128xi32, #tpu.memory_space<hbm>> -> memref<128xi32, #tpu.memory_space<hbm>>
          tpu.wait_dma2 semaphore(%run_scoped3A : memref<!tpu.dma_semaphore, #tpu.memory_space<semaphore_mem>>) src(%dma_wait3A_132 : memref<128xi32, #tpu.memory_space<hbm>>) dst(%arg8 : memref<128xi32, #tpu.memory_space<vmem>>)
          tpu.yield
        }) : () -> ()
        %add3A_110 = arith.addi %select_n3A_10, %add3A_76 : i32
        %add3A_111 = arith.constant 2 : i32
        %add3A_112 = arith.addi %add3A_110, %add3A_111 : i32
        "tpu.region"() ({
          %run_scoped3A = tpu.sem_alloc : memref<!tpu.dma_semaphore, #tpu.memory_space<semaphore_mem>>
          %dma_start3A_121 = arith.constant 0 : i32
          %dma_start3A_122 = tpu.memref_slice %arg4[%add3A_112, %dma_start3A_121] : memref<2560x128xi32, #tpu.memory_space<hbm>> -> memref<1x128xi32, #tpu.memory_space<hbm>>
          %dma_start3A_123 = tpu.memref_squeeze %dma_start3A_122 : memref<1x128xi32, #tpu.memory_space<hbm>> -> memref<128xi32, #tpu.memory_space<hbm>>
          %dma_start3A_124 = arith.constant 0 : i32
          %dma_start3A_125 = tpu.memref_slice %arg4[%add3A_112, %dma_start3A_124] : memref<2560x128xi32, #tpu.memory_space<hbm>> -> memref<1x128xi32, #tpu.memory_space<hbm>>
          %dma_start3A_126 = tpu.memref_squeeze %dma_start3A_125 : memref<1x128xi32, #tpu.memory_space<hbm>> -> memref<128xi32, #tpu.memory_space<hbm>>
          tpu.enqueue_dma source(%dma_start3A_126 : memref<128xi32, #tpu.memory_space<hbm>>) target(%arg10 : memref<128xi32, #tpu.memory_space<vmem>>) target_semaphore(%run_scoped3A : memref<!tpu.dma_semaphore, #tpu.memory_space<semaphore_mem>>)
          %dma_wait3A_127 = arith.constant 0 : i32
          %dma_wait3A_128 = tpu.memref_slice %arg4[%add3A_112, %dma_wait3A_127] : memref<2560x128xi32, #tpu.memory_space<hbm>> -> memref<1x128xi32, #tpu.memory_space<hbm>>
          %dma_wait3A_129 = tpu.memref_squeeze %dma_wait3A_128 : memref<1x128xi32, #tpu.memory_space<hbm>> -> memref<128xi32, #tpu.memory_space<hbm>>
          %dma_wait3A_130 = arith.constant 0 : i32
          %dma_wait3A_131 = tpu.memref_slice %arg4[%add3A_112, %dma_wait3A_130] : memref<2560x128xi32, #tpu.memory_space<hbm>> -> memref<1x128xi32, #tpu.memory_space<hbm>>
          %dma_wait3A_132 = tpu.memref_squeeze %dma_wait3A_131 : memref<1x128xi32, #tpu.memory_space<hbm>> -> memref<128xi32, #tpu.memory_space<hbm>>
          tpu.wait_dma2 semaphore(%run_scoped3A : memref<!tpu.dma_semaphore, #tpu.memory_space<semaphore_mem>>) src(%dma_wait3A_132 : memref<128xi32, #tpu.memory_space<hbm>>) dst(%arg10 : memref<128xi32, #tpu.memory_space<vmem>>)
          tpu.yield
        }) : () -> ()
        %dma_start3A_113 = arith.constant 1 : i32
        %dma_start3A_114 = arith.constant 0 : i32
        %dma_start3A_115 = arith.constant 0 : i32
        %dma_start3A_116 = tpu.memref_slice %arg11[%dma_start3A_113, %dma_start3A_114, %dma_start3A_115] : memref<2x128x128xf32, #tpu.memory_space<vmem>> -> memref<1x128x128xf32, #tpu.memory_space<vmem>>
        %dma_start3A_117 = tpu.memref_squeeze %dma_start3A_116 : memref<1x128x128xf32, #tpu.memory_space<vmem>> -> memref<128x128xf32, #tpu.memory_space<vmem>>
        %dma_start3A_118 = arith.constant 0 : i32
        %dma_start3A_119 = arith.constant 0 : i32
        %dma_start3A_120 = tpu.memref_slice %arg2[%dma_start3A_118, %dma_start3A_119] : memref<40000x128xf32, #tpu.memory_space<hbm>> -> memref<40000x128xf32, #tpu.memory_space<hbm>>
        tpu.enqueue_indirect_dma source(%dma_start3A_120 : memref<40000x128xf32, #tpu.memory_space<hbm>>) target(%dma_start3A_117 : memref<128x128xf32, #tpu.memory_space<vmem>>) offsets(%arg8 : memref<128xi32, #tpu.memory_space<vmem>>) semaphore(%arg14 : memref<!tpu.dma_semaphore, #tpu.memory_space<semaphore_mem>>)
      } else {
      }
    }
    %barrier3A_40 = arith.constant 0 : index
    tpu.barrier barrier_id(%barrier3A_40)
    "tpu.region"() ({
      %run_scoped3A = tpu.sem_alloc : memref<!tpu.dma_semaphore, #tpu.memory_space<semaphore_mem>>
      %dma_start3A = arith.constant 0 : i32
      %dma_start3A_41 = arith.constant 0 : i32
      %dma_start3A_42 = tpu.memref_slice %arg6[%arg0, %dma_start3A, %dma_start3A_41] : memref<2x10112x128xf32, #tpu.memory_space<hbm>> -> memref<1x10112x128xf32, #tpu.memory_space<hbm>>
      %dma_start3A_43 = tpu.memref_squeeze %dma_start3A_42 : memref<1x10112x128xf32, #tpu.memory_space<hbm>> -> memref<10112x128xf32, #tpu.memory_space<hbm>>
      %dma_start3A_44 = arith.constant 0 : i32
      %dma_start3A_45 = tpu.memref_slice %dma_start3A_43[%mul3A_0, %dma_start3A_44] : memref<10112x128xf32, #tpu.memory_space<hbm>> -> memref<632x128xf32, #tpu.memory_space<hbm>>
      %dma_start3A_46 = arith.constant 0 : i32
      %dma_start3A_47 = tpu.memref_slice %arg12[%mul3A_0, %dma_start3A_46] : memref<10112x128xf32, #tpu.memory_space<vmem_shared>> -> memref<632x128xf32, #tpu.memory_space<vmem_shared>>
      tpu.enqueue_dma source(%dma_start3A_47 : memref<632x128xf32, #tpu.memory_space<vmem_shared>>) target(%dma_start3A_45 : memref<632x128xf32, #tpu.memory_space<hbm>>) target_semaphore(%run_scoped3A : memref<!tpu.dma_semaphore, #tpu.memory_space<semaphore_mem>>)
      %dma_wait3A = arith.constant 0 : i32
      %dma_wait3A_48 = arith.constant 0 : i32
      %dma_wait3A_49 = tpu.memref_slice %arg6[%arg0, %dma_wait3A, %dma_wait3A_48] : memref<2x10112x128xf32, #tpu.memory_space<hbm>> -> memref<1x10112x128xf32, #tpu.memory_space<hbm>>
      %dma_wait3A_50 = tpu.memref_squeeze %dma_wait3A_49 : memref<1x10112x128xf32, #tpu.memory_space<hbm>> -> memref<10112x128xf32, #tpu.memory_space<hbm>>
      %dma_wait3A_51 = arith.constant 0 : i32
      %dma_wait3A_52 = tpu.memref_slice %dma_wait3A_50[%mul3A_0, %dma_wait3A_51] : memref<10112x128xf32, #tpu.memory_space<hbm>> -> memref<632x128xf32, #tpu.memory_space<hbm>>
      %dma_wait3A_53 = arith.constant 0 : i32
      %dma_wait3A_54 = tpu.memref_slice %arg12[%mul3A_0, %dma_wait3A_53] : memref<10112x128xf32, #tpu.memory_space<vmem_shared>> -> memref<632x128xf32, #tpu.memory_space<vmem_shared>>
      tpu.wait_dma2 semaphore(%run_scoped3A : memref<!tpu.dma_semaphore, #tpu.memory_space<semaphore_mem>>) src(%dma_wait3A_54 : memref<632x128xf32, #tpu.memory_space<vmem_shared>>) dst(%dma_wait3A_52 : memref<632x128xf32, #tpu.memory_space<hbm>>)
      tpu.yield
    }) : () -> ()
    return
  }
}

#map = affine_map<(d0, d1) -> (0, 0)>
#map1 = affine_map<(d0, d1) -> (0, 0, 0)>
module attributes {stable_mosaic.version = 14 : i64} {
  func.func @sc_aggr(%arg0: i32, %arg1: i32, %arg2: memref<40000x128xf32, #tpu.memory_space<hbm>>, %arg3: memref<2560x128xi32, #tpu.memory_space<hbm>>, %arg4: memref<2560x128xi32, #tpu.memory_space<hbm>>, %arg5: memref<10112x128xf32, #tpu.memory_space<hbm>>, %arg6: memref<2x10112x128xf32, #tpu.memory_space<hbm>>, %arg7: memref<128xi32, #tpu.memory_space<vmem>>, %arg8: memref<128xi32, #tpu.memory_space<vmem>>, %arg9: memref<128xi32, #tpu.memory_space<vmem>>, %arg10: memref<128xi32, #tpu.memory_space<vmem>>, %arg11: memref<2x128x128xf32, #tpu.memory_space<vmem>>, %arg12: memref<10112x128xf32, #tpu.memory_space<vmem_shared>>, %arg13: memref<!tpu.dma_semaphore, #tpu.memory_space<semaphore_mem>>, %arg14: memref<!tpu.dma_semaphore, #tpu.memory_space<semaphore_mem>>, %arg15: memref<!tpu.dma_semaphore, #tpu.memory_space<semaphore_mem>>, %arg16: memref<!tpu.dma_semaphore, #tpu.memory_space<semaphore_mem>>) attributes {dimension_semantics = [#tpu.dimension_semantics<core_parallel>, #tpu.dimension_semantics<subcore_parallel>], iteration_bounds = array<i64: 2, 16>, scalar_prefetch = 0 : i64, scratch_operands = 10 : i64, tpu.core_type = #tpu.core_type<sc_vector_subcore>, window_params = [{transform_indices = #map}, {transform_indices = #map}, {transform_indices = #map}, {transform_indices = #map}, {transform_indices = #map1}]} {
    %mul3A = arith.constant 632 : i32
    %mul3A_0 = arith.muli %arg1, %mul3A : i32
    %eq3A = arith.constant 0 : i32
    %eq3A_1 = arith.cmpi eq, %arg0, %eq3A : i32
    %jit3A = arith.constant 160 : i32
    %jit3A_2 = arith.constant 0 : i32
    %select_n3A = arith.select %eq3A_1, %jit3A, %jit3A_2 : i32
    "tpu.region"() ({
      %run_scoped3A = tpu.sem_alloc : memref<!tpu.dma_semaphore, #tpu.memory_space<semaphore_mem>>
      %dma_start3A = arith.constant 0 : i32
      %dma_start3A_41 = tpu.memref_slice %arg12[%mul3A_0, %dma_start3A] : memref<10112x128xf32, #tpu.memory_space<vmem_shared>> -> memref<632x128xf32, #tpu.memory_space<vmem_shared>>
      %dma_start3A_42 = arith.constant 0 : i32
      %dma_start3A_43 = tpu.memref_slice %arg5[%mul3A_0, %dma_start3A_42] : memref<10112x128xf32, #tpu.memory_space<hbm>> -> memref<632x128xf32, #tpu.memory_space<hbm>>
      tpu.enqueue_dma source(%dma_start3A_43 : memref<632x128xf32, #tpu.memory_space<hbm>>) target(%dma_start3A_41 : memref<632x128xf32, #tpu.memory_space<vmem_shared>>) target_semaphore(%run_scoped3A : memref<!tpu.dma_semaphore, #tpu.memory_space<semaphore_mem>>)
      %dma_wait3A = arith.constant 0 : i32
      %dma_wait3A_44 = tpu.memref_slice %arg12[%mul3A_0, %dma_wait3A] : memref<10112x128xf32, #tpu.memory_space<vmem_shared>> -> memref<632x128xf32, #tpu.memory_space<vmem_shared>>
      %dma_wait3A_45 = arith.constant 0 : i32
      %dma_wait3A_46 = tpu.memref_slice %arg5[%mul3A_0, %dma_wait3A_45] : memref<10112x128xf32, #tpu.memory_space<hbm>> -> memref<632x128xf32, #tpu.memory_space<hbm>>
      tpu.wait_dma2 semaphore(%run_scoped3A : memref<!tpu.dma_semaphore, #tpu.memory_space<semaphore_mem>>) src(%dma_wait3A_46 : memref<632x128xf32, #tpu.memory_space<hbm>>) dst(%dma_wait3A_44 : memref<632x128xf32, #tpu.memory_space<vmem_shared>>)
      tpu.yield
    }) : () -> ()
    %barrier3A = arith.constant 0 : index
    tpu.barrier barrier_id(%barrier3A)
    %eq3A_3 = arith.constant 0 : i32
    %eq3A_4 = arith.cmpi eq, %arg0, %eq3A_3 : i32
    %mul3A_5 = arith.constant 160 : i32
    %mul3A_6 = arith.muli %arg1, %mul3A_5 : i32
    %mul3A_7 = arith.constant 0 : i32
    %mul3A_8 = arith.muli %arg1, %mul3A_7 : i32
    %add3A = arith.constant 2560 : i32
    %add3A_9 = arith.addi %add3A, %mul3A_8 : i32
    %select_n3A_10 = arith.select %eq3A_4, %mul3A_6, %add3A_9 : i32
    %ge3A = arith.constant 2 : i32
    %ge3A_11 = arith.cmpi sge, %select_n3A, %ge3A : i32
    %convert_element_type3A = arith.extui %ge3A_11 : i1 to i32
    %cond3A = arith.constant 0 : i32
    %cond3A_12 = arith.cmpi ne, %convert_element_type3A, %cond3A : i32
    scf.if %cond3A_12 {
      %add3A_41 = arith.constant 0 : i32
      %add3A_42 = arith.addi %select_n3A_10, %add3A_41 : i32
      "tpu.region"() ({
        %run_scoped3A = tpu.sem_alloc : memref<!tpu.dma_semaphore, #tpu.memory_space<semaphore_mem>>
        %dma_start3A_64 = arith.constant 0 : i32
        %dma_start3A_65 = tpu.memref_slice %arg3[%add3A_42, %dma_start3A_64] : memref<2560x128xi32, #tpu.memory_space<hbm>> -> memref<1x128xi32, #tpu.memory_space<hbm>>
        %dma_start3A_66 = tpu.memref_squeeze %dma_start3A_65 : memref<1x128xi32, #tpu.memory_space<hbm>> -> memref<128xi32, #tpu.memory_space<hbm>>
        %dma_start3A_67 = arith.constant 0 : i32
        %dma_start3A_68 = tpu.memref_slice %arg3[%add3A_42, %dma_start3A_67] : memref<2560x128xi32, #tpu.memory_space<hbm>> -> memref<1x128xi32, #tpu.memory_space<hbm>>
        %dma_start3A_69 = tpu.memref_squeeze %dma_start3A_68 : memref<1x128xi32, #tpu.memory_space<hbm>> -> memref<128xi32, #tpu.memory_space<hbm>>
        tpu.enqueue_dma source(%dma_start3A_69 : memref<128xi32, #tpu.memory_space<hbm>>) target(%arg7 : memref<128xi32, #tpu.memory_space<vmem>>) target_semaphore(%run_scoped3A : memref<!tpu.dma_semaphore, #tpu.memory_space<semaphore_mem>>)
        %dma_wait3A = arith.constant 0 : i32
        %dma_wait3A_70 = tpu.memref_slice %arg3[%add3A_42, %dma_wait3A] : memref<2560x128xi32, #tpu.memory_space<hbm>> -> memref<1x128xi32, #tpu.memory_space<hbm>>
        %dma_wait3A_71 = tpu.memref_squeeze %dma_wait3A_70 : memref<1x128xi32, #tpu.memory_space<hbm>> -> memref<128xi32, #tpu.memory_space<hbm>>
        %dma_wait3A_72 = arith.constant 0 : i32
        %dma_wait3A_73 = tpu.memref_slice %arg3[%add3A_42, %dma_wait3A_72] : memref<2560x128xi32, #tpu.memory_space<hbm>> -> memref<1x128xi32, #tpu.memory_space<hbm>>
        %dma_wait3A_74 = tpu.memref_squeeze %dma_wait3A_73 : memref<1x128xi32, #tpu.memory_space<hbm>> -> memref<128xi32, #tpu.memory_space<hbm>>
        tpu.wait_dma2 semaphore(%run_scoped3A : memref<!tpu.dma_semaphore, #tpu.memory_space<semaphore_mem>>) src(%dma_wait3A_74 : memref<128xi32, #tpu.memory_space<hbm>>) dst(%arg7 : memref<128xi32, #tpu.memory_space<vmem>>)
        tpu.yield
      }) : () -> ()
      %add3A_43 = arith.constant 0 : i32
      %add3A_44 = arith.addi %select_n3A_10, %add3A_43 : i32
      "tpu.region"() ({
        %run_scoped3A = tpu.sem_alloc : memref<!tpu.dma_semaphore, #tpu.memory_space<semaphore_mem>>
        %dma_start3A_64 = arith.constant 0 : i32
        %dma_start3A_65 = tpu.memref_slice %arg4[%add3A_44, %dma_start3A_64] : memref<2560x128xi32, #tpu.memory_space<hbm>> -> memref<1x128xi32, #tpu.memory_space<hbm>>
        %dma_start3A_66 = tpu.memref_squeeze %dma_start3A_65 : memref<1x128xi32, #tpu.memory_space<hbm>> -> memref<128xi32, #tpu.memory_space<hbm>>
        %dma_start3A_67 = arith.constant 0 : i32
        %dma_start3A_68 = tpu.memref_slice %arg4[%add3A_44, %dma_start3A_67] : memref<2560x128xi32, #tpu.memory_space<hbm>> -> memref<1x128xi32, #tpu.memory_space<hbm>>
        %dma_start3A_69 = tpu.memref_squeeze %dma_start3A_68 : memref<1x128xi32, #tpu.memory_space<hbm>> -> memref<128xi32, #tpu.memory_space<hbm>>
        tpu.enqueue_dma source(%dma_start3A_69 : memref<128xi32, #tpu.memory_space<hbm>>) target(%arg9 : memref<128xi32, #tpu.memory_space<vmem>>) target_semaphore(%run_scoped3A : memref<!tpu.dma_semaphore, #tpu.memory_space<semaphore_mem>>)
        %dma_wait3A = arith.constant 0 : i32
        %dma_wait3A_70 = tpu.memref_slice %arg4[%add3A_44, %dma_wait3A] : memref<2560x128xi32, #tpu.memory_space<hbm>> -> memref<1x128xi32, #tpu.memory_space<hbm>>
        %dma_wait3A_71 = tpu.memref_squeeze %dma_wait3A_70 : memref<1x128xi32, #tpu.memory_space<hbm>> -> memref<128xi32, #tpu.memory_space<hbm>>
        %dma_wait3A_72 = arith.constant 0 : i32
        %dma_wait3A_73 = tpu.memref_slice %arg4[%add3A_44, %dma_wait3A_72] : memref<2560x128xi32, #tpu.memory_space<hbm>> -> memref<1x128xi32, #tpu.memory_space<hbm>>
        %dma_wait3A_74 = tpu.memref_squeeze %dma_wait3A_73 : memref<1x128xi32, #tpu.memory_space<hbm>> -> memref<128xi32, #tpu.memory_space<hbm>>
        tpu.wait_dma2 semaphore(%run_scoped3A : memref<!tpu.dma_semaphore, #tpu.memory_space<semaphore_mem>>) src(%dma_wait3A_74 : memref<128xi32, #tpu.memory_space<hbm>>) dst(%arg9 : memref<128xi32, #tpu.memory_space<vmem>>)
        tpu.yield
      }) : () -> ()
      %dma_start3A = arith.constant 0 : i32
      %dma_start3A_45 = arith.constant 0 : i32
      %dma_start3A_46 = arith.constant 0 : i32
      %dma_start3A_47 = tpu.memref_slice %arg11[%dma_start3A, %dma_start3A_45, %dma_start3A_46] : memref<2x128x128xf32, #tpu.memory_space<vmem>> -> memref<1x128x128xf32, #tpu.memory_space<vmem>>
      %dma_start3A_48 = tpu.memref_squeeze %dma_start3A_47 : memref<1x128x128xf32, #tpu.memory_space<vmem>> -> memref<128x128xf32, #tpu.memory_space<vmem>>
      %dma_start3A_49 = arith.constant 0 : i32
      %dma_start3A_50 = arith.constant 0 : i32
      %dma_start3A_51 = tpu.memref_slice %arg2[%dma_start3A_49, %dma_start3A_50] : memref<40000x128xf32, #tpu.memory_space<hbm>> -> memref<40000x128xf32, #tpu.memory_space<hbm>>
      tpu.enqueue_indirect_dma source(%dma_start3A_51 : memref<40000x128xf32, #tpu.memory_space<hbm>>) target(%dma_start3A_48 : memref<128x128xf32, #tpu.memory_space<vmem>>) offsets(%arg7 : memref<128xi32, #tpu.memory_space<vmem>>) semaphore(%arg13 : memref<!tpu.dma_semaphore, #tpu.memory_space<semaphore_mem>>)
      %add3A_52 = arith.constant 1 : i32
      %add3A_53 = arith.addi %select_n3A_10, %add3A_52 : i32
      "tpu.region"() ({
        %run_scoped3A = tpu.sem_alloc : memref<!tpu.dma_semaphore, #tpu.memory_space<semaphore_mem>>
        %dma_start3A_64 = arith.constant 0 : i32
        %dma_start3A_65 = tpu.memref_slice %arg3[%add3A_53, %dma_start3A_64] : memref<2560x128xi32, #tpu.memory_space<hbm>> -> memref<1x128xi32, #tpu.memory_space<hbm>>
        %dma_start3A_66 = tpu.memref_squeeze %dma_start3A_65 : memref<1x128xi32, #tpu.memory_space<hbm>> -> memref<128xi32, #tpu.memory_space<hbm>>
        %dma_start3A_67 = arith.constant 0 : i32
        %dma_start3A_68 = tpu.memref_slice %arg3[%add3A_53, %dma_start3A_67] : memref<2560x128xi32, #tpu.memory_space<hbm>> -> memref<1x128xi32, #tpu.memory_space<hbm>>
        %dma_start3A_69 = tpu.memref_squeeze %dma_start3A_68 : memref<1x128xi32, #tpu.memory_space<hbm>> -> memref<128xi32, #tpu.memory_space<hbm>>
        tpu.enqueue_dma source(%dma_start3A_69 : memref<128xi32, #tpu.memory_space<hbm>>) target(%arg8 : memref<128xi32, #tpu.memory_space<vmem>>) target_semaphore(%run_scoped3A : memref<!tpu.dma_semaphore, #tpu.memory_space<semaphore_mem>>)
        %dma_wait3A = arith.constant 0 : i32
        %dma_wait3A_70 = tpu.memref_slice %arg3[%add3A_53, %dma_wait3A] : memref<2560x128xi32, #tpu.memory_space<hbm>> -> memref<1x128xi32, #tpu.memory_space<hbm>>
        %dma_wait3A_71 = tpu.memref_squeeze %dma_wait3A_70 : memref<1x128xi32, #tpu.memory_space<hbm>> -> memref<128xi32, #tpu.memory_space<hbm>>
        %dma_wait3A_72 = arith.constant 0 : i32
        %dma_wait3A_73 = tpu.memref_slice %arg3[%add3A_53, %dma_wait3A_72] : memref<2560x128xi32, #tpu.memory_space<hbm>> -> memref<1x128xi32, #tpu.memory_space<hbm>>
        %dma_wait3A_74 = tpu.memref_squeeze %dma_wait3A_73 : memref<1x128xi32, #tpu.memory_space<hbm>> -> memref<128xi32, #tpu.memory_space<hbm>>
        tpu.wait_dma2 semaphore(%run_scoped3A : memref<!tpu.dma_semaphore, #tpu.memory_space<semaphore_mem>>) src(%dma_wait3A_74 : memref<128xi32, #tpu.memory_space<hbm>>) dst(%arg8 : memref<128xi32, #tpu.memory_space<vmem>>)
        tpu.yield
      }) : () -> ()
      %add3A_54 = arith.constant 1 : i32
      %add3A_55 = arith.addi %select_n3A_10, %add3A_54 : i32
      "tpu.region"() ({
        %run_scoped3A = tpu.sem_alloc : memref<!tpu.dma_semaphore, #tpu.memory_space<semaphore_mem>>
        %dma_start3A_64 = arith.constant 0 : i32
        %dma_start3A_65 = tpu.memref_slice %arg4[%add3A_55, %dma_start3A_64] : memref<2560x128xi32, #tpu.memory_space<hbm>> -> memref<1x128xi32, #tpu.memory_space<hbm>>
        %dma_start3A_66 = tpu.memref_squeeze %dma_start3A_65 : memref<1x128xi32, #tpu.memory_space<hbm>> -> memref<128xi32, #tpu.memory_space<hbm>>
        %dma_start3A_67 = arith.constant 0 : i32
        %dma_start3A_68 = tpu.memref_slice %arg4[%add3A_55, %dma_start3A_67] : memref<2560x128xi32, #tpu.memory_space<hbm>> -> memref<1x128xi32, #tpu.memory_space<hbm>>
        %dma_start3A_69 = tpu.memref_squeeze %dma_start3A_68 : memref<1x128xi32, #tpu.memory_space<hbm>> -> memref<128xi32, #tpu.memory_space<hbm>>
        tpu.enqueue_dma source(%dma_start3A_69 : memref<128xi32, #tpu.memory_space<hbm>>) target(%arg10 : memref<128xi32, #tpu.memory_space<vmem>>) target_semaphore(%run_scoped3A : memref<!tpu.dma_semaphore, #tpu.memory_space<semaphore_mem>>)
        %dma_wait3A = arith.constant 0 : i32
        %dma_wait3A_70 = tpu.memref_slice %arg4[%add3A_55, %dma_wait3A] : memref<2560x128xi32, #tpu.memory_space<hbm>> -> memref<1x128xi32, #tpu.memory_space<hbm>>
        %dma_wait3A_71 = tpu.memref_squeeze %dma_wait3A_70 : memref<1x128xi32, #tpu.memory_space<hbm>> -> memref<128xi32, #tpu.memory_space<hbm>>
        %dma_wait3A_72 = arith.constant 0 : i32
        %dma_wait3A_73 = tpu.memref_slice %arg4[%add3A_55, %dma_wait3A_72] : memref<2560x128xi32, #tpu.memory_space<hbm>> -> memref<1x128xi32, #tpu.memory_space<hbm>>
        %dma_wait3A_74 = tpu.memref_squeeze %dma_wait3A_73 : memref<1x128xi32, #tpu.memory_space<hbm>> -> memref<128xi32, #tpu.memory_space<hbm>>
        tpu.wait_dma2 semaphore(%run_scoped3A : memref<!tpu.dma_semaphore, #tpu.memory_space<semaphore_mem>>) src(%dma_wait3A_74 : memref<128xi32, #tpu.memory_space<hbm>>) dst(%arg10 : memref<128xi32, #tpu.memory_space<vmem>>)
        tpu.yield
      }) : () -> ()
      %dma_start3A_56 = arith.constant 1 : i32
      %dma_start3A_57 = arith.constant 0 : i32
      %dma_start3A_58 = arith.constant 0 : i32
      %dma_start3A_59 = tpu.memref_slice %arg11[%dma_start3A_56, %dma_start3A_57, %dma_start3A_58] : memref<2x128x128xf32, #tpu.memory_space<vmem>> -> memref<1x128x128xf32, #tpu.memory_space<vmem>>
      %dma_start3A_60 = tpu.memref_squeeze %dma_start3A_59 : memref<1x128x128xf32, #tpu.memory_space<vmem>> -> memref<128x128xf32, #tpu.memory_space<vmem>>
      %dma_start3A_61 = arith.constant 0 : i32
      %dma_start3A_62 = arith.constant 0 : i32
      %dma_start3A_63 = tpu.memref_slice %arg2[%dma_start3A_61, %dma_start3A_62] : memref<40000x128xf32, #tpu.memory_space<hbm>> -> memref<40000x128xf32, #tpu.memory_space<hbm>>
      tpu.enqueue_indirect_dma source(%dma_start3A_63 : memref<40000x128xf32, #tpu.memory_space<hbm>>) target(%dma_start3A_60 : memref<128x128xf32, #tpu.memory_space<vmem>>) offsets(%arg8 : memref<128xi32, #tpu.memory_space<vmem>>) semaphore(%arg14 : memref<!tpu.dma_semaphore, #tpu.memory_space<semaphore_mem>>)
    } else {
    }
    %jit3A_13 = arith.constant 2 : i32
    %div3A = arith.divsi %select_n3A, %jit3A_13 : i32
    %sign3A = arith.constant 0 : i32
    %sign3A_14 = arith.cmpi sgt, %select_n3A, %sign3A : i32
    %sign3A_15 = arith.extui %sign3A_14 : i1 to i32
    %sign3A_16 = arith.constant 0 : i32
    %sign3A_17 = arith.cmpi slt, %select_n3A, %sign3A_16 : i32
    %sign3A_18 = arith.extui %sign3A_17 : i1 to i32
    %sign3A_19 = arith.subi %sign3A_15, %sign3A_18 : i32
    %sign3A_20 = arith.constant 0 : i32
    %sign3A_21 = arith.cmpi sgt, %jit3A_13, %sign3A_20 : i32
    %sign3A_22 = arith.extui %sign3A_21 : i1 to i32
    %sign3A_23 = arith.constant 0 : i32
    %sign3A_24 = arith.cmpi slt, %jit3A_13, %sign3A_23 : i32
    %sign3A_25 = arith.extui %sign3A_24 : i1 to i32
    %sign3A_26 = arith.subi %sign3A_22, %sign3A_25 : i32
    %ne3A = arith.cmpi ne, %sign3A_19, %sign3A_26 : i32
    %rem3A = arith.remsi %select_n3A, %jit3A_13 : i32
    %ne3A_27 = arith.constant 0 : i32
    %ne3A_28 = arith.cmpi ne, %rem3A, %ne3A_27 : i32
    %and3A = arith.andi %ne3A, %ne3A_28 : i1
    %sub3A = arith.constant 1 : i32
    %sub3A_29 = arith.subi %div3A, %sub3A : i32
    %select_n3A_30 = arith.select %and3A, %sub3A_29, %div3A : i32
    %while3A = arith.constant 0 : i32
    %while3A_31 = arith.constant 0 : i32
    %while3A_32 = arith.subi %select_n3A_30, %while3A_31 : i32
    %while3A_33 = arith.addi %while3A_31, %while3A_32 : i32
    %while3A_34 = arith.constant 1 : i32
    %while3A_35 = arith.divsi %while3A_32, %while3A_34 : i32
    %while3A_36 = arith.muli %while3A_35, %while3A_34 : i32
    %while3A_37 = arith.addi %while3A_31, %while3A_36 : i32
    %while3A_38 = arith.constant 1 : i32
    scf.for %while3A_41 = %while3A_31 to %while3A_37 step %while3A_38  : i32 {
      %mul3A_42 = arith.constant 2 : i32
      %mul3A_43 = arith.muli %mul3A_42, %while3A_41 : i32
      %add3A_44 = arith.constant 0 : i32
      %add3A_45 = arith.addi %mul3A_43, %add3A_44 : i32
      %dma_wait3A = arith.constant 0 : i32
      %dma_wait3A_46 = arith.constant 0 : i32
      %dma_wait3A_47 = arith.constant 0 : i32
      %dma_wait3A_48 = tpu.memref_slice %arg11[%dma_wait3A, %dma_wait3A_46, %dma_wait3A_47] : memref<2x128x128xf32, #tpu.memory_space<vmem>> -> memref<1x128x128xf32, #tpu.memory_space<vmem>>
      %dma_wait3A_49 = tpu.memref_squeeze %dma_wait3A_48 : memref<1x128x128xf32, #tpu.memory_space<vmem>> -> memref<128x128xf32, #tpu.memory_space<vmem>>
      %dma_wait3A_50 = arith.constant 0 : i32
      %dma_wait3A_51 = arith.constant 0 : i32
      %dma_wait3A_52 = tpu.memref_slice %arg2[%dma_wait3A_50, %dma_wait3A_51] : memref<40000x128xf32, #tpu.memory_space<hbm>> -> memref<40000x128xf32, #tpu.memory_space<hbm>>
      tpu.wait_indirect_dma semaphore(%arg13 : memref<!tpu.dma_semaphore, #tpu.memory_space<semaphore_mem>>) src(%dma_wait3A_52 : memref<40000x128xf32, #tpu.memory_space<hbm>>) dst(%dma_wait3A_49 : memref<128x128xf32, #tpu.memory_space<vmem>>)
      %dma_start3A = arith.constant 0 : i32
      %dma_start3A_53 = arith.constant 0 : i32
      %dma_start3A_54 = arith.constant 0 : i32
      %dma_start3A_55 = tpu.memref_slice %arg11[%dma_start3A, %dma_start3A_53, %dma_start3A_54] : memref<2x128x128xf32, #tpu.memory_space<vmem>> -> memref<1x128x128xf32, #tpu.memory_space<vmem>>
      %dma_start3A_56 = tpu.memref_squeeze %dma_start3A_55 : memref<1x128x128xf32, #tpu.memory_space<vmem>> -> memref<128x128xf32, #tpu.memory_space<vmem>>
      %dma_start3A_57 = arith.constant 0 : i32
      %dma_start3A_58 = arith.constant 0 : i32
      %dma_start3A_59 = tpu.memref_slice %arg12[%dma_start3A_57, %dma_start3A_58] : memref<10112x128xf32, #tpu.memory_space<vmem_shared>> -> memref<10112x128xf32, #tpu.memory_space<vmem_shared>>
      tpu.enqueue_indirect_dma source(%dma_start3A_56 : memref<128x128xf32, #tpu.memory_space<vmem>>) target(%dma_start3A_59 : memref<10112x128xf32, #tpu.memory_space<vmem_shared>>) offsets(%arg9 : memref<128xi32, #tpu.memory_space<vmem>>) semaphore(%arg15 : memref<!tpu.dma_semaphore, #tpu.memory_space<semaphore_mem>>) {add = true}
      %dma_wait3A_60 = arith.constant 0 : i32
      %dma_wait3A_61 = arith.constant 0 : i32
      %dma_wait3A_62 = arith.constant 0 : i32
      %dma_wait3A_63 = tpu.memref_slice %arg11[%dma_wait3A_60, %dma_wait3A_61, %dma_wait3A_62] : memref<2x128x128xf32, #tpu.memory_space<vmem>> -> memref<1x128x128xf32, #tpu.memory_space<vmem>>
      %dma_wait3A_64 = tpu.memref_squeeze %dma_wait3A_63 : memref<1x128x128xf32, #tpu.memory_space<vmem>> -> memref<128x128xf32, #tpu.memory_space<vmem>>
      %dma_wait3A_65 = arith.constant 0 : i32
      %dma_wait3A_66 = arith.constant 0 : i32
      %dma_wait3A_67 = tpu.memref_slice %arg12[%dma_wait3A_65, %dma_wait3A_66] : memref<10112x128xf32, #tpu.memory_space<vmem_shared>> -> memref<10112x128xf32, #tpu.memory_space<vmem_shared>>
      tpu.wait_indirect_dma semaphore(%arg15 : memref<!tpu.dma_semaphore, #tpu.memory_space<semaphore_mem>>) src(%dma_wait3A_64 : memref<128x128xf32, #tpu.memory_space<vmem>>) dst(%dma_wait3A_67 : memref<10112x128xf32, #tpu.memory_space<vmem_shared>>)
      %add3A_68 = arith.constant 2 : i32
      %add3A_69 = arith.addi %add3A_45, %add3A_68 : i32
      %lt3A = arith.cmpi slt, %add3A_69, %select_n3A : i32
      %convert_element_type3A_70 = arith.extui %lt3A : i1 to i32
      %cond3A_71 = arith.constant 0 : i32
      %cond3A_72 = arith.cmpi ne, %convert_element_type3A_70, %cond3A_71 : i32
      scf.if %cond3A_72 {
        %add3A_107 = arith.addi %select_n3A_10, %add3A_45 : i32
        %add3A_108 = arith.constant 2 : i32
        %add3A_109 = arith.addi %add3A_107, %add3A_108 : i32
        "tpu.region"() ({
          %run_scoped3A = tpu.sem_alloc : memref<!tpu.dma_semaphore, #tpu.memory_space<semaphore_mem>>
          %dma_start3A_121 = arith.constant 0 : i32
          %dma_start3A_122 = tpu.memref_slice %arg3[%add3A_109, %dma_start3A_121] : memref<2560x128xi32, #tpu.memory_space<hbm>> -> memref<1x128xi32, #tpu.memory_space<hbm>>
          %dma_start3A_123 = tpu.memref_squeeze %dma_start3A_122 : memref<1x128xi32, #tpu.memory_space<hbm>> -> memref<128xi32, #tpu.memory_space<hbm>>
          %dma_start3A_124 = arith.constant 0 : i32
          %dma_start3A_125 = tpu.memref_slice %arg3[%add3A_109, %dma_start3A_124] : memref<2560x128xi32, #tpu.memory_space<hbm>> -> memref<1x128xi32, #tpu.memory_space<hbm>>
          %dma_start3A_126 = tpu.memref_squeeze %dma_start3A_125 : memref<1x128xi32, #tpu.memory_space<hbm>> -> memref<128xi32, #tpu.memory_space<hbm>>
          tpu.enqueue_dma source(%dma_start3A_126 : memref<128xi32, #tpu.memory_space<hbm>>) target(%arg7 : memref<128xi32, #tpu.memory_space<vmem>>) target_semaphore(%run_scoped3A : memref<!tpu.dma_semaphore, #tpu.memory_space<semaphore_mem>>)
          %dma_wait3A_127 = arith.constant 0 : i32
          %dma_wait3A_128 = tpu.memref_slice %arg3[%add3A_109, %dma_wait3A_127] : memref<2560x128xi32, #tpu.memory_space<hbm>> -> memref<1x128xi32, #tpu.memory_space<hbm>>
          %dma_wait3A_129 = tpu.memref_squeeze %dma_wait3A_128 : memref<1x128xi32, #tpu.memory_space<hbm>> -> memref<128xi32, #tpu.memory_space<hbm>>
          %dma_wait3A_130 = arith.constant 0 : i32
          %dma_wait3A_131 = tpu.memref_slice %arg3[%add3A_109, %dma_wait3A_130] : memref<2560x128xi32, #tpu.memory_space<hbm>> -> memref<1x128xi32, #tpu.memory_space<hbm>>
          %dma_wait3A_132 = tpu.memref_squeeze %dma_wait3A_131 : memref<1x128xi32, #tpu.memory_space<hbm>> -> memref<128xi32, #tpu.memory_space<hbm>>
          tpu.wait_dma2 semaphore(%run_scoped3A : memref<!tpu.dma_semaphore, #tpu.memory_space<semaphore_mem>>) src(%dma_wait3A_132 : memref<128xi32, #tpu.memory_space<hbm>>) dst(%arg7 : memref<128xi32, #tpu.memory_space<vmem>>)
          tpu.yield
        }) : () -> ()
        %add3A_110 = arith.addi %select_n3A_10, %add3A_45 : i32
        %add3A_111 = arith.constant 2 : i32
        %add3A_112 = arith.addi %add3A_110, %add3A_111 : i32
        "tpu.region"() ({
          %run_scoped3A = tpu.sem_alloc : memref<!tpu.dma_semaphore, #tpu.memory_space<semaphore_mem>>
          %dma_start3A_121 = arith.constant 0 : i32
          %dma_start3A_122 = tpu.memref_slice %arg4[%add3A_112, %dma_start3A_121] : memref<2560x128xi32, #tpu.memory_space<hbm>> -> memref<1x128xi32, #tpu.memory_space<hbm>>
          %dma_start3A_123 = tpu.memref_squeeze %dma_start3A_122 : memref<1x128xi32, #tpu.memory_space<hbm>> -> memref<128xi32, #tpu.memory_space<hbm>>
          %dma_start3A_124 = arith.constant 0 : i32
          %dma_start3A_125 = tpu.memref_slice %arg4[%add3A_112, %dma_start3A_124] : memref<2560x128xi32, #tpu.memory_space<hbm>> -> memref<1x128xi32, #tpu.memory_space<hbm>>
          %dma_start3A_126 = tpu.memref_squeeze %dma_start3A_125 : memref<1x128xi32, #tpu.memory_space<hbm>> -> memref<128xi32, #tpu.memory_space<hbm>>
          tpu.enqueue_dma source(%dma_start3A_126 : memref<128xi32, #tpu.memory_space<hbm>>) target(%arg9 : memref<128xi32, #tpu.memory_space<vmem>>) target_semaphore(%run_scoped3A : memref<!tpu.dma_semaphore, #tpu.memory_space<semaphore_mem>>)
          %dma_wait3A_127 = arith.constant 0 : i32
          %dma_wait3A_128 = tpu.memref_slice %arg4[%add3A_112, %dma_wait3A_127] : memref<2560x128xi32, #tpu.memory_space<hbm>> -> memref<1x128xi32, #tpu.memory_space<hbm>>
          %dma_wait3A_129 = tpu.memref_squeeze %dma_wait3A_128 : memref<1x128xi32, #tpu.memory_space<hbm>> -> memref<128xi32, #tpu.memory_space<hbm>>
          %dma_wait3A_130 = arith.constant 0 : i32
          %dma_wait3A_131 = tpu.memref_slice %arg4[%add3A_112, %dma_wait3A_130] : memref<2560x128xi32, #tpu.memory_space<hbm>> -> memref<1x128xi32, #tpu.memory_space<hbm>>
          %dma_wait3A_132 = tpu.memref_squeeze %dma_wait3A_131 : memref<1x128xi32, #tpu.memory_space<hbm>> -> memref<128xi32, #tpu.memory_space<hbm>>
          tpu.wait_dma2 semaphore(%run_scoped3A : memref<!tpu.dma_semaphore, #tpu.memory_space<semaphore_mem>>) src(%dma_wait3A_132 : memref<128xi32, #tpu.memory_space<hbm>>) dst(%arg9 : memref<128xi32, #tpu.memory_space<vmem>>)
          tpu.yield
        }) : () -> ()
        %dma_start3A_113 = arith.constant 0 : i32
        %dma_start3A_114 = arith.constant 0 : i32
        %dma_start3A_115 = arith.constant 0 : i32
        %dma_start3A_116 = tpu.memref_slice %arg11[%dma_start3A_113, %dma_start3A_114, %dma_start3A_115] : memref<2x128x128xf32, #tpu.memory_space<vmem>> -> memref<1x128x128xf32, #tpu.memory_space<vmem>>
        %dma_start3A_117 = tpu.memref_squeeze %dma_start3A_116 : memref<1x128x128xf32, #tpu.memory_space<vmem>> -> memref<128x128xf32, #tpu.memory_space<vmem>>
        %dma_start3A_118 = arith.constant 0 : i32
        %dma_start3A_119 = arith.constant 0 : i32
        %dma_start3A_120 = tpu.memref_slice %arg2[%dma_start3A_118, %dma_start3A_119] : memref<40000x128xf32, #tpu.memory_space<hbm>> -> memref<40000x128xf32, #tpu.memory_space<hbm>>
        tpu.enqueue_indirect_dma source(%dma_start3A_120 : memref<40000x128xf32, #tpu.memory_space<hbm>>) target(%dma_start3A_117 : memref<128x128xf32, #tpu.memory_space<vmem>>) offsets(%arg7 : memref<128xi32, #tpu.memory_space<vmem>>) semaphore(%arg13 : memref<!tpu.dma_semaphore, #tpu.memory_space<semaphore_mem>>)
      } else {
      }
      %mul3A_73 = arith.constant 2 : i32
      %mul3A_74 = arith.muli %mul3A_73, %while3A_41 : i32
      %add3A_75 = arith.constant 1 : i32
      %add3A_76 = arith.addi %mul3A_74, %add3A_75 : i32
      %dma_wait3A_77 = arith.constant 1 : i32
      %dma_wait3A_78 = arith.constant 0 : i32
      %dma_wait3A_79 = arith.constant 0 : i32
      %dma_wait3A_80 = tpu.memref_slice %arg11[%dma_wait3A_77, %dma_wait3A_78, %dma_wait3A_79] : memref<2x128x128xf32, #tpu.memory_space<vmem>> -> memref<1x128x128xf32, #tpu.memory_space<vmem>>
      %dma_wait3A_81 = tpu.memref_squeeze %dma_wait3A_80 : memref<1x128x128xf32, #tpu.memory_space<vmem>> -> memref<128x128xf32, #tpu.memory_space<vmem>>
      %dma_wait3A_82 = arith.constant 0 : i32
      %dma_wait3A_83 = arith.constant 0 : i32
      %dma_wait3A_84 = tpu.memref_slice %arg2[%dma_wait3A_82, %dma_wait3A_83] : memref<40000x128xf32, #tpu.memory_space<hbm>> -> memref<40000x128xf32, #tpu.memory_space<hbm>>
      tpu.wait_indirect_dma semaphore(%arg14 : memref<!tpu.dma_semaphore, #tpu.memory_space<semaphore_mem>>) src(%dma_wait3A_84 : memref<40000x128xf32, #tpu.memory_space<hbm>>) dst(%dma_wait3A_81 : memref<128x128xf32, #tpu.memory_space<vmem>>)
      %dma_start3A_85 = arith.constant 1 : i32
      %dma_start3A_86 = arith.constant 0 : i32
      %dma_start3A_87 = arith.constant 0 : i32
      %dma_start3A_88 = tpu.memref_slice %arg11[%dma_start3A_85, %dma_start3A_86, %dma_start3A_87] : memref<2x128x128xf32, #tpu.memory_space<vmem>> -> memref<1x128x128xf32, #tpu.memory_space<vmem>>
      %dma_start3A_89 = tpu.memref_squeeze %dma_start3A_88 : memref<1x128x128xf32, #tpu.memory_space<vmem>> -> memref<128x128xf32, #tpu.memory_space<vmem>>
      %dma_start3A_90 = arith.constant 0 : i32
      %dma_start3A_91 = arith.constant 0 : i32
      %dma_start3A_92 = tpu.memref_slice %arg12[%dma_start3A_90, %dma_start3A_91] : memref<10112x128xf32, #tpu.memory_space<vmem_shared>> -> memref<10112x128xf32, #tpu.memory_space<vmem_shared>>
      tpu.enqueue_indirect_dma source(%dma_start3A_89 : memref<128x128xf32, #tpu.memory_space<vmem>>) target(%dma_start3A_92 : memref<10112x128xf32, #tpu.memory_space<vmem_shared>>) offsets(%arg10 : memref<128xi32, #tpu.memory_space<vmem>>) semaphore(%arg16 : memref<!tpu.dma_semaphore, #tpu.memory_space<semaphore_mem>>) {add = true}
      %dma_wait3A_93 = arith.constant 1 : i32
      %dma_wait3A_94 = arith.constant 0 : i32
      %dma_wait3A_95 = arith.constant 0 : i32
      %dma_wait3A_96 = tpu.memref_slice %arg11[%dma_wait3A_93, %dma_wait3A_94, %dma_wait3A_95] : memref<2x128x128xf32, #tpu.memory_space<vmem>> -> memref<1x128x128xf32, #tpu.memory_space<vmem>>
      %dma_wait3A_97 = tpu.memref_squeeze %dma_wait3A_96 : memref<1x128x128xf32, #tpu.memory_space<vmem>> -> memref<128x128xf32, #tpu.memory_space<vmem>>
      %dma_wait3A_98 = arith.constant 0 : i32
      %dma_wait3A_99 = arith.constant 0 : i32
      %dma_wait3A_100 = tpu.memref_slice %arg12[%dma_wait3A_98, %dma_wait3A_99] : memref<10112x128xf32, #tpu.memory_space<vmem_shared>> -> memref<10112x128xf32, #tpu.memory_space<vmem_shared>>
      tpu.wait_indirect_dma semaphore(%arg16 : memref<!tpu.dma_semaphore, #tpu.memory_space<semaphore_mem>>) src(%dma_wait3A_97 : memref<128x128xf32, #tpu.memory_space<vmem>>) dst(%dma_wait3A_100 : memref<10112x128xf32, #tpu.memory_space<vmem_shared>>)
      %add3A_101 = arith.constant 2 : i32
      %add3A_102 = arith.addi %add3A_76, %add3A_101 : i32
      %lt3A_103 = arith.cmpi slt, %add3A_102, %select_n3A : i32
      %convert_element_type3A_104 = arith.extui %lt3A_103 : i1 to i32
      %cond3A_105 = arith.constant 0 : i32
      %cond3A_106 = arith.cmpi ne, %convert_element_type3A_104, %cond3A_105 : i32
      scf.if %cond3A_106 {
        %add3A_107 = arith.addi %select_n3A_10, %add3A_76 : i32
        %add3A_108 = arith.constant 2 : i32
        %add3A_109 = arith.addi %add3A_107, %add3A_108 : i32
        "tpu.region"() ({
          %run_scoped3A = tpu.sem_alloc : memref<!tpu.dma_semaphore, #tpu.memory_space<semaphore_mem>>
          %dma_start3A_121 = arith.constant 0 : i32
          %dma_start3A_122 = tpu.memref_slice %arg3[%add3A_109, %dma_start3A_121] : memref<2560x128xi32, #tpu.memory_space<hbm>> -> memref<1x128xi32, #tpu.memory_space<hbm>>
          %dma_start3A_123 = tpu.memref_squeeze %dma_start3A_122 : memref<1x128xi32, #tpu.memory_space<hbm>> -> memref<128xi32, #tpu.memory_space<hbm>>
          %dma_start3A_124 = arith.constant 0 : i32
          %dma_start3A_125 = tpu.memref_slice %arg3[%add3A_109, %dma_start3A_124] : memref<2560x128xi32, #tpu.memory_space<hbm>> -> memref<1x128xi32, #tpu.memory_space<hbm>>
          %dma_start3A_126 = tpu.memref_squeeze %dma_start3A_125 : memref<1x128xi32, #tpu.memory_space<hbm>> -> memref<128xi32, #tpu.memory_space<hbm>>
          tpu.enqueue_dma source(%dma_start3A_126 : memref<128xi32, #tpu.memory_space<hbm>>) target(%arg8 : memref<128xi32, #tpu.memory_space<vmem>>) target_semaphore(%run_scoped3A : memref<!tpu.dma_semaphore, #tpu.memory_space<semaphore_mem>>)
          %dma_wait3A_127 = arith.constant 0 : i32
          %dma_wait3A_128 = tpu.memref_slice %arg3[%add3A_109, %dma_wait3A_127] : memref<2560x128xi32, #tpu.memory_space<hbm>> -> memref<1x128xi32, #tpu.memory_space<hbm>>
          %dma_wait3A_129 = tpu.memref_squeeze %dma_wait3A_128 : memref<1x128xi32, #tpu.memory_space<hbm>> -> memref<128xi32, #tpu.memory_space<hbm>>
          %dma_wait3A_130 = arith.constant 0 : i32
          %dma_wait3A_131 = tpu.memref_slice %arg3[%add3A_109, %dma_wait3A_130] : memref<2560x128xi32, #tpu.memory_space<hbm>> -> memref<1x128xi32, #tpu.memory_space<hbm>>
          %dma_wait3A_132 = tpu.memref_squeeze %dma_wait3A_131 : memref<1x128xi32, #tpu.memory_space<hbm>> -> memref<128xi32, #tpu.memory_space<hbm>>
          tpu.wait_dma2 semaphore(%run_scoped3A : memref<!tpu.dma_semaphore, #tpu.memory_space<semaphore_mem>>) src(%dma_wait3A_132 : memref<128xi32, #tpu.memory_space<hbm>>) dst(%arg8 : memref<128xi32, #tpu.memory_space<vmem>>)
          tpu.yield
        }) : () -> ()
        %add3A_110 = arith.addi %select_n3A_10, %add3A_76 : i32
        %add3A_111 = arith.constant 2 : i32
        %add3A_112 = arith.addi %add3A_110, %add3A_111 : i32
        "tpu.region"() ({
          %run_scoped3A = tpu.sem_alloc : memref<!tpu.dma_semaphore, #tpu.memory_space<semaphore_mem>>
          %dma_start3A_121 = arith.constant 0 : i32
          %dma_start3A_122 = tpu.memref_slice %arg4[%add3A_112, %dma_start3A_121] : memref<2560x128xi32, #tpu.memory_space<hbm>> -> memref<1x128xi32, #tpu.memory_space<hbm>>
          %dma_start3A_123 = tpu.memref_squeeze %dma_start3A_122 : memref<1x128xi32, #tpu.memory_space<hbm>> -> memref<128xi32, #tpu.memory_space<hbm>>
          %dma_start3A_124 = arith.constant 0 : i32
          %dma_start3A_125 = tpu.memref_slice %arg4[%add3A_112, %dma_start3A_124] : memref<2560x128xi32, #tpu.memory_space<hbm>> -> memref<1x128xi32, #tpu.memory_space<hbm>>
          %dma_start3A_126 = tpu.memref_squeeze %dma_start3A_125 : memref<1x128xi32, #tpu.memory_space<hbm>> -> memref<128xi32, #tpu.memory_space<hbm>>
          tpu.enqueue_dma source(%dma_start3A_126 : memref<128xi32, #tpu.memory_space<hbm>>) target(%arg10 : memref<128xi32, #tpu.memory_space<vmem>>) target_semaphore(%run_scoped3A : memref<!tpu.dma_semaphore, #tpu.memory_space<semaphore_mem>>)
          %dma_wait3A_127 = arith.constant 0 : i32
          %dma_wait3A_128 = tpu.memref_slice %arg4[%add3A_112, %dma_wait3A_127] : memref<2560x128xi32, #tpu.memory_space<hbm>> -> memref<1x128xi32, #tpu.memory_space<hbm>>
          %dma_wait3A_129 = tpu.memref_squeeze %dma_wait3A_128 : memref<1x128xi32, #tpu.memory_space<hbm>> -> memref<128xi32, #tpu.memory_space<hbm>>
          %dma_wait3A_130 = arith.constant 0 : i32
          %dma_wait3A_131 = tpu.memref_slice %arg4[%add3A_112, %dma_wait3A_130] : memref<2560x128xi32, #tpu.memory_space<hbm>> -> memref<1x128xi32, #tpu.memory_space<hbm>>
          %dma_wait3A_132 = tpu.memref_squeeze %dma_wait3A_131 : memref<1x128xi32, #tpu.memory_space<hbm>> -> memref<128xi32, #tpu.memory_space<hbm>>
          tpu.wait_dma2 semaphore(%run_scoped3A : memref<!tpu.dma_semaphore, #tpu.memory_space<semaphore_mem>>) src(%dma_wait3A_132 : memref<128xi32, #tpu.memory_space<hbm>>) dst(%arg10 : memref<128xi32, #tpu.memory_space<vmem>>)
          tpu.yield
        }) : () -> ()
        %dma_start3A_113 = arith.constant 1 : i32
        %dma_start3A_114 = arith.constant 0 : i32
        %dma_start3A_115 = arith.constant 0 : i32
        %dma_start3A_116 = tpu.memref_slice %arg11[%dma_start3A_113, %dma_start3A_114, %dma_start3A_115] : memref<2x128x128xf32, #tpu.memory_space<vmem>> -> memref<1x128x128xf32, #tpu.memory_space<vmem>>
        %dma_start3A_117 = tpu.memref_squeeze %dma_start3A_116 : memref<1x128x128xf32, #tpu.memory_space<vmem>> -> memref<128x128xf32, #tpu.memory_space<vmem>>
        %dma_start3A_118 = arith.constant 0 : i32
        %dma_start3A_119 = arith.constant 0 : i32
        %dma_start3A_120 = tpu.memref_slice %arg2[%dma_start3A_118, %dma_start3A_119] : memref<40000x128xf32, #tpu.memory_space<hbm>> -> memref<40000x128xf32, #tpu.memory_space<hbm>>
        tpu.enqueue_indirect_dma source(%dma_start3A_120 : memref<40000x128xf32, #tpu.memory_space<hbm>>) target(%dma_start3A_117 : memref<128x128xf32, #tpu.memory_space<vmem>>) offsets(%arg8 : memref<128xi32, #tpu.memory_space<vmem>>) semaphore(%arg14 : memref<!tpu.dma_semaphore, #tpu.memory_space<semaphore_mem>>)
      } else {
      }
    }
    %while3A_39 = arith.constant 1 : i32
    scf.for %while3A_41 = %while3A_37 to %while3A_33 step %while3A_39  : i32 {
      %mul3A_42 = arith.constant 2 : i32
      %mul3A_43 = arith.muli %mul3A_42, %while3A_41 : i32
      %add3A_44 = arith.constant 0 : i32
      %add3A_45 = arith.addi %mul3A_43, %add3A_44 : i32
      %dma_wait3A = arith.constant 0 : i32
      %dma_wait3A_46 = arith.constant 0 : i32
      %dma_wait3A_47 = arith.constant 0 : i32
      %dma_wait3A_48 = tpu.memref_slice %arg11[%dma_wait3A, %dma_wait3A_46, %dma_wait3A_47] : memref<2x128x128xf32, #tpu.memory_space<vmem>> -> memref<1x128x128xf32, #tpu.memory_space<vmem>>
      %dma_wait3A_49 = tpu.memref_squeeze %dma_wait3A_48 : memref<1x128x128xf32, #tpu.memory_space<vmem>> -> memref<128x128xf32, #tpu.memory_space<vmem>>
      %dma_wait3A_50 = arith.constant 0 : i32
      %dma_wait3A_51 = arith.constant 0 : i32
      %dma_wait3A_52 = tpu.memref_slice %arg2[%dma_wait3A_50, %dma_wait3A_51] : memref<40000x128xf32, #tpu.memory_space<hbm>> -> memref<40000x128xf32, #tpu.memory_space<hbm>>
      tpu.wait_indirect_dma semaphore(%arg13 : memref<!tpu.dma_semaphore, #tpu.memory_space<semaphore_mem>>) src(%dma_wait3A_52 : memref<40000x128xf32, #tpu.memory_space<hbm>>) dst(%dma_wait3A_49 : memref<128x128xf32, #tpu.memory_space<vmem>>)
      %dma_start3A = arith.constant 0 : i32
      %dma_start3A_53 = arith.constant 0 : i32
      %dma_start3A_54 = arith.constant 0 : i32
      %dma_start3A_55 = tpu.memref_slice %arg11[%dma_start3A, %dma_start3A_53, %dma_start3A_54] : memref<2x128x128xf32, #tpu.memory_space<vmem>> -> memref<1x128x128xf32, #tpu.memory_space<vmem>>
      %dma_start3A_56 = tpu.memref_squeeze %dma_start3A_55 : memref<1x128x128xf32, #tpu.memory_space<vmem>> -> memref<128x128xf32, #tpu.memory_space<vmem>>
      %dma_start3A_57 = arith.constant 0 : i32
      %dma_start3A_58 = arith.constant 0 : i32
      %dma_start3A_59 = tpu.memref_slice %arg12[%dma_start3A_57, %dma_start3A_58] : memref<10112x128xf32, #tpu.memory_space<vmem_shared>> -> memref<10112x128xf32, #tpu.memory_space<vmem_shared>>
      tpu.enqueue_indirect_dma source(%dma_start3A_56 : memref<128x128xf32, #tpu.memory_space<vmem>>) target(%dma_start3A_59 : memref<10112x128xf32, #tpu.memory_space<vmem_shared>>) offsets(%arg9 : memref<128xi32, #tpu.memory_space<vmem>>) semaphore(%arg15 : memref<!tpu.dma_semaphore, #tpu.memory_space<semaphore_mem>>) {add = true}
      %dma_wait3A_60 = arith.constant 0 : i32
      %dma_wait3A_61 = arith.constant 0 : i32
      %dma_wait3A_62 = arith.constant 0 : i32
      %dma_wait3A_63 = tpu.memref_slice %arg11[%dma_wait3A_60, %dma_wait3A_61, %dma_wait3A_62] : memref<2x128x128xf32, #tpu.memory_space<vmem>> -> memref<1x128x128xf32, #tpu.memory_space<vmem>>
      %dma_wait3A_64 = tpu.memref_squeeze %dma_wait3A_63 : memref<1x128x128xf32, #tpu.memory_space<vmem>> -> memref<128x128xf32, #tpu.memory_space<vmem>>
      %dma_wait3A_65 = arith.constant 0 : i32
      %dma_wait3A_66 = arith.constant 0 : i32
      %dma_wait3A_67 = tpu.memref_slice %arg12[%dma_wait3A_65, %dma_wait3A_66] : memref<10112x128xf32, #tpu.memory_space<vmem_shared>> -> memref<10112x128xf32, #tpu.memory_space<vmem_shared>>
      tpu.wait_indirect_dma semaphore(%arg15 : memref<!tpu.dma_semaphore, #tpu.memory_space<semaphore_mem>>) src(%dma_wait3A_64 : memref<128x128xf32, #tpu.memory_space<vmem>>) dst(%dma_wait3A_67 : memref<10112x128xf32, #tpu.memory_space<vmem_shared>>)
      %add3A_68 = arith.constant 2 : i32
      %add3A_69 = arith.addi %add3A_45, %add3A_68 : i32
      %lt3A = arith.cmpi slt, %add3A_69, %select_n3A : i32
      %convert_element_type3A_70 = arith.extui %lt3A : i1 to i32
      %cond3A_71 = arith.constant 0 : i32
      %cond3A_72 = arith.cmpi ne, %convert_element_type3A_70, %cond3A_71 : i32
      scf.if %cond3A_72 {
        %add3A_107 = arith.addi %select_n3A_10, %add3A_45 : i32
        %add3A_108 = arith.constant 2 : i32
        %add3A_109 = arith.addi %add3A_107, %add3A_108 : i32
        "tpu.region"() ({
          %run_scoped3A = tpu.sem_alloc : memref<!tpu.dma_semaphore, #tpu.memory_space<semaphore_mem>>
          %dma_start3A_121 = arith.constant 0 : i32
          %dma_start3A_122 = tpu.memref_slice %arg3[%add3A_109, %dma_start3A_121] : memref<2560x128xi32, #tpu.memory_space<hbm>> -> memref<1x128xi32, #tpu.memory_space<hbm>>
          %dma_start3A_123 = tpu.memref_squeeze %dma_start3A_122 : memref<1x128xi32, #tpu.memory_space<hbm>> -> memref<128xi32, #tpu.memory_space<hbm>>
          %dma_start3A_124 = arith.constant 0 : i32
          %dma_start3A_125 = tpu.memref_slice %arg3[%add3A_109, %dma_start3A_124] : memref<2560x128xi32, #tpu.memory_space<hbm>> -> memref<1x128xi32, #tpu.memory_space<hbm>>
          %dma_start3A_126 = tpu.memref_squeeze %dma_start3A_125 : memref<1x128xi32, #tpu.memory_space<hbm>> -> memref<128xi32, #tpu.memory_space<hbm>>
          tpu.enqueue_dma source(%dma_start3A_126 : memref<128xi32, #tpu.memory_space<hbm>>) target(%arg7 : memref<128xi32, #tpu.memory_space<vmem>>) target_semaphore(%run_scoped3A : memref<!tpu.dma_semaphore, #tpu.memory_space<semaphore_mem>>)
          %dma_wait3A_127 = arith.constant 0 : i32
          %dma_wait3A_128 = tpu.memref_slice %arg3[%add3A_109, %dma_wait3A_127] : memref<2560x128xi32, #tpu.memory_space<hbm>> -> memref<1x128xi32, #tpu.memory_space<hbm>>
          %dma_wait3A_129 = tpu.memref_squeeze %dma_wait3A_128 : memref<1x128xi32, #tpu.memory_space<hbm>> -> memref<128xi32, #tpu.memory_space<hbm>>
          %dma_wait3A_130 = arith.constant 0 : i32
          %dma_wait3A_131 = tpu.memref_slice %arg3[%add3A_109, %dma_wait3A_130] : memref<2560x128xi32, #tpu.memory_space<hbm>> -> memref<1x128xi32, #tpu.memory_space<hbm>>
          %dma_wait3A_132 = tpu.memref_squeeze %dma_wait3A_131 : memref<1x128xi32, #tpu.memory_space<hbm>> -> memref<128xi32, #tpu.memory_space<hbm>>
          tpu.wait_dma2 semaphore(%run_scoped3A : memref<!tpu.dma_semaphore, #tpu.memory_space<semaphore_mem>>) src(%dma_wait3A_132 : memref<128xi32, #tpu.memory_space<hbm>>) dst(%arg7 : memref<128xi32, #tpu.memory_space<vmem>>)
          tpu.yield
        }) : () -> ()
        %add3A_110 = arith.addi %select_n3A_10, %add3A_45 : i32
        %add3A_111 = arith.constant 2 : i32
        %add3A_112 = arith.addi %add3A_110, %add3A_111 : i32
        "tpu.region"() ({
          %run_scoped3A = tpu.sem_alloc : memref<!tpu.dma_semaphore, #tpu.memory_space<semaphore_mem>>
          %dma_start3A_121 = arith.constant 0 : i32
          %dma_start3A_122 = tpu.memref_slice %arg4[%add3A_112, %dma_start3A_121] : memref<2560x128xi32, #tpu.memory_space<hbm>> -> memref<1x128xi32, #tpu.memory_space<hbm>>
          %dma_start3A_123 = tpu.memref_squeeze %dma_start3A_122 : memref<1x128xi32, #tpu.memory_space<hbm>> -> memref<128xi32, #tpu.memory_space<hbm>>
          %dma_start3A_124 = arith.constant 0 : i32
          %dma_start3A_125 = tpu.memref_slice %arg4[%add3A_112, %dma_start3A_124] : memref<2560x128xi32, #tpu.memory_space<hbm>> -> memref<1x128xi32, #tpu.memory_space<hbm>>
          %dma_start3A_126 = tpu.memref_squeeze %dma_start3A_125 : memref<1x128xi32, #tpu.memory_space<hbm>> -> memref<128xi32, #tpu.memory_space<hbm>>
          tpu.enqueue_dma source(%dma_start3A_126 : memref<128xi32, #tpu.memory_space<hbm>>) target(%arg9 : memref<128xi32, #tpu.memory_space<vmem>>) target_semaphore(%run_scoped3A : memref<!tpu.dma_semaphore, #tpu.memory_space<semaphore_mem>>)
          %dma_wait3A_127 = arith.constant 0 : i32
          %dma_wait3A_128 = tpu.memref_slice %arg4[%add3A_112, %dma_wait3A_127] : memref<2560x128xi32, #tpu.memory_space<hbm>> -> memref<1x128xi32, #tpu.memory_space<hbm>>
          %dma_wait3A_129 = tpu.memref_squeeze %dma_wait3A_128 : memref<1x128xi32, #tpu.memory_space<hbm>> -> memref<128xi32, #tpu.memory_space<hbm>>
          %dma_wait3A_130 = arith.constant 0 : i32
          %dma_wait3A_131 = tpu.memref_slice %arg4[%add3A_112, %dma_wait3A_130] : memref<2560x128xi32, #tpu.memory_space<hbm>> -> memref<1x128xi32, #tpu.memory_space<hbm>>
          %dma_wait3A_132 = tpu.memref_squeeze %dma_wait3A_131 : memref<1x128xi32, #tpu.memory_space<hbm>> -> memref<128xi32, #tpu.memory_space<hbm>>
          tpu.wait_dma2 semaphore(%run_scoped3A : memref<!tpu.dma_semaphore, #tpu.memory_space<semaphore_mem>>) src(%dma_wait3A_132 : memref<128xi32, #tpu.memory_space<hbm>>) dst(%arg9 : memref<128xi32, #tpu.memory_space<vmem>>)
          tpu.yield
        }) : () -> ()
        %dma_start3A_113 = arith.constant 0 : i32
        %dma_start3A_114 = arith.constant 0 : i32
        %dma_start3A_115 = arith.constant 0 : i32
        %dma_start3A_116 = tpu.memref_slice %arg11[%dma_start3A_113, %dma_start3A_114, %dma_start3A_115] : memref<2x128x128xf32, #tpu.memory_space<vmem>> -> memref<1x128x128xf32, #tpu.memory_space<vmem>>
        %dma_start3A_117 = tpu.memref_squeeze %dma_start3A_116 : memref<1x128x128xf32, #tpu.memory_space<vmem>> -> memref<128x128xf32, #tpu.memory_space<vmem>>
        %dma_start3A_118 = arith.constant 0 : i32
        %dma_start3A_119 = arith.constant 0 : i32
        %dma_start3A_120 = tpu.memref_slice %arg2[%dma_start3A_118, %dma_start3A_119] : memref<40000x128xf32, #tpu.memory_space<hbm>> -> memref<40000x128xf32, #tpu.memory_space<hbm>>
        tpu.enqueue_indirect_dma source(%dma_start3A_120 : memref<40000x128xf32, #tpu.memory_space<hbm>>) target(%dma_start3A_117 : memref<128x128xf32, #tpu.memory_space<vmem>>) offsets(%arg7 : memref<128xi32, #tpu.memory_space<vmem>>) semaphore(%arg13 : memref<!tpu.dma_semaphore, #tpu.memory_space<semaphore_mem>>)
      } else {
      }
      %mul3A_73 = arith.constant 2 : i32
      %mul3A_74 = arith.muli %mul3A_73, %while3A_41 : i32
      %add3A_75 = arith.constant 1 : i32
      %add3A_76 = arith.addi %mul3A_74, %add3A_75 : i32
      %dma_wait3A_77 = arith.constant 1 : i32
      %dma_wait3A_78 = arith.constant 0 : i32
      %dma_wait3A_79 = arith.constant 0 : i32
      %dma_wait3A_80 = tpu.memref_slice %arg11[%dma_wait3A_77, %dma_wait3A_78, %dma_wait3A_79] : memref<2x128x128xf32, #tpu.memory_space<vmem>> -> memref<1x128x128xf32, #tpu.memory_space<vmem>>
      %dma_wait3A_81 = tpu.memref_squeeze %dma_wait3A_80 : memref<1x128x128xf32, #tpu.memory_space<vmem>> -> memref<128x128xf32, #tpu.memory_space<vmem>>
      %dma_wait3A_82 = arith.constant 0 : i32
      %dma_wait3A_83 = arith.constant 0 : i32
      %dma_wait3A_84 = tpu.memref_slice %arg2[%dma_wait3A_82, %dma_wait3A_83] : memref<40000x128xf32, #tpu.memory_space<hbm>> -> memref<40000x128xf32, #tpu.memory_space<hbm>>
      tpu.wait_indirect_dma semaphore(%arg14 : memref<!tpu.dma_semaphore, #tpu.memory_space<semaphore_mem>>) src(%dma_wait3A_84 : memref<40000x128xf32, #tpu.memory_space<hbm>>) dst(%dma_wait3A_81 : memref<128x128xf32, #tpu.memory_space<vmem>>)
      %dma_start3A_85 = arith.constant 1 : i32
      %dma_start3A_86 = arith.constant 0 : i32
      %dma_start3A_87 = arith.constant 0 : i32
      %dma_start3A_88 = tpu.memref_slice %arg11[%dma_start3A_85, %dma_start3A_86, %dma_start3A_87] : memref<2x128x128xf32, #tpu.memory_space<vmem>> -> memref<1x128x128xf32, #tpu.memory_space<vmem>>
      %dma_start3A_89 = tpu.memref_squeeze %dma_start3A_88 : memref<1x128x128xf32, #tpu.memory_space<vmem>> -> memref<128x128xf32, #tpu.memory_space<vmem>>
      %dma_start3A_90 = arith.constant 0 : i32
      %dma_start3A_91 = arith.constant 0 : i32
      %dma_start3A_92 = tpu.memref_slice %arg12[%dma_start3A_90, %dma_start3A_91] : memref<10112x128xf32, #tpu.memory_space<vmem_shared>> -> memref<10112x128xf32, #tpu.memory_space<vmem_shared>>
      tpu.enqueue_indirect_dma source(%dma_start3A_89 : memref<128x128xf32, #tpu.memory_space<vmem>>) target(%dma_start3A_92 : memref<10112x128xf32, #tpu.memory_space<vmem_shared>>) offsets(%arg10 : memref<128xi32, #tpu.memory_space<vmem>>) semaphore(%arg16 : memref<!tpu.dma_semaphore, #tpu.memory_space<semaphore_mem>>) {add = true}
      %dma_wait3A_93 = arith.constant 1 : i32
      %dma_wait3A_94 = arith.constant 0 : i32
      %dma_wait3A_95 = arith.constant 0 : i32
      %dma_wait3A_96 = tpu.memref_slice %arg11[%dma_wait3A_93, %dma_wait3A_94, %dma_wait3A_95] : memref<2x128x128xf32, #tpu.memory_space<vmem>> -> memref<1x128x128xf32, #tpu.memory_space<vmem>>
      %dma_wait3A_97 = tpu.memref_squeeze %dma_wait3A_96 : memref<1x128x128xf32, #tpu.memory_space<vmem>> -> memref<128x128xf32, #tpu.memory_space<vmem>>
      %dma_wait3A_98 = arith.constant 0 : i32
      %dma_wait3A_99 = arith.constant 0 : i32
      %dma_wait3A_100 = tpu.memref_slice %arg12[%dma_wait3A_98, %dma_wait3A_99] : memref<10112x128xf32, #tpu.memory_space<vmem_shared>> -> memref<10112x128xf32, #tpu.memory_space<vmem_shared>>
      tpu.wait_indirect_dma semaphore(%arg16 : memref<!tpu.dma_semaphore, #tpu.memory_space<semaphore_mem>>) src(%dma_wait3A_97 : memref<128x128xf32, #tpu.memory_space<vmem>>) dst(%dma_wait3A_100 : memref<10112x128xf32, #tpu.memory_space<vmem_shared>>)
      %add3A_101 = arith.constant 2 : i32
      %add3A_102 = arith.addi %add3A_76, %add3A_101 : i32
      %lt3A_103 = arith.cmpi slt, %add3A_102, %select_n3A : i32
      %convert_element_type3A_104 = arith.extui %lt3A_103 : i1 to i32
      %cond3A_105 = arith.constant 0 : i32
      %cond3A_106 = arith.cmpi ne, %convert_element_type3A_104, %cond3A_105 : i32
      scf.if %cond3A_106 {
        %add3A_107 = arith.addi %select_n3A_10, %add3A_76 : i32
        %add3A_108 = arith.constant 2 : i32
        %add3A_109 = arith.addi %add3A_107, %add3A_108 : i32
        "tpu.region"() ({
          %run_scoped3A = tpu.sem_alloc : memref<!tpu.dma_semaphore, #tpu.memory_space<semaphore_mem>>
          %dma_start3A_121 = arith.constant 0 : i32
          %dma_start3A_122 = tpu.memref_slice %arg3[%add3A_109, %dma_start3A_121] : memref<2560x128xi32, #tpu.memory_space<hbm>> -> memref<1x128xi32, #tpu.memory_space<hbm>>
          %dma_start3A_123 = tpu.memref_squeeze %dma_start3A_122 : memref<1x128xi32, #tpu.memory_space<hbm>> -> memref<128xi32, #tpu.memory_space<hbm>>
          %dma_start3A_124 = arith.constant 0 : i32
          %dma_start3A_125 = tpu.memref_slice %arg3[%add3A_109, %dma_start3A_124] : memref<2560x128xi32, #tpu.memory_space<hbm>> -> memref<1x128xi32, #tpu.memory_space<hbm>>
          %dma_start3A_126 = tpu.memref_squeeze %dma_start3A_125 : memref<1x128xi32, #tpu.memory_space<hbm>> -> memref<128xi32, #tpu.memory_space<hbm>>
          tpu.enqueue_dma source(%dma_start3A_126 : memref<128xi32, #tpu.memory_space<hbm>>) target(%arg8 : memref<128xi32, #tpu.memory_space<vmem>>) target_semaphore(%run_scoped3A : memref<!tpu.dma_semaphore, #tpu.memory_space<semaphore_mem>>)
          %dma_wait3A_127 = arith.constant 0 : i32
          %dma_wait3A_128 = tpu.memref_slice %arg3[%add3A_109, %dma_wait3A_127] : memref<2560x128xi32, #tpu.memory_space<hbm>> -> memref<1x128xi32, #tpu.memory_space<hbm>>
          %dma_wait3A_129 = tpu.memref_squeeze %dma_wait3A_128 : memref<1x128xi32, #tpu.memory_space<hbm>> -> memref<128xi32, #tpu.memory_space<hbm>>
          %dma_wait3A_130 = arith.constant 0 : i32
          %dma_wait3A_131 = tpu.memref_slice %arg3[%add3A_109, %dma_wait3A_130] : memref<2560x128xi32, #tpu.memory_space<hbm>> -> memref<1x128xi32, #tpu.memory_space<hbm>>
          %dma_wait3A_132 = tpu.memref_squeeze %dma_wait3A_131 : memref<1x128xi32, #tpu.memory_space<hbm>> -> memref<128xi32, #tpu.memory_space<hbm>>
          tpu.wait_dma2 semaphore(%run_scoped3A : memref<!tpu.dma_semaphore, #tpu.memory_space<semaphore_mem>>) src(%dma_wait3A_132 : memref<128xi32, #tpu.memory_space<hbm>>) dst(%arg8 : memref<128xi32, #tpu.memory_space<vmem>>)
          tpu.yield
        }) : () -> ()
        %add3A_110 = arith.addi %select_n3A_10, %add3A_76 : i32
        %add3A_111 = arith.constant 2 : i32
        %add3A_112 = arith.addi %add3A_110, %add3A_111 : i32
        "tpu.region"() ({
          %run_scoped3A = tpu.sem_alloc : memref<!tpu.dma_semaphore, #tpu.memory_space<semaphore_mem>>
          %dma_start3A_121 = arith.constant 0 : i32
          %dma_start3A_122 = tpu.memref_slice %arg4[%add3A_112, %dma_start3A_121] : memref<2560x128xi32, #tpu.memory_space<hbm>> -> memref<1x128xi32, #tpu.memory_space<hbm>>
          %dma_start3A_123 = tpu.memref_squeeze %dma_start3A_122 : memref<1x128xi32, #tpu.memory_space<hbm>> -> memref<128xi32, #tpu.memory_space<hbm>>
          %dma_start3A_124 = arith.constant 0 : i32
          %dma_start3A_125 = tpu.memref_slice %arg4[%add3A_112, %dma_start3A_124] : memref<2560x128xi32, #tpu.memory_space<hbm>> -> memref<1x128xi32, #tpu.memory_space<hbm>>
          %dma_start3A_126 = tpu.memref_squeeze %dma_start3A_125 : memref<1x128xi32, #tpu.memory_space<hbm>> -> memref<128xi32, #tpu.memory_space<hbm>>
          tpu.enqueue_dma source(%dma_start3A_126 : memref<128xi32, #tpu.memory_space<hbm>>) target(%arg10 : memref<128xi32, #tpu.memory_space<vmem>>) target_semaphore(%run_scoped3A : memref<!tpu.dma_semaphore, #tpu.memory_space<semaphore_mem>>)
          %dma_wait3A_127 = arith.constant 0 : i32
          %dma_wait3A_128 = tpu.memref_slice %arg4[%add3A_112, %dma_wait3A_127] : memref<2560x128xi32, #tpu.memory_space<hbm>> -> memref<1x128xi32, #tpu.memory_space<hbm>>
          %dma_wait3A_129 = tpu.memref_squeeze %dma_wait3A_128 : memref<1x128xi32, #tpu.memory_space<hbm>> -> memref<128xi32, #tpu.memory_space<hbm>>
          %dma_wait3A_130 = arith.constant 0 : i32
          %dma_wait3A_131 = tpu.memref_slice %arg4[%add3A_112, %dma_wait3A_130] : memref<2560x128xi32, #tpu.memory_space<hbm>> -> memref<1x128xi32, #tpu.memory_space<hbm>>
          %dma_wait3A_132 = tpu.memref_squeeze %dma_wait3A_131 : memref<1x128xi32, #tpu.memory_space<hbm>> -> memref<128xi32, #tpu.memory_space<hbm>>
          tpu.wait_dma2 semaphore(%run_scoped3A : memref<!tpu.dma_semaphore, #tpu.memory_space<semaphore_mem>>) src(%dma_wait3A_132 : memref<128xi32, #tpu.memory_space<hbm>>) dst(%arg10 : memref<128xi32, #tpu.memory_space<vmem>>)
          tpu.yield
        }) : () -> ()
        %dma_start3A_113 = arith.constant 1 : i32
        %dma_start3A_114 = arith.constant 0 : i32
        %dma_start3A_115 = arith.constant 0 : i32
        %dma_start3A_116 = tpu.memref_slice %arg11[%dma_start3A_113, %dma_start3A_114, %dma_start3A_115] : memref<2x128x128xf32, #tpu.memory_space<vmem>> -> memref<1x128x128xf32, #tpu.memory_space<vmem>>
        %dma_start3A_117 = tpu.memref_squeeze %dma_start3A_116 : memref<1x128x128xf32, #tpu.memory_space<vmem>> -> memref<128x128xf32, #tpu.memory_space<vmem>>
        %dma_start3A_118 = arith.constant 0 : i32
        %dma_start3A_119 = arith.constant 0 : i32
        %dma_start3A_120 = tpu.memref_slice %arg2[%dma_start3A_118, %dma_start3A_119] : memref<40000x128xf32, #tpu.memory_space<hbm>> -> memref<40000x128xf32, #tpu.memory_space<hbm>>
        tpu.enqueue_indirect_dma source(%dma_start3A_120 : memref<40000x128xf32, #tpu.memory_space<hbm>>) target(%dma_start3A_117 : memref<128x128xf32, #tpu.memory_space<vmem>>) offsets(%arg8 : memref<128xi32, #tpu.memory_space<vmem>>) semaphore(%arg14 : memref<!tpu.dma_semaphore, #tpu.memory_space<semaphore_mem>>)
      } else {
      }
    }
    %barrier3A_40 = arith.constant 0 : index
    tpu.barrier barrier_id(%barrier3A_40)
    "tpu.region"() ({
      %run_scoped3A = tpu.sem_alloc : memref<!tpu.dma_semaphore, #tpu.memory_space<semaphore_mem>>
      %dma_start3A = arith.constant 0 : i32
      %dma_start3A_41 = arith.constant 0 : i32
      %dma_start3A_42 = tpu.memref_slice %arg6[%arg0, %dma_start3A, %dma_start3A_41] : memref<2x10112x128xf32, #tpu.memory_space<hbm>> -> memref<1x10112x128xf32, #tpu.memory_space<hbm>>
      %dma_start3A_43 = tpu.memref_squeeze %dma_start3A_42 : memref<1x10112x128xf32, #tpu.memory_space<hbm>> -> memref<10112x128xf32, #tpu.memory_space<hbm>>
      %dma_start3A_44 = arith.constant 0 : i32
      %dma_start3A_45 = tpu.memref_slice %dma_start3A_43[%mul3A_0, %dma_start3A_44] : memref<10112x128xf32, #tpu.memory_space<hbm>> -> memref<632x128xf32, #tpu.memory_space<hbm>>
      %dma_start3A_46 = arith.constant 0 : i32
      %dma_start3A_47 = tpu.memref_slice %arg12[%mul3A_0, %dma_start3A_46] : memref<10112x128xf32, #tpu.memory_space<vmem_shared>> -> memref<632x128xf32, #tpu.memory_space<vmem_shared>>
      tpu.enqueue_dma source(%dma_start3A_47 : memref<632x128xf32, #tpu.memory_space<vmem_shared>>) target(%dma_start3A_45 : memref<632x128xf32, #tpu.memory_space<hbm>>) target_semaphore(%run_scoped3A : memref<!tpu.dma_semaphore, #tpu.memory_space<semaphore_mem>>)
      %dma_wait3A = arith.constant 0 : i32
      %dma_wait3A_48 = arith.constant 0 : i32
      %dma_wait3A_49 = tpu.memref_slice %arg6[%arg0, %dma_wait3A, %dma_wait3A_48] : memref<2x10112x128xf32, #tpu.memory_space<hbm>> -> memref<1x10112x128xf32, #tpu.memory_space<hbm>>
      %dma_wait3A_50 = tpu.memref_squeeze %dma_wait3A_49 : memref<1x10112x128xf32, #tpu.memory_space<hbm>> -> memref<10112x128xf32, #tpu.memory_space<hbm>>
      %dma_wait3A_51 = arith.constant 0 : i32
      %dma_wait3A_52 = tpu.memref_slice %dma_wait3A_50[%mul3A_0, %dma_wait3A_51] : memref<10112x128xf32, #tpu.memory_space<hbm>> -> memref<632x128xf32, #tpu.memory_space<hbm>>
      %dma_wait3A_53 = arith.constant 0 : i32
      %dma_wait3A_54 = tpu.memref_slice %arg12[%mul3A_0, %dma_wait3A_53] : memref<10112x128xf32, #tpu.memory_space<vmem_shared>> -> memref<632x128xf32, #tpu.memory_space<vmem_shared>>
      tpu.wait_dma2 semaphore(%run_scoped3A : memref<!tpu.dma_semaphore, #tpu.memory_space<semaphore_mem>>) src(%dma_wait3A_54 : memref<632x128xf32, #tpu.memory_space<vmem_shared>>) dst(%dma_wait3A_52 : memref<632x128xf32, #tpu.memory_space<hbm>>)
      tpu.yield
    }) : () -> ()
    return
  }
}

#map = affine_map<(d0, d1) -> (0, 0)>
#map1 = affine_map<(d0, d1) -> (0, 0, 0)>
module attributes {stable_mosaic.version = 14 : i64} {
  func.func @sc_aggr(%arg0: i32, %arg1: i32, %arg2: memref<40000x128xf32, #tpu.memory_space<hbm>>, %arg3: memref<2560x128xi32, #tpu.memory_space<hbm>>, %arg4: memref<2560x128xi32, #tpu.memory_space<hbm>>, %arg5: memref<10112x128xf32, #tpu.memory_space<hbm>>, %arg6: memref<2x10112x128xf32, #tpu.memory_space<hbm>>, %arg7: memref<128xi32, #tpu.memory_space<vmem>>, %arg8: memref<128xi32, #tpu.memory_space<vmem>>, %arg9: memref<128xi32, #tpu.memory_space<vmem>>, %arg10: memref<128xi32, #tpu.memory_space<vmem>>, %arg11: memref<2x128x128xf32, #tpu.memory_space<vmem>>, %arg12: memref<10112x128xf32, #tpu.memory_space<vmem_shared>>, %arg13: memref<!tpu.dma_semaphore, #tpu.memory_space<semaphore_mem>>, %arg14: memref<!tpu.dma_semaphore, #tpu.memory_space<semaphore_mem>>, %arg15: memref<!tpu.dma_semaphore, #tpu.memory_space<semaphore_mem>>, %arg16: memref<!tpu.dma_semaphore, #tpu.memory_space<semaphore_mem>>) attributes {dimension_semantics = [#tpu.dimension_semantics<core_parallel>, #tpu.dimension_semantics<subcore_parallel>], iteration_bounds = array<i64: 2, 16>, scalar_prefetch = 0 : i64, scratch_operands = 10 : i64, tpu.core_type = #tpu.core_type<sc_vector_subcore>, window_params = [{transform_indices = #map}, {transform_indices = #map}, {transform_indices = #map}, {transform_indices = #map}, {transform_indices = #map1}]} {
    %mul3A = arith.constant 632 : i32
    %mul3A_0 = arith.muli %arg1, %mul3A : i32
    %eq3A = arith.constant 0 : i32
    %eq3A_1 = arith.cmpi eq, %arg0, %eq3A : i32
    %jit3A = arith.constant 160 : i32
    %jit3A_2 = arith.constant 0 : i32
    %select_n3A = arith.select %eq3A_1, %jit3A, %jit3A_2 : i32
    "tpu.region"() ({
      %run_scoped3A = tpu.sem_alloc : memref<!tpu.dma_semaphore, #tpu.memory_space<semaphore_mem>>
      %dma_start3A = arith.constant 0 : i32
      %dma_start3A_41 = tpu.memref_slice %arg12[%mul3A_0, %dma_start3A] : memref<10112x128xf32, #tpu.memory_space<vmem_shared>> -> memref<632x128xf32, #tpu.memory_space<vmem_shared>>
      %dma_start3A_42 = arith.constant 0 : i32
      %dma_start3A_43 = tpu.memref_slice %arg5[%mul3A_0, %dma_start3A_42] : memref<10112x128xf32, #tpu.memory_space<hbm>> -> memref<632x128xf32, #tpu.memory_space<hbm>>
      tpu.enqueue_dma source(%dma_start3A_43 : memref<632x128xf32, #tpu.memory_space<hbm>>) target(%dma_start3A_41 : memref<632x128xf32, #tpu.memory_space<vmem_shared>>) target_semaphore(%run_scoped3A : memref<!tpu.dma_semaphore, #tpu.memory_space<semaphore_mem>>)
      %dma_wait3A = arith.constant 0 : i32
      %dma_wait3A_44 = tpu.memref_slice %arg12[%mul3A_0, %dma_wait3A] : memref<10112x128xf32, #tpu.memory_space<vmem_shared>> -> memref<632x128xf32, #tpu.memory_space<vmem_shared>>
      %dma_wait3A_45 = arith.constant 0 : i32
      %dma_wait3A_46 = tpu.memref_slice %arg5[%mul3A_0, %dma_wait3A_45] : memref<10112x128xf32, #tpu.memory_space<hbm>> -> memref<632x128xf32, #tpu.memory_space<hbm>>
      tpu.wait_dma2 semaphore(%run_scoped3A : memref<!tpu.dma_semaphore, #tpu.memory_space<semaphore_mem>>) src(%dma_wait3A_46 : memref<632x128xf32, #tpu.memory_space<hbm>>) dst(%dma_wait3A_44 : memref<632x128xf32, #tpu.memory_space<vmem_shared>>)
      tpu.yield
    }) : () -> ()
    %barrier3A = arith.constant 0 : index
    tpu.barrier barrier_id(%barrier3A)
    %eq3A_3 = arith.constant 0 : i32
    %eq3A_4 = arith.cmpi eq, %arg0, %eq3A_3 : i32
    %mul3A_5 = arith.constant 160 : i32
    %mul3A_6 = arith.muli %arg1, %mul3A_5 : i32
    %mul3A_7 = arith.constant 0 : i32
    %mul3A_8 = arith.muli %arg1, %mul3A_7 : i32
    %add3A = arith.constant 2560 : i32
    %add3A_9 = arith.addi %add3A, %mul3A_8 : i32
    %select_n3A_10 = arith.select %eq3A_4, %mul3A_6, %add3A_9 : i32
    %ge3A = arith.constant 2 : i32
    %ge3A_11 = arith.cmpi sge, %select_n3A, %ge3A : i32
    %convert_element_type3A = arith.extui %ge3A_11 : i1 to i32
    %cond3A = arith.constant 0 : i32
    %cond3A_12 = arith.cmpi ne, %convert_element_type3A, %cond3A : i32
    scf.if %cond3A_12 {
      %add3A_41 = arith.constant 0 : i32
      %add3A_42 = arith.addi %select_n3A_10, %add3A_41 : i32
      "tpu.region"() ({
        %run_scoped3A = tpu.sem_alloc : memref<!tpu.dma_semaphore, #tpu.memory_space<semaphore_mem>>
        %dma_start3A_64 = arith.constant 0 : i32
        %dma_start3A_65 = tpu.memref_slice %arg3[%add3A_42, %dma_start3A_64] : memref<2560x128xi32, #tpu.memory_space<hbm>> -> memref<1x128xi32, #tpu.memory_space<hbm>>
        %dma_start3A_66 = tpu.memref_squeeze %dma_start3A_65 : memref<1x128xi32, #tpu.memory_space<hbm>> -> memref<128xi32, #tpu.memory_space<hbm>>
        %dma_start3A_67 = arith.constant 0 : i32
        %dma_start3A_68 = tpu.memref_slice %arg3[%add3A_42, %dma_start3A_67] : memref<2560x128xi32, #tpu.memory_space<hbm>> -> memref<1x128xi32, #tpu.memory_space<hbm>>
        %dma_start3A_69 = tpu.memref_squeeze %dma_start3A_68 : memref<1x128xi32, #tpu.memory_space<hbm>> -> memref<128xi32, #tpu.memory_space<hbm>>
        tpu.enqueue_dma source(%dma_start3A_69 : memref<128xi32, #tpu.memory_space<hbm>>) target(%arg7 : memref<128xi32, #tpu.memory_space<vmem>>) target_semaphore(%run_scoped3A : memref<!tpu.dma_semaphore, #tpu.memory_space<semaphore_mem>>)
        %dma_wait3A = arith.constant 0 : i32
        %dma_wait3A_70 = tpu.memref_slice %arg3[%add3A_42, %dma_wait3A] : memref<2560x128xi32, #tpu.memory_space<hbm>> -> memref<1x128xi32, #tpu.memory_space<hbm>>
        %dma_wait3A_71 = tpu.memref_squeeze %dma_wait3A_70 : memref<1x128xi32, #tpu.memory_space<hbm>> -> memref<128xi32, #tpu.memory_space<hbm>>
        %dma_wait3A_72 = arith.constant 0 : i32
        %dma_wait3A_73 = tpu.memref_slice %arg3[%add3A_42, %dma_wait3A_72] : memref<2560x128xi32, #tpu.memory_space<hbm>> -> memref<1x128xi32, #tpu.memory_space<hbm>>
        %dma_wait3A_74 = tpu.memref_squeeze %dma_wait3A_73 : memref<1x128xi32, #tpu.memory_space<hbm>> -> memref<128xi32, #tpu.memory_space<hbm>>
        tpu.wait_dma2 semaphore(%run_scoped3A : memref<!tpu.dma_semaphore, #tpu.memory_space<semaphore_mem>>) src(%dma_wait3A_74 : memref<128xi32, #tpu.memory_space<hbm>>) dst(%arg7 : memref<128xi32, #tpu.memory_space<vmem>>)
        tpu.yield
      }) : () -> ()
      %add3A_43 = arith.constant 0 : i32
      %add3A_44 = arith.addi %select_n3A_10, %add3A_43 : i32
      "tpu.region"() ({
        %run_scoped3A = tpu.sem_alloc : memref<!tpu.dma_semaphore, #tpu.memory_space<semaphore_mem>>
        %dma_start3A_64 = arith.constant 0 : i32
        %dma_start3A_65 = tpu.memref_slice %arg4[%add3A_44, %dma_start3A_64] : memref<2560x128xi32, #tpu.memory_space<hbm>> -> memref<1x128xi32, #tpu.memory_space<hbm>>
        %dma_start3A_66 = tpu.memref_squeeze %dma_start3A_65 : memref<1x128xi32, #tpu.memory_space<hbm>> -> memref<128xi32, #tpu.memory_space<hbm>>
        %dma_start3A_67 = arith.constant 0 : i32
        %dma_start3A_68 = tpu.memref_slice %arg4[%add3A_44, %dma_start3A_67] : memref<2560x128xi32, #tpu.memory_space<hbm>> -> memref<1x128xi32, #tpu.memory_space<hbm>>
        %dma_start3A_69 = tpu.memref_squeeze %dma_start3A_68 : memref<1x128xi32, #tpu.memory_space<hbm>> -> memref<128xi32, #tpu.memory_space<hbm>>
        tpu.enqueue_dma source(%dma_start3A_69 : memref<128xi32, #tpu.memory_space<hbm>>) target(%arg9 : memref<128xi32, #tpu.memory_space<vmem>>) target_semaphore(%run_scoped3A : memref<!tpu.dma_semaphore, #tpu.memory_space<semaphore_mem>>)
        %dma_wait3A = arith.constant 0 : i32
        %dma_wait3A_70 = tpu.memref_slice %arg4[%add3A_44, %dma_wait3A] : memref<2560x128xi32, #tpu.memory_space<hbm>> -> memref<1x128xi32, #tpu.memory_space<hbm>>
        %dma_wait3A_71 = tpu.memref_squeeze %dma_wait3A_70 : memref<1x128xi32, #tpu.memory_space<hbm>> -> memref<128xi32, #tpu.memory_space<hbm>>
        %dma_wait3A_72 = arith.constant 0 : i32
        %dma_wait3A_73 = tpu.memref_slice %arg4[%add3A_44, %dma_wait3A_72] : memref<2560x128xi32, #tpu.memory_space<hbm>> -> memref<1x128xi32, #tpu.memory_space<hbm>>
        %dma_wait3A_74 = tpu.memref_squeeze %dma_wait3A_73 : memref<1x128xi32, #tpu.memory_space<hbm>> -> memref<128xi32, #tpu.memory_space<hbm>>
        tpu.wait_dma2 semaphore(%run_scoped3A : memref<!tpu.dma_semaphore, #tpu.memory_space<semaphore_mem>>) src(%dma_wait3A_74 : memref<128xi32, #tpu.memory_space<hbm>>) dst(%arg9 : memref<128xi32, #tpu.memory_space<vmem>>)
        tpu.yield
      }) : () -> ()
      %dma_start3A = arith.constant 0 : i32
      %dma_start3A_45 = arith.constant 0 : i32
      %dma_start3A_46 = arith.constant 0 : i32
      %dma_start3A_47 = tpu.memref_slice %arg11[%dma_start3A, %dma_start3A_45, %dma_start3A_46] : memref<2x128x128xf32, #tpu.memory_space<vmem>> -> memref<1x128x128xf32, #tpu.memory_space<vmem>>
      %dma_start3A_48 = tpu.memref_squeeze %dma_start3A_47 : memref<1x128x128xf32, #tpu.memory_space<vmem>> -> memref<128x128xf32, #tpu.memory_space<vmem>>
      %dma_start3A_49 = arith.constant 0 : i32
      %dma_start3A_50 = arith.constant 0 : i32
      %dma_start3A_51 = tpu.memref_slice %arg2[%dma_start3A_49, %dma_start3A_50] : memref<40000x128xf32, #tpu.memory_space<hbm>> -> memref<40000x128xf32, #tpu.memory_space<hbm>>
      tpu.enqueue_indirect_dma source(%dma_start3A_51 : memref<40000x128xf32, #tpu.memory_space<hbm>>) target(%dma_start3A_48 : memref<128x128xf32, #tpu.memory_space<vmem>>) offsets(%arg7 : memref<128xi32, #tpu.memory_space<vmem>>) semaphore(%arg13 : memref<!tpu.dma_semaphore, #tpu.memory_space<semaphore_mem>>)
      %add3A_52 = arith.constant 1 : i32
      %add3A_53 = arith.addi %select_n3A_10, %add3A_52 : i32
      "tpu.region"() ({
        %run_scoped3A = tpu.sem_alloc : memref<!tpu.dma_semaphore, #tpu.memory_space<semaphore_mem>>
        %dma_start3A_64 = arith.constant 0 : i32
        %dma_start3A_65 = tpu.memref_slice %arg3[%add3A_53, %dma_start3A_64] : memref<2560x128xi32, #tpu.memory_space<hbm>> -> memref<1x128xi32, #tpu.memory_space<hbm>>
        %dma_start3A_66 = tpu.memref_squeeze %dma_start3A_65 : memref<1x128xi32, #tpu.memory_space<hbm>> -> memref<128xi32, #tpu.memory_space<hbm>>
        %dma_start3A_67 = arith.constant 0 : i32
        %dma_start3A_68 = tpu.memref_slice %arg3[%add3A_53, %dma_start3A_67] : memref<2560x128xi32, #tpu.memory_space<hbm>> -> memref<1x128xi32, #tpu.memory_space<hbm>>
        %dma_start3A_69 = tpu.memref_squeeze %dma_start3A_68 : memref<1x128xi32, #tpu.memory_space<hbm>> -> memref<128xi32, #tpu.memory_space<hbm>>
        tpu.enqueue_dma source(%dma_start3A_69 : memref<128xi32, #tpu.memory_space<hbm>>) target(%arg8 : memref<128xi32, #tpu.memory_space<vmem>>) target_semaphore(%run_scoped3A : memref<!tpu.dma_semaphore, #tpu.memory_space<semaphore_mem>>)
        %dma_wait3A = arith.constant 0 : i32
        %dma_wait3A_70 = tpu.memref_slice %arg3[%add3A_53, %dma_wait3A] : memref<2560x128xi32, #tpu.memory_space<hbm>> -> memref<1x128xi32, #tpu.memory_space<hbm>>
        %dma_wait3A_71 = tpu.memref_squeeze %dma_wait3A_70 : memref<1x128xi32, #tpu.memory_space<hbm>> -> memref<128xi32, #tpu.memory_space<hbm>>
        %dma_wait3A_72 = arith.constant 0 : i32
        %dma_wait3A_73 = tpu.memref_slice %arg3[%add3A_53, %dma_wait3A_72] : memref<2560x128xi32, #tpu.memory_space<hbm>> -> memref<1x128xi32, #tpu.memory_space<hbm>>
        %dma_wait3A_74 = tpu.memref_squeeze %dma_wait3A_73 : memref<1x128xi32, #tpu.memory_space<hbm>> -> memref<128xi32, #tpu.memory_space<hbm>>
        tpu.wait_dma2 semaphore(%run_scoped3A : memref<!tpu.dma_semaphore, #tpu.memory_space<semaphore_mem>>) src(%dma_wait3A_74 : memref<128xi32, #tpu.memory_space<hbm>>) dst(%arg8 : memref<128xi32, #tpu.memory_space<vmem>>)
        tpu.yield
      }) : () -> ()
      %add3A_54 = arith.constant 1 : i32
      %add3A_55 = arith.addi %select_n3A_10, %add3A_54 : i32
      "tpu.region"() ({
        %run_scoped3A = tpu.sem_alloc : memref<!tpu.dma_semaphore, #tpu.memory_space<semaphore_mem>>
        %dma_start3A_64 = arith.constant 0 : i32
        %dma_start3A_65 = tpu.memref_slice %arg4[%add3A_55, %dma_start3A_64] : memref<2560x128xi32, #tpu.memory_space<hbm>> -> memref<1x128xi32, #tpu.memory_space<hbm>>
        %dma_start3A_66 = tpu.memref_squeeze %dma_start3A_65 : memref<1x128xi32, #tpu.memory_space<hbm>> -> memref<128xi32, #tpu.memory_space<hbm>>
        %dma_start3A_67 = arith.constant 0 : i32
        %dma_start3A_68 = tpu.memref_slice %arg4[%add3A_55, %dma_start3A_67] : memref<2560x128xi32, #tpu.memory_space<hbm>> -> memref<1x128xi32, #tpu.memory_space<hbm>>
        %dma_start3A_69 = tpu.memref_squeeze %dma_start3A_68 : memref<1x128xi32, #tpu.memory_space<hbm>> -> memref<128xi32, #tpu.memory_space<hbm>>
        tpu.enqueue_dma source(%dma_start3A_69 : memref<128xi32, #tpu.memory_space<hbm>>) target(%arg10 : memref<128xi32, #tpu.memory_space<vmem>>) target_semaphore(%run_scoped3A : memref<!tpu.dma_semaphore, #tpu.memory_space<semaphore_mem>>)
        %dma_wait3A = arith.constant 0 : i32
        %dma_wait3A_70 = tpu.memref_slice %arg4[%add3A_55, %dma_wait3A] : memref<2560x128xi32, #tpu.memory_space<hbm>> -> memref<1x128xi32, #tpu.memory_space<hbm>>
        %dma_wait3A_71 = tpu.memref_squeeze %dma_wait3A_70 : memref<1x128xi32, #tpu.memory_space<hbm>> -> memref<128xi32, #tpu.memory_space<hbm>>
        %dma_wait3A_72 = arith.constant 0 : i32
        %dma_wait3A_73 = tpu.memref_slice %arg4[%add3A_55, %dma_wait3A_72] : memref<2560x128xi32, #tpu.memory_space<hbm>> -> memref<1x128xi32, #tpu.memory_space<hbm>>
        %dma_wait3A_74 = tpu.memref_squeeze %dma_wait3A_73 : memref<1x128xi32, #tpu.memory_space<hbm>> -> memref<128xi32, #tpu.memory_space<hbm>>
        tpu.wait_dma2 semaphore(%run_scoped3A : memref<!tpu.dma_semaphore, #tpu.memory_space<semaphore_mem>>) src(%dma_wait3A_74 : memref<128xi32, #tpu.memory_space<hbm>>) dst(%arg10 : memref<128xi32, #tpu.memory_space<vmem>>)
        tpu.yield
      }) : () -> ()
      %dma_start3A_56 = arith.constant 1 : i32
      %dma_start3A_57 = arith.constant 0 : i32
      %dma_start3A_58 = arith.constant 0 : i32
      %dma_start3A_59 = tpu.memref_slice %arg11[%dma_start3A_56, %dma_start3A_57, %dma_start3A_58] : memref<2x128x128xf32, #tpu.memory_space<vmem>> -> memref<1x128x128xf32, #tpu.memory_space<vmem>>
      %dma_start3A_60 = tpu.memref_squeeze %dma_start3A_59 : memref<1x128x128xf32, #tpu.memory_space<vmem>> -> memref<128x128xf32, #tpu.memory_space<vmem>>
      %dma_start3A_61 = arith.constant 0 : i32
      %dma_start3A_62 = arith.constant 0 : i32
      %dma_start3A_63 = tpu.memref_slice %arg2[%dma_start3A_61, %dma_start3A_62] : memref<40000x128xf32, #tpu.memory_space<hbm>> -> memref<40000x128xf32, #tpu.memory_space<hbm>>
      tpu.enqueue_indirect_dma source(%dma_start3A_63 : memref<40000x128xf32, #tpu.memory_space<hbm>>) target(%dma_start3A_60 : memref<128x128xf32, #tpu.memory_space<vmem>>) offsets(%arg8 : memref<128xi32, #tpu.memory_space<vmem>>) semaphore(%arg14 : memref<!tpu.dma_semaphore, #tpu.memory_space<semaphore_mem>>)
    } else {
    }
    %jit3A_13 = arith.constant 2 : i32
    %div3A = arith.divsi %select_n3A, %jit3A_13 : i32
    %sign3A = arith.constant 0 : i32
    %sign3A_14 = arith.cmpi sgt, %select_n3A, %sign3A : i32
    %sign3A_15 = arith.extui %sign3A_14 : i1 to i32
    %sign3A_16 = arith.constant 0 : i32
    %sign3A_17 = arith.cmpi slt, %select_n3A, %sign3A_16 : i32
    %sign3A_18 = arith.extui %sign3A_17 : i1 to i32
    %sign3A_19 = arith.subi %sign3A_15, %sign3A_18 : i32
    %sign3A_20 = arith.constant 0 : i32
    %sign3A_21 = arith.cmpi sgt, %jit3A_13, %sign3A_20 : i32
    %sign3A_22 = arith.extui %sign3A_21 : i1 to i32
    %sign3A_23 = arith.constant 0 : i32
    %sign3A_24 = arith.cmpi slt, %jit3A_13, %sign3A_23 : i32
    %sign3A_25 = arith.extui %sign3A_24 : i1 to i32
    %sign3A_26 = arith.subi %sign3A_22, %sign3A_25 : i32
    %ne3A = arith.cmpi ne, %sign3A_19, %sign3A_26 : i32
    %rem3A = arith.remsi %select_n3A, %jit3A_13 : i32
    %ne3A_27 = arith.constant 0 : i32
    %ne3A_28 = arith.cmpi ne, %rem3A, %ne3A_27 : i32
    %and3A = arith.andi %ne3A, %ne3A_28 : i1
    %sub3A = arith.constant 1 : i32
    %sub3A_29 = arith.subi %div3A, %sub3A : i32
    %select_n3A_30 = arith.select %and3A, %sub3A_29, %div3A : i32
    %while3A = arith.constant 0 : i32
    %while3A_31 = arith.constant 0 : i32
    %while3A_32 = arith.subi %select_n3A_30, %while3A_31 : i32
    %while3A_33 = arith.addi %while3A_31, %while3A_32 : i32
    %while3A_34 = arith.constant 1 : i32
    %while3A_35 = arith.divsi %while3A_32, %while3A_34 : i32
    %while3A_36 = arith.muli %while3A_35, %while3A_34 : i32
    %while3A_37 = arith.addi %while3A_31, %while3A_36 : i32
    %while3A_38 = arith.constant 1 : i32
    scf.for %while3A_41 = %while3A_31 to %while3A_37 step %while3A_38  : i32 {
      %mul3A_42 = arith.constant 2 : i32
      %mul3A_43 = arith.muli %mul3A_42, %while3A_41 : i32
      %add3A_44 = arith.constant 0 : i32
      %add3A_45 = arith.addi %mul3A_43, %add3A_44 : i32
      %dma_wait3A = arith.constant 0 : i32
      %dma_wait3A_46 = arith.constant 0 : i32
      %dma_wait3A_47 = arith.constant 0 : i32
      %dma_wait3A_48 = tpu.memref_slice %arg11[%dma_wait3A, %dma_wait3A_46, %dma_wait3A_47] : memref<2x128x128xf32, #tpu.memory_space<vmem>> -> memref<1x128x128xf32, #tpu.memory_space<vmem>>
      %dma_wait3A_49 = tpu.memref_squeeze %dma_wait3A_48 : memref<1x128x128xf32, #tpu.memory_space<vmem>> -> memref<128x128xf32, #tpu.memory_space<vmem>>
      %dma_wait3A_50 = arith.constant 0 : i32
      %dma_wait3A_51 = arith.constant 0 : i32
      %dma_wait3A_52 = tpu.memref_slice %arg2[%dma_wait3A_50, %dma_wait3A_51] : memref<40000x128xf32, #tpu.memory_space<hbm>> -> memref<40000x128xf32, #tpu.memory_space<hbm>>
      tpu.wait_indirect_dma semaphore(%arg13 : memref<!tpu.dma_semaphore, #tpu.memory_space<semaphore_mem>>) src(%dma_wait3A_52 : memref<40000x128xf32, #tpu.memory_space<hbm>>) dst(%dma_wait3A_49 : memref<128x128xf32, #tpu.memory_space<vmem>>)
      %dma_start3A = arith.constant 0 : i32
      %dma_start3A_53 = arith.constant 0 : i32
      %dma_start3A_54 = arith.constant 0 : i32
      %dma_start3A_55 = tpu.memref_slice %arg11[%dma_start3A, %dma_start3A_53, %dma_start3A_54] : memref<2x128x128xf32, #tpu.memory_space<vmem>> -> memref<1x128x128xf32, #tpu.memory_space<vmem>>
      %dma_start3A_56 = tpu.memref_squeeze %dma_start3A_55 : memref<1x128x128xf32, #tpu.memory_space<vmem>> -> memref<128x128xf32, #tpu.memory_space<vmem>>
      %dma_start3A_57 = arith.constant 0 : i32
      %dma_start3A_58 = arith.constant 0 : i32
      %dma_start3A_59 = tpu.memref_slice %arg12[%dma_start3A_57, %dma_start3A_58] : memref<10112x128xf32, #tpu.memory_space<vmem_shared>> -> memref<10112x128xf32, #tpu.memory_space<vmem_shared>>
      tpu.enqueue_indirect_dma source(%dma_start3A_56 : memref<128x128xf32, #tpu.memory_space<vmem>>) target(%dma_start3A_59 : memref<10112x128xf32, #tpu.memory_space<vmem_shared>>) offsets(%arg9 : memref<128xi32, #tpu.memory_space<vmem>>) semaphore(%arg15 : memref<!tpu.dma_semaphore, #tpu.memory_space<semaphore_mem>>) {add = true}
      %dma_wait3A_60 = arith.constant 0 : i32
      %dma_wait3A_61 = arith.constant 0 : i32
      %dma_wait3A_62 = arith.constant 0 : i32
      %dma_wait3A_63 = tpu.memref_slice %arg11[%dma_wait3A_60, %dma_wait3A_61, %dma_wait3A_62] : memref<2x128x128xf32, #tpu.memory_space<vmem>> -> memref<1x128x128xf32, #tpu.memory_space<vmem>>
      %dma_wait3A_64 = tpu.memref_squeeze %dma_wait3A_63 : memref<1x128x128xf32, #tpu.memory_space<vmem>> -> memref<128x128xf32, #tpu.memory_space<vmem>>
      %dma_wait3A_65 = arith.constant 0 : i32
      %dma_wait3A_66 = arith.constant 0 : i32
      %dma_wait3A_67 = tpu.memref_slice %arg12[%dma_wait3A_65, %dma_wait3A_66] : memref<10112x128xf32, #tpu.memory_space<vmem_shared>> -> memref<10112x128xf32, #tpu.memory_space<vmem_shared>>
      tpu.wait_indirect_dma semaphore(%arg15 : memref<!tpu.dma_semaphore, #tpu.memory_space<semaphore_mem>>) src(%dma_wait3A_64 : memref<128x128xf32, #tpu.memory_space<vmem>>) dst(%dma_wait3A_67 : memref<10112x128xf32, #tpu.memory_space<vmem_shared>>)
      %add3A_68 = arith.constant 2 : i32
      %add3A_69 = arith.addi %add3A_45, %add3A_68 : i32
      %lt3A = arith.cmpi slt, %add3A_69, %select_n3A : i32
      %convert_element_type3A_70 = arith.extui %lt3A : i1 to i32
      %cond3A_71 = arith.constant 0 : i32
      %cond3A_72 = arith.cmpi ne, %convert_element_type3A_70, %cond3A_71 : i32
      scf.if %cond3A_72 {
        %add3A_107 = arith.addi %select_n3A_10, %add3A_45 : i32
        %add3A_108 = arith.constant 2 : i32
        %add3A_109 = arith.addi %add3A_107, %add3A_108 : i32
        "tpu.region"() ({
          %run_scoped3A = tpu.sem_alloc : memref<!tpu.dma_semaphore, #tpu.memory_space<semaphore_mem>>
          %dma_start3A_121 = arith.constant 0 : i32
          %dma_start3A_122 = tpu.memref_slice %arg3[%add3A_109, %dma_start3A_121] : memref<2560x128xi32, #tpu.memory_space<hbm>> -> memref<1x128xi32, #tpu.memory_space<hbm>>
          %dma_start3A_123 = tpu.memref_squeeze %dma_start3A_122 : memref<1x128xi32, #tpu.memory_space<hbm>> -> memref<128xi32, #tpu.memory_space<hbm>>
          %dma_start3A_124 = arith.constant 0 : i32
          %dma_start3A_125 = tpu.memref_slice %arg3[%add3A_109, %dma_start3A_124] : memref<2560x128xi32, #tpu.memory_space<hbm>> -> memref<1x128xi32, #tpu.memory_space<hbm>>
          %dma_start3A_126 = tpu.memref_squeeze %dma_start3A_125 : memref<1x128xi32, #tpu.memory_space<hbm>> -> memref<128xi32, #tpu.memory_space<hbm>>
          tpu.enqueue_dma source(%dma_start3A_126 : memref<128xi32, #tpu.memory_space<hbm>>) target(%arg7 : memref<128xi32, #tpu.memory_space<vmem>>) target_semaphore(%run_scoped3A : memref<!tpu.dma_semaphore, #tpu.memory_space<semaphore_mem>>)
          %dma_wait3A_127 = arith.constant 0 : i32
          %dma_wait3A_128 = tpu.memref_slice %arg3[%add3A_109, %dma_wait3A_127] : memref<2560x128xi32, #tpu.memory_space<hbm>> -> memref<1x128xi32, #tpu.memory_space<hbm>>
          %dma_wait3A_129 = tpu.memref_squeeze %dma_wait3A_128 : memref<1x128xi32, #tpu.memory_space<hbm>> -> memref<128xi32, #tpu.memory_space<hbm>>
          %dma_wait3A_130 = arith.constant 0 : i32
          %dma_wait3A_131 = tpu.memref_slice %arg3[%add3A_109, %dma_wait3A_130] : memref<2560x128xi32, #tpu.memory_space<hbm>> -> memref<1x128xi32, #tpu.memory_space<hbm>>
          %dma_wait3A_132 = tpu.memref_squeeze %dma_wait3A_131 : memref<1x128xi32, #tpu.memory_space<hbm>> -> memref<128xi32, #tpu.memory_space<hbm>>
          tpu.wait_dma2 semaphore(%run_scoped3A : memref<!tpu.dma_semaphore, #tpu.memory_space<semaphore_mem>>) src(%dma_wait3A_132 : memref<128xi32, #tpu.memory_space<hbm>>) dst(%arg7 : memref<128xi32, #tpu.memory_space<vmem>>)
          tpu.yield
        }) : () -> ()
        %add3A_110 = arith.addi %select_n3A_10, %add3A_45 : i32
        %add3A_111 = arith.constant 2 : i32
        %add3A_112 = arith.addi %add3A_110, %add3A_111 : i32
        "tpu.region"() ({
          %run_scoped3A = tpu.sem_alloc : memref<!tpu.dma_semaphore, #tpu.memory_space<semaphore_mem>>
          %dma_start3A_121 = arith.constant 0 : i32
          %dma_start3A_122 = tpu.memref_slice %arg4[%add3A_112, %dma_start3A_121] : memref<2560x128xi32, #tpu.memory_space<hbm>> -> memref<1x128xi32, #tpu.memory_space<hbm>>
          %dma_start3A_123 = tpu.memref_squeeze %dma_start3A_122 : memref<1x128xi32, #tpu.memory_space<hbm>> -> memref<128xi32, #tpu.memory_space<hbm>>
          %dma_start3A_124 = arith.constant 0 : i32
          %dma_start3A_125 = tpu.memref_slice %arg4[%add3A_112, %dma_start3A_124] : memref<2560x128xi32, #tpu.memory_space<hbm>> -> memref<1x128xi32, #tpu.memory_space<hbm>>
          %dma_start3A_126 = tpu.memref_squeeze %dma_start3A_125 : memref<1x128xi32, #tpu.memory_space<hbm>> -> memref<128xi32, #tpu.memory_space<hbm>>
          tpu.enqueue_dma source(%dma_start3A_126 : memref<128xi32, #tpu.memory_space<hbm>>) target(%arg9 : memref<128xi32, #tpu.memory_space<vmem>>) target_semaphore(%run_scoped3A : memref<!tpu.dma_semaphore, #tpu.memory_space<semaphore_mem>>)
          %dma_wait3A_127 = arith.constant 0 : i32
          %dma_wait3A_128 = tpu.memref_slice %arg4[%add3A_112, %dma_wait3A_127] : memref<2560x128xi32, #tpu.memory_space<hbm>> -> memref<1x128xi32, #tpu.memory_space<hbm>>
          %dma_wait3A_129 = tpu.memref_squeeze %dma_wait3A_128 : memref<1x128xi32, #tpu.memory_space<hbm>> -> memref<128xi32, #tpu.memory_space<hbm>>
          %dma_wait3A_130 = arith.constant 0 : i32
          %dma_wait3A_131 = tpu.memref_slice %arg4[%add3A_112, %dma_wait3A_130] : memref<2560x128xi32, #tpu.memory_space<hbm>> -> memref<1x128xi32, #tpu.memory_space<hbm>>
          %dma_wait3A_132 = tpu.memref_squeeze %dma_wait3A_131 : memref<1x128xi32, #tpu.memory_space<hbm>> -> memref<128xi32, #tpu.memory_space<hbm>>
          tpu.wait_dma2 semaphore(%run_scoped3A : memref<!tpu.dma_semaphore, #tpu.memory_space<semaphore_mem>>) src(%dma_wait3A_132 : memref<128xi32, #tpu.memory_space<hbm>>) dst(%arg9 : memref<128xi32, #tpu.memory_space<vmem>>)
          tpu.yield
        }) : () -> ()
        %dma_start3A_113 = arith.constant 0 : i32
        %dma_start3A_114 = arith.constant 0 : i32
        %dma_start3A_115 = arith.constant 0 : i32
        %dma_start3A_116 = tpu.memref_slice %arg11[%dma_start3A_113, %dma_start3A_114, %dma_start3A_115] : memref<2x128x128xf32, #tpu.memory_space<vmem>> -> memref<1x128x128xf32, #tpu.memory_space<vmem>>
        %dma_start3A_117 = tpu.memref_squeeze %dma_start3A_116 : memref<1x128x128xf32, #tpu.memory_space<vmem>> -> memref<128x128xf32, #tpu.memory_space<vmem>>
        %dma_start3A_118 = arith.constant 0 : i32
        %dma_start3A_119 = arith.constant 0 : i32
        %dma_start3A_120 = tpu.memref_slice %arg2[%dma_start3A_118, %dma_start3A_119] : memref<40000x128xf32, #tpu.memory_space<hbm>> -> memref<40000x128xf32, #tpu.memory_space<hbm>>
        tpu.enqueue_indirect_dma source(%dma_start3A_120 : memref<40000x128xf32, #tpu.memory_space<hbm>>) target(%dma_start3A_117 : memref<128x128xf32, #tpu.memory_space<vmem>>) offsets(%arg7 : memref<128xi32, #tpu.memory_space<vmem>>) semaphore(%arg13 : memref<!tpu.dma_semaphore, #tpu.memory_space<semaphore_mem>>)
      } else {
      }
      %mul3A_73 = arith.constant 2 : i32
      %mul3A_74 = arith.muli %mul3A_73, %while3A_41 : i32
      %add3A_75 = arith.constant 1 : i32
      %add3A_76 = arith.addi %mul3A_74, %add3A_75 : i32
      %dma_wait3A_77 = arith.constant 1 : i32
      %dma_wait3A_78 = arith.constant 0 : i32
      %dma_wait3A_79 = arith.constant 0 : i32
      %dma_wait3A_80 = tpu.memref_slice %arg11[%dma_wait3A_77, %dma_wait3A_78, %dma_wait3A_79] : memref<2x128x128xf32, #tpu.memory_space<vmem>> -> memref<1x128x128xf32, #tpu.memory_space<vmem>>
      %dma_wait3A_81 = tpu.memref_squeeze %dma_wait3A_80 : memref<1x128x128xf32, #tpu.memory_space<vmem>> -> memref<128x128xf32, #tpu.memory_space<vmem>>
      %dma_wait3A_82 = arith.constant 0 : i32
      %dma_wait3A_83 = arith.constant 0 : i32
      %dma_wait3A_84 = tpu.memref_slice %arg2[%dma_wait3A_82, %dma_wait3A_83] : memref<40000x128xf32, #tpu.memory_space<hbm>> -> memref<40000x128xf32, #tpu.memory_space<hbm>>
      tpu.wait_indirect_dma semaphore(%arg14 : memref<!tpu.dma_semaphore, #tpu.memory_space<semaphore_mem>>) src(%dma_wait3A_84 : memref<40000x128xf32, #tpu.memory_space<hbm>>) dst(%dma_wait3A_81 : memref<128x128xf32, #tpu.memory_space<vmem>>)
      %dma_start3A_85 = arith.constant 1 : i32
      %dma_start3A_86 = arith.constant 0 : i32
      %dma_start3A_87 = arith.constant 0 : i32
      %dma_start3A_88 = tpu.memref_slice %arg11[%dma_start3A_85, %dma_start3A_86, %dma_start3A_87] : memref<2x128x128xf32, #tpu.memory_space<vmem>> -> memref<1x128x128xf32, #tpu.memory_space<vmem>>
      %dma_start3A_89 = tpu.memref_squeeze %dma_start3A_88 : memref<1x128x128xf32, #tpu.memory_space<vmem>> -> memref<128x128xf32, #tpu.memory_space<vmem>>
      %dma_start3A_90 = arith.constant 0 : i32
      %dma_start3A_91 = arith.constant 0 : i32
      %dma_start3A_92 = tpu.memref_slice %arg12[%dma_start3A_90, %dma_start3A_91] : memref<10112x128xf32, #tpu.memory_space<vmem_shared>> -> memref<10112x128xf32, #tpu.memory_space<vmem_shared>>
      tpu.enqueue_indirect_dma source(%dma_start3A_89 : memref<128x128xf32, #tpu.memory_space<vmem>>) target(%dma_start3A_92 : memref<10112x128xf32, #tpu.memory_space<vmem_shared>>) offsets(%arg10 : memref<128xi32, #tpu.memory_space<vmem>>) semaphore(%arg16 : memref<!tpu.dma_semaphore, #tpu.memory_space<semaphore_mem>>) {add = true}
      %dma_wait3A_93 = arith.constant 1 : i32
      %dma_wait3A_94 = arith.constant 0 : i32
      %dma_wait3A_95 = arith.constant 0 : i32
      %dma_wait3A_96 = tpu.memref_slice %arg11[%dma_wait3A_93, %dma_wait3A_94, %dma_wait3A_95] : memref<2x128x128xf32, #tpu.memory_space<vmem>> -> memref<1x128x128xf32, #tpu.memory_space<vmem>>
      %dma_wait3A_97 = tpu.memref_squeeze %dma_wait3A_96 : memref<1x128x128xf32, #tpu.memory_space<vmem>> -> memref<128x128xf32, #tpu.memory_space<vmem>>
      %dma_wait3A_98 = arith.constant 0 : i32
      %dma_wait3A_99 = arith.constant 0 : i32
      %dma_wait3A_100 = tpu.memref_slice %arg12[%dma_wait3A_98, %dma_wait3A_99] : memref<10112x128xf32, #tpu.memory_space<vmem_shared>> -> memref<10112x128xf32, #tpu.memory_space<vmem_shared>>
      tpu.wait_indirect_dma semaphore(%arg16 : memref<!tpu.dma_semaphore, #tpu.memory_space<semaphore_mem>>) src(%dma_wait3A_97 : memref<128x128xf32, #tpu.memory_space<vmem>>) dst(%dma_wait3A_100 : memref<10112x128xf32, #tpu.memory_space<vmem_shared>>)
      %add3A_101 = arith.constant 2 : i32
      %add3A_102 = arith.addi %add3A_76, %add3A_101 : i32
      %lt3A_103 = arith.cmpi slt, %add3A_102, %select_n3A : i32
      %convert_element_type3A_104 = arith.extui %lt3A_103 : i1 to i32
      %cond3A_105 = arith.constant 0 : i32
      %cond3A_106 = arith.cmpi ne, %convert_element_type3A_104, %cond3A_105 : i32
      scf.if %cond3A_106 {
        %add3A_107 = arith.addi %select_n3A_10, %add3A_76 : i32
        %add3A_108 = arith.constant 2 : i32
        %add3A_109 = arith.addi %add3A_107, %add3A_108 : i32
        "tpu.region"() ({
          %run_scoped3A = tpu.sem_alloc : memref<!tpu.dma_semaphore, #tpu.memory_space<semaphore_mem>>
          %dma_start3A_121 = arith.constant 0 : i32
          %dma_start3A_122 = tpu.memref_slice %arg3[%add3A_109, %dma_start3A_121] : memref<2560x128xi32, #tpu.memory_space<hbm>> -> memref<1x128xi32, #tpu.memory_space<hbm>>
          %dma_start3A_123 = tpu.memref_squeeze %dma_start3A_122 : memref<1x128xi32, #tpu.memory_space<hbm>> -> memref<128xi32, #tpu.memory_space<hbm>>
          %dma_start3A_124 = arith.constant 0 : i32
          %dma_start3A_125 = tpu.memref_slice %arg3[%add3A_109, %dma_start3A_124] : memref<2560x128xi32, #tpu.memory_space<hbm>> -> memref<1x128xi32, #tpu.memory_space<hbm>>
          %dma_start3A_126 = tpu.memref_squeeze %dma_start3A_125 : memref<1x128xi32, #tpu.memory_space<hbm>> -> memref<128xi32, #tpu.memory_space<hbm>>
          tpu.enqueue_dma source(%dma_start3A_126 : memref<128xi32, #tpu.memory_space<hbm>>) target(%arg8 : memref<128xi32, #tpu.memory_space<vmem>>) target_semaphore(%run_scoped3A : memref<!tpu.dma_semaphore, #tpu.memory_space<semaphore_mem>>)
          %dma_wait3A_127 = arith.constant 0 : i32
          %dma_wait3A_128 = tpu.memref_slice %arg3[%add3A_109, %dma_wait3A_127] : memref<2560x128xi32, #tpu.memory_space<hbm>> -> memref<1x128xi32, #tpu.memory_space<hbm>>
          %dma_wait3A_129 = tpu.memref_squeeze %dma_wait3A_128 : memref<1x128xi32, #tpu.memory_space<hbm>> -> memref<128xi32, #tpu.memory_space<hbm>>
          %dma_wait3A_130 = arith.constant 0 : i32
          %dma_wait3A_131 = tpu.memref_slice %arg3[%add3A_109, %dma_wait3A_130] : memref<2560x128xi32, #tpu.memory_space<hbm>> -> memref<1x128xi32, #tpu.memory_space<hbm>>
          %dma_wait3A_132 = tpu.memref_squeeze %dma_wait3A_131 : memref<1x128xi32, #tpu.memory_space<hbm>> -> memref<128xi32, #tpu.memory_space<hbm>>
          tpu.wait_dma2 semaphore(%run_scoped3A : memref<!tpu.dma_semaphore, #tpu.memory_space<semaphore_mem>>) src(%dma_wait3A_132 : memref<128xi32, #tpu.memory_space<hbm>>) dst(%arg8 : memref<128xi32, #tpu.memory_space<vmem>>)
          tpu.yield
        }) : () -> ()
        %add3A_110 = arith.addi %select_n3A_10, %add3A_76 : i32
        %add3A_111 = arith.constant 2 : i32
        %add3A_112 = arith.addi %add3A_110, %add3A_111 : i32
        "tpu.region"() ({
          %run_scoped3A = tpu.sem_alloc : memref<!tpu.dma_semaphore, #tpu.memory_space<semaphore_mem>>
          %dma_start3A_121 = arith.constant 0 : i32
          %dma_start3A_122 = tpu.memref_slice %arg4[%add3A_112, %dma_start3A_121] : memref<2560x128xi32, #tpu.memory_space<hbm>> -> memref<1x128xi32, #tpu.memory_space<hbm>>
          %dma_start3A_123 = tpu.memref_squeeze %dma_start3A_122 : memref<1x128xi32, #tpu.memory_space<hbm>> -> memref<128xi32, #tpu.memory_space<hbm>>
          %dma_start3A_124 = arith.constant 0 : i32
          %dma_start3A_125 = tpu.memref_slice %arg4[%add3A_112, %dma_start3A_124] : memref<2560x128xi32, #tpu.memory_space<hbm>> -> memref<1x128xi32, #tpu.memory_space<hbm>>
          %dma_start3A_126 = tpu.memref_squeeze %dma_start3A_125 : memref<1x128xi32, #tpu.memory_space<hbm>> -> memref<128xi32, #tpu.memory_space<hbm>>
          tpu.enqueue_dma source(%dma_start3A_126 : memref<128xi32, #tpu.memory_space<hbm>>) target(%arg10 : memref<128xi32, #tpu.memory_space<vmem>>) target_semaphore(%run_scoped3A : memref<!tpu.dma_semaphore, #tpu.memory_space<semaphore_mem>>)
          %dma_wait3A_127 = arith.constant 0 : i32
          %dma_wait3A_128 = tpu.memref_slice %arg4[%add3A_112, %dma_wait3A_127] : memref<2560x128xi32, #tpu.memory_space<hbm>> -> memref<1x128xi32, #tpu.memory_space<hbm>>
          %dma_wait3A_129 = tpu.memref_squeeze %dma_wait3A_128 : memref<1x128xi32, #tpu.memory_space<hbm>> -> memref<128xi32, #tpu.memory_space<hbm>>
          %dma_wait3A_130 = arith.constant 0 : i32
          %dma_wait3A_131 = tpu.memref_slice %arg4[%add3A_112, %dma_wait3A_130] : memref<2560x128xi32, #tpu.memory_space<hbm>> -> memref<1x128xi32, #tpu.memory_space<hbm>>
          %dma_wait3A_132 = tpu.memref_squeeze %dma_wait3A_131 : memref<1x128xi32, #tpu.memory_space<hbm>> -> memref<128xi32, #tpu.memory_space<hbm>>
          tpu.wait_dma2 semaphore(%run_scoped3A : memref<!tpu.dma_semaphore, #tpu.memory_space<semaphore_mem>>) src(%dma_wait3A_132 : memref<128xi32, #tpu.memory_space<hbm>>) dst(%arg10 : memref<128xi32, #tpu.memory_space<vmem>>)
          tpu.yield
        }) : () -> ()
        %dma_start3A_113 = arith.constant 1 : i32
        %dma_start3A_114 = arith.constant 0 : i32
        %dma_start3A_115 = arith.constant 0 : i32
        %dma_start3A_116 = tpu.memref_slice %arg11[%dma_start3A_113, %dma_start3A_114, %dma_start3A_115] : memref<2x128x128xf32, #tpu.memory_space<vmem>> -> memref<1x128x128xf32, #tpu.memory_space<vmem>>
        %dma_start3A_117 = tpu.memref_squeeze %dma_start3A_116 : memref<1x128x128xf32, #tpu.memory_space<vmem>> -> memref<128x128xf32, #tpu.memory_space<vmem>>
        %dma_start3A_118 = arith.constant 0 : i32
        %dma_start3A_119 = arith.constant 0 : i32
        %dma_start3A_120 = tpu.memref_slice %arg2[%dma_start3A_118, %dma_start3A_119] : memref<40000x128xf32, #tpu.memory_space<hbm>> -> memref<40000x128xf32, #tpu.memory_space<hbm>>
        tpu.enqueue_indirect_dma source(%dma_start3A_120 : memref<40000x128xf32, #tpu.memory_space<hbm>>) target(%dma_start3A_117 : memref<128x128xf32, #tpu.memory_space<vmem>>) offsets(%arg8 : memref<128xi32, #tpu.memory_space<vmem>>) semaphore(%arg14 : memref<!tpu.dma_semaphore, #tpu.memory_space<semaphore_mem>>)
      } else {
      }
    }
    %while3A_39 = arith.constant 1 : i32
    scf.for %while3A_41 = %while3A_37 to %while3A_33 step %while3A_39  : i32 {
      %mul3A_42 = arith.constant 2 : i32
      %mul3A_43 = arith.muli %mul3A_42, %while3A_41 : i32
      %add3A_44 = arith.constant 0 : i32
      %add3A_45 = arith.addi %mul3A_43, %add3A_44 : i32
      %dma_wait3A = arith.constant 0 : i32
      %dma_wait3A_46 = arith.constant 0 : i32
      %dma_wait3A_47 = arith.constant 0 : i32
      %dma_wait3A_48 = tpu.memref_slice %arg11[%dma_wait3A, %dma_wait3A_46, %dma_wait3A_47] : memref<2x128x128xf32, #tpu.memory_space<vmem>> -> memref<1x128x128xf32, #tpu.memory_space<vmem>>
      %dma_wait3A_49 = tpu.memref_squeeze %dma_wait3A_48 : memref<1x128x128xf32, #tpu.memory_space<vmem>> -> memref<128x128xf32, #tpu.memory_space<vmem>>
      %dma_wait3A_50 = arith.constant 0 : i32
      %dma_wait3A_51 = arith.constant 0 : i32
      %dma_wait3A_52 = tpu.memref_slice %arg2[%dma_wait3A_50, %dma_wait3A_51] : memref<40000x128xf32, #tpu.memory_space<hbm>> -> memref<40000x128xf32, #tpu.memory_space<hbm>>
      tpu.wait_indirect_dma semaphore(%arg13 : memref<!tpu.dma_semaphore, #tpu.memory_space<semaphore_mem>>) src(%dma_wait3A_52 : memref<40000x128xf32, #tpu.memory_space<hbm>>) dst(%dma_wait3A_49 : memref<128x128xf32, #tpu.memory_space<vmem>>)
      %dma_start3A = arith.constant 0 : i32
      %dma_start3A_53 = arith.constant 0 : i32
      %dma_start3A_54 = arith.constant 0 : i32
      %dma_start3A_55 = tpu.memref_slice %arg11[%dma_start3A, %dma_start3A_53, %dma_start3A_54] : memref<2x128x128xf32, #tpu.memory_space<vmem>> -> memref<1x128x128xf32, #tpu.memory_space<vmem>>
      %dma_start3A_56 = tpu.memref_squeeze %dma_start3A_55 : memref<1x128x128xf32, #tpu.memory_space<vmem>> -> memref<128x128xf32, #tpu.memory_space<vmem>>
      %dma_start3A_57 = arith.constant 0 : i32
      %dma_start3A_58 = arith.constant 0 : i32
      %dma_start3A_59 = tpu.memref_slice %arg12[%dma_start3A_57, %dma_start3A_58] : memref<10112x128xf32, #tpu.memory_space<vmem_shared>> -> memref<10112x128xf32, #tpu.memory_space<vmem_shared>>
      tpu.enqueue_indirect_dma source(%dma_start3A_56 : memref<128x128xf32, #tpu.memory_space<vmem>>) target(%dma_start3A_59 : memref<10112x128xf32, #tpu.memory_space<vmem_shared>>) offsets(%arg9 : memref<128xi32, #tpu.memory_space<vmem>>) semaphore(%arg15 : memref<!tpu.dma_semaphore, #tpu.memory_space<semaphore_mem>>) {add = true}
      %dma_wait3A_60 = arith.constant 0 : i32
      %dma_wait3A_61 = arith.constant 0 : i32
      %dma_wait3A_62 = arith.constant 0 : i32
      %dma_wait3A_63 = tpu.memref_slice %arg11[%dma_wait3A_60, %dma_wait3A_61, %dma_wait3A_62] : memref<2x128x128xf32, #tpu.memory_space<vmem>> -> memref<1x128x128xf32, #tpu.memory_space<vmem>>
      %dma_wait3A_64 = tpu.memref_squeeze %dma_wait3A_63 : memref<1x128x128xf32, #tpu.memory_space<vmem>> -> memref<128x128xf32, #tpu.memory_space<vmem>>
      %dma_wait3A_65 = arith.constant 0 : i32
      %dma_wait3A_66 = arith.constant 0 : i32
      %dma_wait3A_67 = tpu.memref_slice %arg12[%dma_wait3A_65, %dma_wait3A_66] : memref<10112x128xf32, #tpu.memory_space<vmem_shared>> -> memref<10112x128xf32, #tpu.memory_space<vmem_shared>>
      tpu.wait_indirect_dma semaphore(%arg15 : memref<!tpu.dma_semaphore, #tpu.memory_space<semaphore_mem>>) src(%dma_wait3A_64 : memref<128x128xf32, #tpu.memory_space<vmem>>) dst(%dma_wait3A_67 : memref<10112x128xf32, #tpu.memory_space<vmem_shared>>)
      %add3A_68 = arith.constant 2 : i32
      %add3A_69 = arith.addi %add3A_45, %add3A_68 : i32
      %lt3A = arith.cmpi slt, %add3A_69, %select_n3A : i32
      %convert_element_type3A_70 = arith.extui %lt3A : i1 to i32
      %cond3A_71 = arith.constant 0 : i32
      %cond3A_72 = arith.cmpi ne, %convert_element_type3A_70, %cond3A_71 : i32
      scf.if %cond3A_72 {
        %add3A_107 = arith.addi %select_n3A_10, %add3A_45 : i32
        %add3A_108 = arith.constant 2 : i32
        %add3A_109 = arith.addi %add3A_107, %add3A_108 : i32
        "tpu.region"() ({
          %run_scoped3A = tpu.sem_alloc : memref<!tpu.dma_semaphore, #tpu.memory_space<semaphore_mem>>
          %dma_start3A_121 = arith.constant 0 : i32
          %dma_start3A_122 = tpu.memref_slice %arg3[%add3A_109, %dma_start3A_121] : memref<2560x128xi32, #tpu.memory_space<hbm>> -> memref<1x128xi32, #tpu.memory_space<hbm>>
          %dma_start3A_123 = tpu.memref_squeeze %dma_start3A_122 : memref<1x128xi32, #tpu.memory_space<hbm>> -> memref<128xi32, #tpu.memory_space<hbm>>
          %dma_start3A_124 = arith.constant 0 : i32
          %dma_start3A_125 = tpu.memref_slice %arg3[%add3A_109, %dma_start3A_124] : memref<2560x128xi32, #tpu.memory_space<hbm>> -> memref<1x128xi32, #tpu.memory_space<hbm>>
          %dma_start3A_126 = tpu.memref_squeeze %dma_start3A_125 : memref<1x128xi32, #tpu.memory_space<hbm>> -> memref<128xi32, #tpu.memory_space<hbm>>
          tpu.enqueue_dma source(%dma_start3A_126 : memref<128xi32, #tpu.memory_space<hbm>>) target(%arg7 : memref<128xi32, #tpu.memory_space<vmem>>) target_semaphore(%run_scoped3A : memref<!tpu.dma_semaphore, #tpu.memory_space<semaphore_mem>>)
          %dma_wait3A_127 = arith.constant 0 : i32
          %dma_wait3A_128 = tpu.memref_slice %arg3[%add3A_109, %dma_wait3A_127] : memref<2560x128xi32, #tpu.memory_space<hbm>> -> memref<1x128xi32, #tpu.memory_space<hbm>>
          %dma_wait3A_129 = tpu.memref_squeeze %dma_wait3A_128 : memref<1x128xi32, #tpu.memory_space<hbm>> -> memref<128xi32, #tpu.memory_space<hbm>>
          %dma_wait3A_130 = arith.constant 0 : i32
          %dma_wait3A_131 = tpu.memref_slice %arg3[%add3A_109, %dma_wait3A_130] : memref<2560x128xi32, #tpu.memory_space<hbm>> -> memref<1x128xi32, #tpu.memory_space<hbm>>
          %dma_wait3A_132 = tpu.memref_squeeze %dma_wait3A_131 : memref<1x128xi32, #tpu.memory_space<hbm>> -> memref<128xi32, #tpu.memory_space<hbm>>
          tpu.wait_dma2 semaphore(%run_scoped3A : memref<!tpu.dma_semaphore, #tpu.memory_space<semaphore_mem>>) src(%dma_wait3A_132 : memref<128xi32, #tpu.memory_space<hbm>>) dst(%arg7 : memref<128xi32, #tpu.memory_space<vmem>>)
          tpu.yield
        }) : () -> ()
        %add3A_110 = arith.addi %select_n3A_10, %add3A_45 : i32
        %add3A_111 = arith.constant 2 : i32
        %add3A_112 = arith.addi %add3A_110, %add3A_111 : i32
        "tpu.region"() ({
          %run_scoped3A = tpu.sem_alloc : memref<!tpu.dma_semaphore, #tpu.memory_space<semaphore_mem>>
          %dma_start3A_121 = arith.constant 0 : i32
          %dma_start3A_122 = tpu.memref_slice %arg4[%add3A_112, %dma_start3A_121] : memref<2560x128xi32, #tpu.memory_space<hbm>> -> memref<1x128xi32, #tpu.memory_space<hbm>>
          %dma_start3A_123 = tpu.memref_squeeze %dma_start3A_122 : memref<1x128xi32, #tpu.memory_space<hbm>> -> memref<128xi32, #tpu.memory_space<hbm>>
          %dma_start3A_124 = arith.constant 0 : i32
          %dma_start3A_125 = tpu.memref_slice %arg4[%add3A_112, %dma_start3A_124] : memref<2560x128xi32, #tpu.memory_space<hbm>> -> memref<1x128xi32, #tpu.memory_space<hbm>>
          %dma_start3A_126 = tpu.memref_squeeze %dma_start3A_125 : memref<1x128xi32, #tpu.memory_space<hbm>> -> memref<128xi32, #tpu.memory_space<hbm>>
          tpu.enqueue_dma source(%dma_start3A_126 : memref<128xi32, #tpu.memory_space<hbm>>) target(%arg9 : memref<128xi32, #tpu.memory_space<vmem>>) target_semaphore(%run_scoped3A : memref<!tpu.dma_semaphore, #tpu.memory_space<semaphore_mem>>)
          %dma_wait3A_127 = arith.constant 0 : i32
          %dma_wait3A_128 = tpu.memref_slice %arg4[%add3A_112, %dma_wait3A_127] : memref<2560x128xi32, #tpu.memory_space<hbm>> -> memref<1x128xi32, #tpu.memory_space<hbm>>
          %dma_wait3A_129 = tpu.memref_squeeze %dma_wait3A_128 : memref<1x128xi32, #tpu.memory_space<hbm>> -> memref<128xi32, #tpu.memory_space<hbm>>
          %dma_wait3A_130 = arith.constant 0 : i32
          %dma_wait3A_131 = tpu.memref_slice %arg4[%add3A_112, %dma_wait3A_130] : memref<2560x128xi32, #tpu.memory_space<hbm>> -> memref<1x128xi32, #tpu.memory_space<hbm>>
          %dma_wait3A_132 = tpu.memref_squeeze %dma_wait3A_131 : memref<1x128xi32, #tpu.memory_space<hbm>> -> memref<128xi32, #tpu.memory_space<hbm>>
          tpu.wait_dma2 semaphore(%run_scoped3A : memref<!tpu.dma_semaphore, #tpu.memory_space<semaphore_mem>>) src(%dma_wait3A_132 : memref<128xi32, #tpu.memory_space<hbm>>) dst(%arg9 : memref<128xi32, #tpu.memory_space<vmem>>)
          tpu.yield
        }) : () -> ()
        %dma_start3A_113 = arith.constant 0 : i32
        %dma_start3A_114 = arith.constant 0 : i32
        %dma_start3A_115 = arith.constant 0 : i32
        %dma_start3A_116 = tpu.memref_slice %arg11[%dma_start3A_113, %dma_start3A_114, %dma_start3A_115] : memref<2x128x128xf32, #tpu.memory_space<vmem>> -> memref<1x128x128xf32, #tpu.memory_space<vmem>>
        %dma_start3A_117 = tpu.memref_squeeze %dma_start3A_116 : memref<1x128x128xf32, #tpu.memory_space<vmem>> -> memref<128x128xf32, #tpu.memory_space<vmem>>
        %dma_start3A_118 = arith.constant 0 : i32
        %dma_start3A_119 = arith.constant 0 : i32
        %dma_start3A_120 = tpu.memref_slice %arg2[%dma_start3A_118, %dma_start3A_119] : memref<40000x128xf32, #tpu.memory_space<hbm>> -> memref<40000x128xf32, #tpu.memory_space<hbm>>
        tpu.enqueue_indirect_dma source(%dma_start3A_120 : memref<40000x128xf32, #tpu.memory_space<hbm>>) target(%dma_start3A_117 : memref<128x128xf32, #tpu.memory_space<vmem>>) offsets(%arg7 : memref<128xi32, #tpu.memory_space<vmem>>) semaphore(%arg13 : memref<!tpu.dma_semaphore, #tpu.memory_space<semaphore_mem>>)
      } else {
      }
      %mul3A_73 = arith.constant 2 : i32
      %mul3A_74 = arith.muli %mul3A_73, %while3A_41 : i32
      %add3A_75 = arith.constant 1 : i32
      %add3A_76 = arith.addi %mul3A_74, %add3A_75 : i32
      %dma_wait3A_77 = arith.constant 1 : i32
      %dma_wait3A_78 = arith.constant 0 : i32
      %dma_wait3A_79 = arith.constant 0 : i32
      %dma_wait3A_80 = tpu.memref_slice %arg11[%dma_wait3A_77, %dma_wait3A_78, %dma_wait3A_79] : memref<2x128x128xf32, #tpu.memory_space<vmem>> -> memref<1x128x128xf32, #tpu.memory_space<vmem>>
      %dma_wait3A_81 = tpu.memref_squeeze %dma_wait3A_80 : memref<1x128x128xf32, #tpu.memory_space<vmem>> -> memref<128x128xf32, #tpu.memory_space<vmem>>
      %dma_wait3A_82 = arith.constant 0 : i32
      %dma_wait3A_83 = arith.constant 0 : i32
      %dma_wait3A_84 = tpu.memref_slice %arg2[%dma_wait3A_82, %dma_wait3A_83] : memref<40000x128xf32, #tpu.memory_space<hbm>> -> memref<40000x128xf32, #tpu.memory_space<hbm>>
      tpu.wait_indirect_dma semaphore(%arg14 : memref<!tpu.dma_semaphore, #tpu.memory_space<semaphore_mem>>) src(%dma_wait3A_84 : memref<40000x128xf32, #tpu.memory_space<hbm>>) dst(%dma_wait3A_81 : memref<128x128xf32, #tpu.memory_space<vmem>>)
      %dma_start3A_85 = arith.constant 1 : i32
      %dma_start3A_86 = arith.constant 0 : i32
      %dma_start3A_87 = arith.constant 0 : i32
      %dma_start3A_88 = tpu.memref_slice %arg11[%dma_start3A_85, %dma_start3A_86, %dma_start3A_87] : memref<2x128x128xf32, #tpu.memory_space<vmem>> -> memref<1x128x128xf32, #tpu.memory_space<vmem>>
      %dma_start3A_89 = tpu.memref_squeeze %dma_start3A_88 : memref<1x128x128xf32, #tpu.memory_space<vmem>> -> memref<128x128xf32, #tpu.memory_space<vmem>>
      %dma_start3A_90 = arith.constant 0 : i32
      %dma_start3A_91 = arith.constant 0 : i32
      %dma_start3A_92 = tpu.memref_slice %arg12[%dma_start3A_90, %dma_start3A_91] : memref<10112x128xf32, #tpu.memory_space<vmem_shared>> -> memref<10112x128xf32, #tpu.memory_space<vmem_shared>>
      tpu.enqueue_indirect_dma source(%dma_start3A_89 : memref<128x128xf32, #tpu.memory_space<vmem>>) target(%dma_start3A_92 : memref<10112x128xf32, #tpu.memory_space<vmem_shared>>) offsets(%arg10 : memref<128xi32, #tpu.memory_space<vmem>>) semaphore(%arg16 : memref<!tpu.dma_semaphore, #tpu.memory_space<semaphore_mem>>) {add = true}
      %dma_wait3A_93 = arith.constant 1 : i32
      %dma_wait3A_94 = arith.constant 0 : i32
      %dma_wait3A_95 = arith.constant 0 : i32
      %dma_wait3A_96 = tpu.memref_slice %arg11[%dma_wait3A_93, %dma_wait3A_94, %dma_wait3A_95] : memref<2x128x128xf32, #tpu.memory_space<vmem>> -> memref<1x128x128xf32, #tpu.memory_space<vmem>>
      %dma_wait3A_97 = tpu.memref_squeeze %dma_wait3A_96 : memref<1x128x128xf32, #tpu.memory_space<vmem>> -> memref<128x128xf32, #tpu.memory_space<vmem>>
      %dma_wait3A_98 = arith.constant 0 : i32
      %dma_wait3A_99 = arith.constant 0 : i32
      %dma_wait3A_100 = tpu.memref_slice %arg12[%dma_wait3A_98, %dma_wait3A_99] : memref<10112x128xf32, #tpu.memory_space<vmem_shared>> -> memref<10112x128xf32, #tpu.memory_space<vmem_shared>>
      tpu.wait_indirect_dma semaphore(%arg16 : memref<!tpu.dma_semaphore, #tpu.memory_space<semaphore_mem>>) src(%dma_wait3A_97 : memref<128x128xf32, #tpu.memory_space<vmem>>) dst(%dma_wait3A_100 : memref<10112x128xf32, #tpu.memory_space<vmem_shared>>)
      %add3A_101 = arith.constant 2 : i32
      %add3A_102 = arith.addi %add3A_76, %add3A_101 : i32
      %lt3A_103 = arith.cmpi slt, %add3A_102, %select_n3A : i32
      %convert_element_type3A_104 = arith.extui %lt3A_103 : i1 to i32
      %cond3A_105 = arith.constant 0 : i32
      %cond3A_106 = arith.cmpi ne, %convert_element_type3A_104, %cond3A_105 : i32
      scf.if %cond3A_106 {
        %add3A_107 = arith.addi %select_n3A_10, %add3A_76 : i32
        %add3A_108 = arith.constant 2 : i32
        %add3A_109 = arith.addi %add3A_107, %add3A_108 : i32
        "tpu.region"() ({
          %run_scoped3A = tpu.sem_alloc : memref<!tpu.dma_semaphore, #tpu.memory_space<semaphore_mem>>
          %dma_start3A_121 = arith.constant 0 : i32
          %dma_start3A_122 = tpu.memref_slice %arg3[%add3A_109, %dma_start3A_121] : memref<2560x128xi32, #tpu.memory_space<hbm>> -> memref<1x128xi32, #tpu.memory_space<hbm>>
          %dma_start3A_123 = tpu.memref_squeeze %dma_start3A_122 : memref<1x128xi32, #tpu.memory_space<hbm>> -> memref<128xi32, #tpu.memory_space<hbm>>
          %dma_start3A_124 = arith.constant 0 : i32
          %dma_start3A_125 = tpu.memref_slice %arg3[%add3A_109, %dma_start3A_124] : memref<2560x128xi32, #tpu.memory_space<hbm>> -> memref<1x128xi32, #tpu.memory_space<hbm>>
          %dma_start3A_126 = tpu.memref_squeeze %dma_start3A_125 : memref<1x128xi32, #tpu.memory_space<hbm>> -> memref<128xi32, #tpu.memory_space<hbm>>
          tpu.enqueue_dma source(%dma_start3A_126 : memref<128xi32, #tpu.memory_space<hbm>>) target(%arg8 : memref<128xi32, #tpu.memory_space<vmem>>) target_semaphore(%run_scoped3A : memref<!tpu.dma_semaphore, #tpu.memory_space<semaphore_mem>>)
          %dma_wait3A_127 = arith.constant 0 : i32
          %dma_wait3A_128 = tpu.memref_slice %arg3[%add3A_109, %dma_wait3A_127] : memref<2560x128xi32, #tpu.memory_space<hbm>> -> memref<1x128xi32, #tpu.memory_space<hbm>>
          %dma_wait3A_129 = tpu.memref_squeeze %dma_wait3A_128 : memref<1x128xi32, #tpu.memory_space<hbm>> -> memref<128xi32, #tpu.memory_space<hbm>>
          %dma_wait3A_130 = arith.constant 0 : i32
          %dma_wait3A_131 = tpu.memref_slice %arg3[%add3A_109, %dma_wait3A_130] : memref<2560x128xi32, #tpu.memory_space<hbm>> -> memref<1x128xi32, #tpu.memory_space<hbm>>
          %dma_wait3A_132 = tpu.memref_squeeze %dma_wait3A_131 : memref<1x128xi32, #tpu.memory_space<hbm>> -> memref<128xi32, #tpu.memory_space<hbm>>
          tpu.wait_dma2 semaphore(%run_scoped3A : memref<!tpu.dma_semaphore, #tpu.memory_space<semaphore_mem>>) src(%dma_wait3A_132 : memref<128xi32, #tpu.memory_space<hbm>>) dst(%arg8 : memref<128xi32, #tpu.memory_space<vmem>>)
          tpu.yield
        }) : () -> ()
        %add3A_110 = arith.addi %select_n3A_10, %add3A_76 : i32
        %add3A_111 = arith.constant 2 : i32
        %add3A_112 = arith.addi %add3A_110, %add3A_111 : i32
        "tpu.region"() ({
          %run_scoped3A = tpu.sem_alloc : memref<!tpu.dma_semaphore, #tpu.memory_space<semaphore_mem>>
          %dma_start3A_121 = arith.constant 0 : i32
          %dma_start3A_122 = tpu.memref_slice %arg4[%add3A_112, %dma_start3A_121] : memref<2560x128xi32, #tpu.memory_space<hbm>> -> memref<1x128xi32, #tpu.memory_space<hbm>>
          %dma_start3A_123 = tpu.memref_squeeze %dma_start3A_122 : memref<1x128xi32, #tpu.memory_space<hbm>> -> memref<128xi32, #tpu.memory_space<hbm>>
          %dma_start3A_124 = arith.constant 0 : i32
          %dma_start3A_125 = tpu.memref_slice %arg4[%add3A_112, %dma_start3A_124] : memref<2560x128xi32, #tpu.memory_space<hbm>> -> memref<1x128xi32, #tpu.memory_space<hbm>>
          %dma_start3A_126 = tpu.memref_squeeze %dma_start3A_125 : memref<1x128xi32, #tpu.memory_space<hbm>> -> memref<128xi32, #tpu.memory_space<hbm>>
          tpu.enqueue_dma source(%dma_start3A_126 : memref<128xi32, #tpu.memory_space<hbm>>) target(%arg10 : memref<128xi32, #tpu.memory_space<vmem>>) target_semaphore(%run_scoped3A : memref<!tpu.dma_semaphore, #tpu.memory_space<semaphore_mem>>)
          %dma_wait3A_127 = arith.constant 0 : i32
          %dma_wait3A_128 = tpu.memref_slice %arg4[%add3A_112, %dma_wait3A_127] : memref<2560x128xi32, #tpu.memory_space<hbm>> -> memref<1x128xi32, #tpu.memory_space<hbm>>
          %dma_wait3A_129 = tpu.memref_squeeze %dma_wait3A_128 : memref<1x128xi32, #tpu.memory_space<hbm>> -> memref<128xi32, #tpu.memory_space<hbm>>
          %dma_wait3A_130 = arith.constant 0 : i32
          %dma_wait3A_131 = tpu.memref_slice %arg4[%add3A_112, %dma_wait3A_130] : memref<2560x128xi32, #tpu.memory_space<hbm>> -> memref<1x128xi32, #tpu.memory_space<hbm>>
          %dma_wait3A_132 = tpu.memref_squeeze %dma_wait3A_131 : memref<1x128xi32, #tpu.memory_space<hbm>> -> memref<128xi32, #tpu.memory_space<hbm>>
          tpu.wait_dma2 semaphore(%run_scoped3A : memref<!tpu.dma_semaphore, #tpu.memory_space<semaphore_mem>>) src(%dma_wait3A_132 : memref<128xi32, #tpu.memory_space<hbm>>) dst(%arg10 : memref<128xi32, #tpu.memory_space<vmem>>)
          tpu.yield
        }) : () -> ()
        %dma_start3A_113 = arith.constant 1 : i32
        %dma_start3A_114 = arith.constant 0 : i32
        %dma_start3A_115 = arith.constant 0 : i32
        %dma_start3A_116 = tpu.memref_slice %arg11[%dma_start3A_113, %dma_start3A_114, %dma_start3A_115] : memref<2x128x128xf32, #tpu.memory_space<vmem>> -> memref<1x128x128xf32, #tpu.memory_space<vmem>>
        %dma_start3A_117 = tpu.memref_squeeze %dma_start3A_116 : memref<1x128x128xf32, #tpu.memory_space<vmem>> -> memref<128x128xf32, #tpu.memory_space<vmem>>
        %dma_start3A_118 = arith.constant 0 : i32
        %dma_start3A_119 = arith.constant 0 : i32
        %dma_start3A_120 = tpu.memref_slice %arg2[%dma_start3A_118, %dma_start3A_119] : memref<40000x128xf32, #tpu.memory_space<hbm>> -> memref<40000x128xf32, #tpu.memory_space<hbm>>
        tpu.enqueue_indirect_dma source(%dma_start3A_120 : memref<40000x128xf32, #tpu.memory_space<hbm>>) target(%dma_start3A_117 : memref<128x128xf32, #tpu.memory_space<vmem>>) offsets(%arg8 : memref<128xi32, #tpu.memory_space<vmem>>) semaphore(%arg14 : memref<!tpu.dma_semaphore, #tpu.memory_space<semaphore_mem>>)
      } else {
      }
    }
    %barrier3A_40 = arith.constant 0 : index
    tpu.barrier barrier_id(%barrier3A_40)
    "tpu.region"() ({
      %run_scoped3A = tpu.sem_alloc : memref<!tpu.dma_semaphore, #tpu.memory_space<semaphore_mem>>
      %dma_start3A = arith.constant 0 : i32
      %dma_start3A_41 = arith.constant 0 : i32
      %dma_start3A_42 = tpu.memref_slice %arg6[%arg0, %dma_start3A, %dma_start3A_41] : memref<2x10112x128xf32, #tpu.memory_space<hbm>> -> memref<1x10112x128xf32, #tpu.memory_space<hbm>>
      %dma_start3A_43 = tpu.memref_squeeze %dma_start3A_42 : memref<1x10112x128xf32, #tpu.memory_space<hbm>> -> memref<10112x128xf32, #tpu.memory_space<hbm>>
      %dma_start3A_44 = arith.constant 0 : i32
      %dma_start3A_45 = tpu.memref_slice %dma_start3A_43[%mul3A_0, %dma_start3A_44] : memref<10112x128xf32, #tpu.memory_space<hbm>> -> memref<632x128xf32, #tpu.memory_space<hbm>>
      %dma_start3A_46 = arith.constant 0 : i32
      %dma_start3A_47 = tpu.memref_slice %arg12[%mul3A_0, %dma_start3A_46] : memref<10112x128xf32, #tpu.memory_space<vmem_shared>> -> memref<632x128xf32, #tpu.memory_space<vmem_shared>>
      tpu.enqueue_dma source(%dma_start3A_47 : memref<632x128xf32, #tpu.memory_space<vmem_shared>>) target(%dma_start3A_45 : memref<632x128xf32, #tpu.memory_space<hbm>>) target_semaphore(%run_scoped3A : memref<!tpu.dma_semaphore, #tpu.memory_space<semaphore_mem>>)
      %dma_wait3A = arith.constant 0 : i32
      %dma_wait3A_48 = arith.constant 0 : i32
      %dma_wait3A_49 = tpu.memref_slice %arg6[%arg0, %dma_wait3A, %dma_wait3A_48] : memref<2x10112x128xf32, #tpu.memory_space<hbm>> -> memref<1x10112x128xf32, #tpu.memory_space<hbm>>
      %dma_wait3A_50 = tpu.memref_squeeze %dma_wait3A_49 : memref<1x10112x128xf32, #tpu.memory_space<hbm>> -> memref<10112x128xf32, #tpu.memory_space<hbm>>
      %dma_wait3A_51 = arith.constant 0 : i32
      %dma_wait3A_52 = tpu.memref_slice %dma_wait3A_50[%mul3A_0, %dma_wait3A_51] : memref<10112x128xf32, #tpu.memory_space<hbm>> -> memref<632x128xf32, #tpu.memory_space<hbm>>
      %dma_wait3A_53 = arith.constant 0 : i32
      %dma_wait3A_54 = tpu.memref_slice %arg12[%mul3A_0, %dma_wait3A_53] : memref<10112x128xf32, #tpu.memory_space<vmem_shared>> -> memref<632x128xf32, #tpu.memory_space<vmem_shared>>
      tpu.wait_dma2 semaphore(%run_scoped3A : memref<!tpu.dma_semaphore, #tpu.memory_space<semaphore_mem>>) src(%dma_wait3A_54 : memref<632x128xf32, #tpu.memory_space<vmem_shared>>) dst(%dma_wait3A_52 : memref<632x128xf32, #tpu.memory_space<hbm>>)
      tpu.yield
    }) : () -> ()
    return
  }
}

module attributes {stable_mosaic.version = 14 : i64} {
  func.func @_embed_z4_body(%arg0: i32, %arg1: memref<1000x1xi32, #tpu.memory_space<vmem>>, %arg2: memref<4x128xf32, #tpu.memory_space<vmem>>, %arg3: memref<4x128xf32, #tpu.memory_space<vmem>>, %arg4: memref<128x128xf32, #tpu.memory_space<vmem>>, %arg5: memref<1x128xf32, #tpu.memory_space<vmem>>, %arg6: memref<1000x128xf32, #tpu.memory_space<vmem>>, %arg7: memref<4x1000x128xf32, #tpu.memory_space<vmem>>) attributes {dimension_semantics = [#tpu.dimension_semantics<arbitrary>], iteration_bounds = array<i64: 10>, scalar_prefetch = 0 : i64, scratch_operands = 0 : i64, tpu.core_type = #tpu.core_type<tc>, window_params = [{transform_indices = @transform_0, window_bounds = array<i64: 1000, 1>}, {pipeline_mode = #tpu.pipeline_mode<synchronous>, transform_indices = @transform_1, window_bounds = array<i64: 4, 128>}, {pipeline_mode = #tpu.pipeline_mode<synchronous>, transform_indices = @transform_2, window_bounds = array<i64: 4, 128>}, {pipeline_mode = #tpu.pipeline_mode<synchronous>, transform_indices = @transform_3, window_bounds = array<i64: 128, 128>}, {pipeline_mode = #tpu.pipeline_mode<synchronous>, transform_indices = @transform_4, window_bounds = array<i64: 1, 128>}, {transform_indices = @transform_5, window_bounds = array<i64: 1000, 128>}, {transform_indices = @transform_6, window_bounds = array<i64: 4, 1000, 128>}]} {
    %get3A = arith.constant 0 : index
    %get3A_0 = arith.constant 0 : index
    %get3A_1 = vector.load %arg1[%get3A, %get3A_0] : memref<1000x1xi32, #tpu.memory_space<vmem>>, vector<1000x1xi32>
    %get3A_2 = arith.constant 0 : index
    %get3A_3 = arith.constant 0 : index
    %get3A_4 = vector.load %arg2[%get3A_2, %get3A_3] : memref<4x128xf32, #tpu.memory_space<vmem>>, vector<1x128xf32>
    %broadcast_in_dim3A = vector.shape_cast %get3A_4 : vector<1x128xf32> to vector<1x128xf32>
    %broadcast_in_dim3A_5 = vector.broadcast %broadcast_in_dim3A : vector<1x128xf32> to vector<1000x128xf32>
    %eq3A = arith.constant 1 : i32
    %eq3A_6 = vector.broadcast %eq3A : i32 to vector<1000x1xi32>
    %eq3A_7 = arith.cmpi eq, %get3A_1, %eq3A_6 : vector<1000x1xi32>
    %get3A_8 = arith.constant 1 : index
    %get3A_9 = arith.constant 0 : index
    %get3A_10 = vector.load %arg2[%get3A_8, %get3A_9] : memref<4x128xf32, #tpu.memory_space<vmem>>, vector<1x128xf32>
    %broadcast_in_dim3A_11 = vector.shape_cast %eq3A_7 : vector<1000x1xi1> to vector<1000x1xi1>
    %broadcast_in_dim3A_12 = vector.broadcast %broadcast_in_dim3A_11 : vector<1000x1xi1> to vector<1000x128xi1>
    %broadcast_in_dim3A_13 = vector.shape_cast %get3A_10 : vector<1x128xf32> to vector<1x128xf32>
    %broadcast_in_dim3A_14 = vector.broadcast %broadcast_in_dim3A_13 : vector<1x128xf32> to vector<1000x128xf32>
    %select_n3A = arith.select %broadcast_in_dim3A_12, %broadcast_in_dim3A_14, %broadcast_in_dim3A_5 : vector<1000x128xi1>, vector<1000x128xf32>
    %eq3A_15 = arith.constant 2 : i32
    %eq3A_16 = vector.broadcast %eq3A_15 : i32 to vector<1000x1xi32>
    %eq3A_17 = arith.cmpi eq, %get3A_1, %eq3A_16 : vector<1000x1xi32>
    %get3A_18 = arith.constant 2 : index
    %get3A_19 = arith.constant 0 : index
    %get3A_20 = vector.load %arg2[%get3A_18, %get3A_19] : memref<4x128xf32, #tpu.memory_space<vmem>>, vector<1x128xf32>
    %broadcast_in_dim3A_21 = vector.shape_cast %eq3A_17 : vector<1000x1xi1> to vector<1000x1xi1>
    %broadcast_in_dim3A_22 = vector.broadcast %broadcast_in_dim3A_21 : vector<1000x1xi1> to vector<1000x128xi1>
    %broadcast_in_dim3A_23 = vector.shape_cast %get3A_20 : vector<1x128xf32> to vector<1x128xf32>
    %broadcast_in_dim3A_24 = vector.broadcast %broadcast_in_dim3A_23 : vector<1x128xf32> to vector<1000x128xf32>
    %select_n3A_25 = arith.select %broadcast_in_dim3A_22, %broadcast_in_dim3A_24, %select_n3A : vector<1000x128xi1>, vector<1000x128xf32>
    %eq3A_26 = arith.constant 3 : i32
    %eq3A_27 = vector.broadcast %eq3A_26 : i32 to vector<1000x1xi32>
    %eq3A_28 = arith.cmpi eq, %get3A_1, %eq3A_27 : vector<1000x1xi32>
    %get3A_29 = arith.constant 3 : index
    %get3A_30 = arith.constant 0 : index
    %get3A_31 = vector.load %arg2[%get3A_29, %get3A_30] : memref<4x128xf32, #tpu.memory_space<vmem>>, vector<1x128xf32>
    %broadcast_in_dim3A_32 = vector.shape_cast %eq3A_28 : vector<1000x1xi1> to vector<1000x1xi1>
    %broadcast_in_dim3A_33 = vector.broadcast %broadcast_in_dim3A_32 : vector<1000x1xi1> to vector<1000x128xi1>
    %broadcast_in_dim3A_34 = vector.shape_cast %get3A_31 : vector<1x128xf32> to vector<1x128xf32>
    %broadcast_in_dim3A_35 = vector.broadcast %broadcast_in_dim3A_34 : vector<1x128xf32> to vector<1000x128xf32>
    %select_n3A_36 = arith.select %broadcast_in_dim3A_33, %broadcast_in_dim3A_35, %select_n3A_25 : vector<1000x128xi1>, vector<1000x128xf32>
    %swap3A = arith.constant 0 : index
    %swap3A_37 = arith.constant 0 : index
    %swap3A_38 = vector.load %arg6[%swap3A, %swap3A_37] : memref<1000x128xf32, #tpu.memory_space<vmem>>, vector<1000x128xf32>
    tpu.vector_store %arg6[%swap3A, %swap3A_37], %select_n3A_36 {strides = array<i32>} : memref<1000x128xf32, #tpu.memory_space<vmem>>, vector<1000x128xf32>,
    %get3A_39 = arith.constant 0 : index
    %get3A_40 = arith.constant 0 : index
    %get3A_41 = vector.load %arg3[%get3A_39, %get3A_40] : memref<4x128xf32, #tpu.memory_space<vmem>>, vector<4x128xf32>
    %get3A_42 = arith.constant 0 : index
    %get3A_43 = arith.constant 0 : index
    %get3A_44 = vector.load %arg4[%get3A_42, %get3A_43] : memref<128x128xf32, #tpu.memory_space<vmem>>, vector<128x128xf32>
    %dot_general3A = arith.constant dense<0.000000e+00> : vector<4x128xf32>
    %dot_general3A_45 = tpu.matmul %get3A_41, %get3A_44, %dot_general3A {dimension_numbers = #tpu.dot_dimension_numbers<[1], [0], [0], [1], [0, 0, 1, 1], [], []>, transpose_lhs_hint = false} : vector<4x128xf32>, vector<128x128xf32>, vector<4x128xf32> -> vector<4x128xf32>
    %get3A_46 = arith.constant 0 : index
    %get3A_47 = arith.constant 0 : index
    %get3A_48 = vector.load %arg5[%get3A_46, %get3A_47] : memref<1x128xf32, #tpu.memory_space<vmem>>, vector<1x128xf32>
    %add3A = vector.broadcast %get3A_48 : vector<1x128xf32> to vector<4x128xf32>
    %add3A_49 = arith.addf %dot_general3A_45, %add3A : vector<4x128xf32>
    %slice3A = vector.extract_strided_slice %add3A_49 {offsets = [0, 0], sizes = [1, 128], strides = [1, 1]} : vector<4x128xf32> to vector<1x128xf32>
    %add3A_50 = vector.broadcast %slice3A : vector<1x128xf32> to vector<1000x128xf32>
    %add3A_51 = arith.addf %select_n3A_36, %add3A_50 : vector<1000x128xf32>
    %max3A = arith.constant 0.000000e+00 : f32
    %max3A_52 = vector.broadcast %max3A : f32 to vector<1000x128xf32>
    %max3A_53 = arith.maximumf %add3A_51, %max3A_52 : vector<1000x128xf32>
    %swap3A_54 = arith.constant 0 : index
    %swap3A_55 = arith.constant 0 : index
    %swap3A_56 = arith.constant 0 : index
    %swap3A_57 = vector.load %arg7[%swap3A_54, %swap3A_55, %swap3A_56] : memref<4x1000x128xf32, #tpu.memory_space<vmem>>, vector<1x1000x128xf32>
    %swap3A_58 = vector.shape_cast %swap3A_57 : vector<1x1000x128xf32> to vector<1000x128xf32>
    %swap3A_59 = vector.shape_cast %max3A_53 : vector<1000x128xf32> to vector<1x1000x128xf32>
    tpu.vector_store %arg7[%swap3A_54, %swap3A_55, %swap3A_56], %swap3A_59 {strides = array<i32>} : memref<4x1000x128xf32, #tpu.memory_space<vmem>>, vector<1x1000x128xf32>,
    %slice3A_60 = vector.extract_strided_slice %add3A_49 {offsets = [1, 0], sizes = [1, 128], strides = [1, 1]} : vector<4x128xf32> to vector<1x128xf32>
    %add3A_61 = vector.broadcast %slice3A_60 : vector<1x128xf32> to vector<1000x128xf32>
    %add3A_62 = arith.addf %select_n3A_36, %add3A_61 : vector<1000x128xf32>
    %max3A_63 = arith.constant 0.000000e+00 : f32
    %max3A_64 = vector.broadcast %max3A_63 : f32 to vector<1000x128xf32>
    %max3A_65 = arith.maximumf %add3A_62, %max3A_64 : vector<1000x128xf32>
    %swap3A_66 = arith.constant 1 : index
    %swap3A_67 = arith.constant 0 : index
    %swap3A_68 = arith.constant 0 : index
    %swap3A_69 = vector.load %arg7[%swap3A_66, %swap3A_67, %swap3A_68] : memref<4x1000x128xf32, #tpu.memory_space<vmem>>, vector<1x1000x128xf32>
    %swap3A_70 = vector.shape_cast %swap3A_69 : vector<1x1000x128xf32> to vector<1000x128xf32>
    %swap3A_71 = vector.shape_cast %max3A_65 : vector<1000x128xf32> to vector<1x1000x128xf32>
    tpu.vector_store %arg7[%swap3A_66, %swap3A_67, %swap3A_68], %swap3A_71 {strides = array<i32>} : memref<4x1000x128xf32, #tpu.memory_space<vmem>>, vector<1x1000x128xf32>,
    %slice3A_72 = vector.extract_strided_slice %add3A_49 {offsets = [2, 0], sizes = [1, 128], strides = [1, 1]} : vector<4x128xf32> to vector<1x128xf32>
    %add3A_73 = vector.broadcast %slice3A_72 : vector<1x128xf32> to vector<1000x128xf32>
    %add3A_74 = arith.addf %select_n3A_36, %add3A_73 : vector<1000x128xf32>
    %max3A_75 = arith.constant 0.000000e+00 : f32
    %max3A_76 = vector.broadcast %max3A_75 : f32 to vector<1000x128xf32>
    %max3A_77 = arith.maximumf %add3A_74, %max3A_76 : vector<1000x128xf32>
    %swap3A_78 = arith.constant 2 : index
    %swap3A_79 = arith.constant 0 : index
    %swap3A_80 = arith.constant 0 : index
    %swap3A_81 = vector.load %arg7[%swap3A_78, %swap3A_79, %swap3A_80] : memref<4x1000x128xf32, #tpu.memory_space<vmem>>, vector<1x1000x128xf32>
    %swap3A_82 = vector.shape_cast %swap3A_81 : vector<1x1000x128xf32> to vector<1000x128xf32>
    %swap3A_83 = vector.shape_cast %max3A_77 : vector<1000x128xf32> to vector<1x1000x128xf32>
    tpu.vector_store %arg7[%swap3A_78, %swap3A_79, %swap3A_80], %swap3A_83 {strides = array<i32>} : memref<4x1000x128xf32, #tpu.memory_space<vmem>>, vector<1x1000x128xf32>,
    %slice3A_84 = vector.extract_strided_slice %add3A_49 {offsets = [3, 0], sizes = [1, 128], strides = [1, 1]} : vector<4x128xf32> to vector<1x128xf32>
    %add3A_85 = vector.broadcast %slice3A_84 : vector<1x128xf32> to vector<1000x128xf32>
    %add3A_86 = arith.addf %select_n3A_36, %add3A_85 : vector<1000x128xf32>
    %max3A_87 = arith.constant 0.000000e+00 : f32
    %max3A_88 = vector.broadcast %max3A_87 : f32 to vector<1000x128xf32>
    %max3A_89 = arith.maximumf %add3A_86, %max3A_88 : vector<1000x128xf32>
    %swap3A_90 = arith.constant 3 : index
    %swap3A_91 = arith.constant 0 : index
    %swap3A_92 = arith.constant 0 : index
    %swap3A_93 = vector.load %arg7[%swap3A_90, %swap3A_91, %swap3A_92] : memref<4x1000x128xf32, #tpu.memory_space<vmem>>, vector<1x1000x128xf32>
    %swap3A_94 = vector.shape_cast %swap3A_93 : vector<1x1000x128xf32> to vector<1000x128xf32>
    %swap3A_95 = vector.shape_cast %max3A_89 : vector<1000x128xf32> to vector<1x1000x128xf32>
    tpu.vector_store %arg7[%swap3A_90, %swap3A_91, %swap3A_92], %swap3A_95 {strides = array<i32>} : memref<4x1000x128xf32, #tpu.memory_space<vmem>>, vector<1x1000x128xf32>,
    return
  }
  func.func @transform_0(%arg0: i32) -> (i32, i32) {
    %c0_i32 = arith.constant 0 : i32
    %c0_i32_0 = arith.constant 0 : i32
    return %arg0, %c0_i32 : i32, i32
  }
  func.func @transform_1(%arg0: i32) -> (i32, i32) {
    %c0_i32 = arith.constant 0 : i32
    %c0_i32_0 = arith.constant 0 : i32
    %c0_i32_1 = arith.constant 0 : i32
    return %c0_i32, %c0_i32_0 : i32, i32
  }
  func.func @transform_2(%arg0: i32) -> (i32, i32) {
    %c0_i32 = arith.constant 0 : i32
    %c0_i32_0 = arith.constant 0 : i32
    %c0_i32_1 = arith.constant 0 : i32
    return %c0_i32, %c0_i32_0 : i32, i32
  }
  func.func @transform_3(%arg0: i32) -> (i32, i32) {
    %c0_i32 = arith.constant 0 : i32
    %c0_i32_0 = arith.constant 0 : i32
    %c0_i32_1 = arith.constant 0 : i32
    return %c0_i32, %c0_i32_0 : i32, i32
  }
  func.func @transform_4(%arg0: i32) -> (i32, i32) {
    %c0_i32 = arith.constant 0 : i32
    %c0_i32_0 = arith.constant 0 : i32
    %c0_i32_1 = arith.constant 0 : i32
    return %c0_i32, %c0_i32_0 : i32, i32
  }
  func.func @transform_5(%arg0: i32) -> (i32, i32) {
    %c0_i32 = arith.constant 0 : i32
    %c0_i32_0 = arith.constant 0 : i32
    return %arg0, %c0_i32 : i32, i32
  }
  func.func @transform_6(%arg0: i32) -> (i32, i32, i32) {
    %c0_i32 = arith.constant 0 : i32
    %c0_i32_0 = arith.constant 0 : i32
    %c0_i32_1 = arith.constant 0 : i32
    return %c0_i32, %arg0, %c0_i32_0 : i32, i32, i32
  }
}

module attributes {stable_mosaic.version = 14 : i64} {
  func.func @_upd_z4_body(%arg0: i32, %arg1: memref<1000x128xf32, #tpu.memory_space<vmem>>, %arg2: memref<2x1000x128xf32, #tpu.memory_space<vmem>>, %arg3: memref<1x1xf32, #tpu.memory_space<vmem>>, %arg4: memref<128x128xf32, #tpu.memory_space<vmem>>, %arg5: memref<1x128xf32, #tpu.memory_space<vmem>>, %arg6: memref<128x128xf32, #tpu.memory_space<vmem>>, %arg7: memref<1x128xf32, #tpu.memory_space<vmem>>, %arg8: memref<4x128xf32, #tpu.memory_space<vmem>>, %arg9: memref<128x128xf32, #tpu.memory_space<vmem>>, %arg10: memref<1x128xf32, #tpu.memory_space<vmem>>, %arg11: memref<1000x128xf32, #tpu.memory_space<vmem>>, %arg12: memref<4x1000x128xf32, #tpu.memory_space<vmem>>) attributes {dimension_semantics = [#tpu.dimension_semantics<arbitrary>], iteration_bounds = array<i64: 10>, scalar_prefetch = 0 : i64, scratch_operands = 0 : i64, tpu.core_type = #tpu.core_type<tc>, window_params = [{transform_indices = @transform_0, window_bounds = array<i64: 1000, 128>}, {transform_indices = @transform_1, window_bounds = array<i64: 2, 1000, 128>}, {pipeline_mode = #tpu.pipeline_mode<synchronous>, transform_indices = @transform_2, window_bounds = array<i64: 1, 1>}, {pipeline_mode = #tpu.pipeline_mode<synchronous>, transform_indices = @transform_3, window_bounds = array<i64: 128, 128>}, {pipeline_mode = #tpu.pipeline_mode<synchronous>, transform_indices = @transform_4, window_bounds = array<i64: 1, 128>}, {pipeline_mode = #tpu.pipeline_mode<synchronous>, transform_indices = @transform_5, window_bounds = array<i64: 128, 128>}, {pipeline_mode = #tpu.pipeline_mode<synchronous>, transform_indices = @transform_6, window_bounds = array<i64: 1, 128>}, {pipeline_mode = #tpu.pipeline_mode<synchronous>, transform_indices = @transform_7, window_bounds = array<i64: 4, 128>}, {pipeline_mode = #tpu.pipeline_mode<synchronous>, transform_indices = @transform_8, window_bounds = array<i64: 128, 128>}, {pipeline_mode = #tpu.pipeline_mode<synchronous>, transform_indices = @transform_9, window_bounds = array<i64: 1, 128>}, {transform_indices = @transform_10, window_bounds = array<i64: 1000, 128>}, {transform_indices = @transform_11, window_bounds = array<i64: 4, 1000, 128>}]} {
    %get3A = arith.constant 0 : index
    %get3A_0 = arith.constant 0 : index
    %get3A_1 = arith.constant 0 : index
    %get3A_2 = vector.load %arg2[%get3A, %get3A_0, %get3A_1] : memref<2x1000x128xf32, #tpu.memory_space<vmem>>, vector<1x1000x128xf32>
    %get3A_3 = vector.shape_cast %get3A_2 : vector<1x1000x128xf32> to vector<1000x128xf32>
    %get3A_4 = arith.constant 1 : index
    %get3A_5 = arith.constant 0 : index
    %get3A_6 = arith.constant 0 : index
    %get3A_7 = vector.load %arg2[%get3A_4, %get3A_5, %get3A_6] : memref<2x1000x128xf32, #tpu.memory_space<vmem>>, vector<1x1000x128xf32>
    %get3A_8 = vector.shape_cast %get3A_7 : vector<1x1000x128xf32> to vector<1000x128xf32>
    %add3A = arith.addf %get3A_3, %get3A_8 : vector<1000x128xf32>
    %get3A_9 = arith.constant 0 : index
    %get3A_10 = arith.constant 0 : index
    %get3A_11 = vector.load %arg1[%get3A_9, %get3A_10] : memref<1000x128xf32, #tpu.memory_space<vmem>>, vector<1000x128xf32>
    %get3A_12 = arith.constant 0 : index
    %get3A_13 = arith.constant 0 : index
    %get3A_14 = vector.load %arg3[%get3A_12, %get3A_13] : memref<1x1xf32, #tpu.memory_space<vmem>>, vector<1x1xf32>
    %get3A_15 = vector.extract %get3A_14[0, 0] : f32 from vector<1x1xf32>
    %mul3A = vector.broadcast %get3A_15 : f32 to vector<1000x128xf32>
    %mul3A_16 = arith.mulf %get3A_11, %mul3A : vector<1000x128xf32>
    %add3A_17 = arith.addf %mul3A_16, %add3A : vector<1000x128xf32>
    %get3A_18 = arith.constant 0 : index
    %get3A_19 = arith.constant 0 : index
    %get3A_20 = vector.load %arg4[%get3A_18, %get3A_19] : memref<128x128xf32, #tpu.memory_space<vmem>>, vector<128x128xf32>
    %dot_general3A = arith.constant dense<0.000000e+00> : vector<1000x128xf32>
    %dot_general3A_21 = tpu.matmul %add3A_17, %get3A_20, %dot_general3A {dimension_numbers = #tpu.dot_dimension_numbers<[1], [0], [0], [1], [0, 0, 1, 1], [], []>, transpose_lhs_hint = false} : vector<1000x128xf32>, vector<128x128xf32>, vector<1000x128xf32> -> vector<1000x128xf32>
    %get3A_22 = arith.constant 0 : index
    %get3A_23 = arith.constant 0 : index
    %get3A_24 = vector.load %arg5[%get3A_22, %get3A_23] : memref<1x128xf32, #tpu.memory_space<vmem>>, vector<1x128xf32>
    %add3A_25 = vector.broadcast %get3A_24 : vector<1x128xf32> to vector<1000x128xf32>
    %add3A_26 = arith.addf %dot_general3A_21, %add3A_25 : vector<1000x128xf32>
    %max3A = arith.constant 0.000000e+00 : f32
    %max3A_27 = vector.broadcast %max3A : f32 to vector<1000x128xf32>
    %max3A_28 = arith.maximumf %add3A_26, %max3A_27 : vector<1000x128xf32>
    %get3A_29 = arith.constant 0 : index
    %get3A_30 = arith.constant 0 : index
    %get3A_31 = vector.load %arg6[%get3A_29, %get3A_30] : memref<128x128xf32, #tpu.memory_space<vmem>>, vector<128x128xf32>
    %dot_general3A_32 = arith.constant dense<0.000000e+00> : vector<1000x128xf32>
    %dot_general3A_33 = tpu.matmul %max3A_28, %get3A_31, %dot_general3A_32 {dimension_numbers = #tpu.dot_dimension_numbers<[1], [0], [0], [1], [0, 0, 1, 1], [], []>, transpose_lhs_hint = false} : vector<1000x128xf32>, vector<128x128xf32>, vector<1000x128xf32> -> vector<1000x128xf32>
    %get3A_34 = arith.constant 0 : index
    %get3A_35 = arith.constant 0 : index
    %get3A_36 = vector.load %arg7[%get3A_34, %get3A_35] : memref<1x128xf32, #tpu.memory_space<vmem>>, vector<1x128xf32>
    %add3A_37 = vector.broadcast %get3A_36 : vector<1x128xf32> to vector<1000x128xf32>
    %add3A_38 = arith.addf %dot_general3A_33, %add3A_37 : vector<1000x128xf32>
    %max3A_39 = arith.constant 0.000000e+00 : f32
    %max3A_40 = vector.broadcast %max3A_39 : f32 to vector<1000x128xf32>
    %max3A_41 = arith.maximumf %add3A_38, %max3A_40 : vector<1000x128xf32>
    %swap3A = arith.constant 0 : index
    %swap3A_42 = arith.constant 0 : index
    %swap3A_43 = vector.load %arg11[%swap3A, %swap3A_42] : memref<1000x128xf32, #tpu.memory_space<vmem>>, vector<1000x128xf32>
    tpu.vector_store %arg11[%swap3A, %swap3A_42], %max3A_41 {strides = array<i32>} : memref<1000x128xf32, #tpu.memory_space<vmem>>, vector<1000x128xf32>,
    %get3A_44 = arith.constant 0 : index
    %get3A_45 = arith.constant 0 : index
    %get3A_46 = vector.load %arg8[%get3A_44, %get3A_45] : memref<4x128xf32, #tpu.memory_space<vmem>>, vector<4x128xf32>
    %get3A_47 = arith.constant 0 : index
    %get3A_48 = arith.constant 0 : index
    %get3A_49 = vector.load %arg9[%get3A_47, %get3A_48] : memref<128x128xf32, #tpu.memory_space<vmem>>, vector<128x128xf32>
    %dot_general3A_50 = arith.constant dense<0.000000e+00> : vector<4x128xf32>
    %dot_general3A_51 = tpu.matmul %get3A_46, %get3A_49, %dot_general3A_50 {dimension_numbers = #tpu.dot_dimension_numbers<[1], [0], [0], [1], [0, 0, 1, 1], [], []>, transpose_lhs_hint = false} : vector<4x128xf32>, vector<128x128xf32>, vector<4x128xf32> -> vector<4x128xf32>
    %get3A_52 = arith.constant 0 : index
    %get3A_53 = arith.constant 0 : index
    %get3A_54 = vector.load %arg10[%get3A_52, %get3A_53] : memref<1x128xf32, #tpu.memory_space<vmem>>, vector<1x128xf32>
    %add3A_55 = vector.broadcast %get3A_54 : vector<1x128xf32> to vector<4x128xf32>
    %add3A_56 = arith.addf %dot_general3A_51, %add3A_55 : vector<4x128xf32>
    %slice3A = vector.extract_strided_slice %add3A_56 {offsets = [0, 0], sizes = [1, 128], strides = [1, 1]} : vector<4x128xf32> to vector<1x128xf32>
    %add3A_57 = vector.broadcast %slice3A : vector<1x128xf32> to vector<1000x128xf32>
    %add3A_58 = arith.addf %max3A_41, %add3A_57 : vector<1000x128xf32>
    %max3A_59 = arith.constant 0.000000e+00 : f32
    %max3A_60 = vector.broadcast %max3A_59 : f32 to vector<1000x128xf32>
    %max3A_61 = arith.maximumf %add3A_58, %max3A_60 : vector<1000x128xf32>
    %swap3A_62 = arith.constant 0 : index
    %swap3A_63 = arith.constant 0 : index
    %swap3A_64 = arith.constant 0 : index
    %swap3A_65 = vector.load %arg12[%swap3A_62, %swap3A_63, %swap3A_64] : memref<4x1000x128xf32, #tpu.memory_space<vmem>>, vector<1x1000x128xf32>
    %swap3A_66 = vector.shape_cast %swap3A_65 : vector<1x1000x128xf32> to vector<1000x128xf32>
    %swap3A_67 = vector.shape_cast %max3A_61 : vector<1000x128xf32> to vector<1x1000x128xf32>
    tpu.vector_store %arg12[%swap3A_62, %swap3A_63, %swap3A_64], %swap3A_67 {strides = array<i32>} : memref<4x1000x128xf32, #tpu.memory_space<vmem>>, vector<1x1000x128xf32>,
    %slice3A_68 = vector.extract_strided_slice %add3A_56 {offsets = [1, 0], sizes = [1, 128], strides = [1, 1]} : vector<4x128xf32> to vector<1x128xf32>
    %add3A_69 = vector.broadcast %slice3A_68 : vector<1x128xf32> to vector<1000x128xf32>
    %add3A_70 = arith.addf %max3A_41, %add3A_69 : vector<1000x128xf32>
    %max3A_71 = arith.constant 0.000000e+00 : f32
    %max3A_72 = vector.broadcast %max3A_71 : f32 to vector<1000x128xf32>
    %max3A_73 = arith.maximumf %add3A_70, %max3A_72 : vector<1000x128xf32>
    %swap3A_74 = arith.constant 1 : index
    %swap3A_75 = arith.constant 0 : index
    %swap3A_76 = arith.constant 0 : index
    %swap3A_77 = vector.load %arg12[%swap3A_74, %swap3A_75, %swap3A_76] : memref<4x1000x128xf32, #tpu.memory_space<vmem>>, vector<1x1000x128xf32>
    %swap3A_78 = vector.shape_cast %swap3A_77 : vector<1x1000x128xf32> to vector<1000x128xf32>
    %swap3A_79 = vector.shape_cast %max3A_73 : vector<1000x128xf32> to vector<1x1000x128xf32>
    tpu.vector_store %arg12[%swap3A_74, %swap3A_75, %swap3A_76], %swap3A_79 {strides = array<i32>} : memref<4x1000x128xf32, #tpu.memory_space<vmem>>, vector<1x1000x128xf32>,
    %slice3A_80 = vector.extract_strided_slice %add3A_56 {offsets = [2, 0], sizes = [1, 128], strides = [1, 1]} : vector<4x128xf32> to vector<1x128xf32>
    %add3A_81 = vector.broadcast %slice3A_80 : vector<1x128xf32> to vector<1000x128xf32>
    %add3A_82 = arith.addf %max3A_41, %add3A_81 : vector<1000x128xf32>
    %max3A_83 = arith.constant 0.000000e+00 : f32
    %max3A_84 = vector.broadcast %max3A_83 : f32 to vector<1000x128xf32>
    %max3A_85 = arith.maximumf %add3A_82, %max3A_84 : vector<1000x128xf32>
    %swap3A_86 = arith.constant 2 : index
    %swap3A_87 = arith.constant 0 : index
    %swap3A_88 = arith.constant 0 : index
    %swap3A_89 = vector.load %arg12[%swap3A_86, %swap3A_87, %swap3A_88] : memref<4x1000x128xf32, #tpu.memory_space<vmem>>, vector<1x1000x128xf32>
    %swap3A_90 = vector.shape_cast %swap3A_89 : vector<1x1000x128xf32> to vector<1000x128xf32>
    %swap3A_91 = vector.shape_cast %max3A_85 : vector<1000x128xf32> to vector<1x1000x128xf32>
    tpu.vector_store %arg12[%swap3A_86, %swap3A_87, %swap3A_88], %swap3A_91 {strides = array<i32>} : memref<4x1000x128xf32, #tpu.memory_space<vmem>>, vector<1x1000x128xf32>,
    %slice3A_92 = vector.extract_strided_slice %add3A_56 {offsets = [3, 0], sizes = [1, 128], strides = [1, 1]} : vector<4x128xf32> to vector<1x128xf32>
    %add3A_93 = vector.broadcast %slice3A_92 : vector<1x128xf32> to vector<1000x128xf32>
    %add3A_94 = arith.addf %max3A_41, %add3A_93 : vector<1000x128xf32>
    %max3A_95 = arith.constant 0.000000e+00 : f32
    %max3A_96 = vector.broadcast %max3A_95 : f32 to vector<1000x128xf32>
    %max3A_97 = arith.maximumf %add3A_94, %max3A_96 : vector<1000x128xf32>
    %swap3A_98 = arith.constant 3 : index
    %swap3A_99 = arith.constant 0 : index
    %swap3A_100 = arith.constant 0 : index
    %swap3A_101 = vector.load %arg12[%swap3A_98, %swap3A_99, %swap3A_100] : memref<4x1000x128xf32, #tpu.memory_space<vmem>>, vector<1x1000x128xf32>
    %swap3A_102 = vector.shape_cast %swap3A_101 : vector<1x1000x128xf32> to vector<1000x128xf32>
    %swap3A_103 = vector.shape_cast %max3A_97 : vector<1000x128xf32> to vector<1x1000x128xf32>
    tpu.vector_store %arg12[%swap3A_98, %swap3A_99, %swap3A_100], %swap3A_103 {strides = array<i32>} : memref<4x1000x128xf32, #tpu.memory_space<vmem>>, vector<1x1000x128xf32>,
    return
  }
  func.func @transform_0(%arg0: i32) -> (i32, i32) {
    %c0_i32 = arith.constant 0 : i32
    %c0_i32_0 = arith.constant 0 : i32
    return %arg0, %c0_i32 : i32, i32
  }
  func.func @transform_1(%arg0: i32) -> (i32, i32, i32) {
    %c0_i32 = arith.constant 0 : i32
    %c0_i32_0 = arith.constant 0 : i32
    %c0_i32_1 = arith.constant 0 : i32
    return %c0_i32, %arg0, %c0_i32_0 : i32, i32, i32
  }
  func.func @transform_2(%arg0: i32) -> (i32, i32) {
    %c0_i32 = arith.constant 0 : i32
    %c0_i32_0 = arith.constant 0 : i32
    %c0_i32_1 = arith.constant 0 : i32
    return %c0_i32, %c0_i32_0 : i32, i32
  }
  func.func @transform_3(%arg0: i32) -> (i32, i32) {
    %c0_i32 = arith.constant 0 : i32
    %c0_i32_0 = arith.constant 0 : i32
    %c0_i32_1 = arith.constant 0 : i32
    return %c0_i32, %c0_i32_0 : i32, i32
  }
  func.func @transform_4(%arg0: i32) -> (i32, i32) {
    %c0_i32 = arith.constant 0 : i32
    %c0_i32_0 = arith.constant 0 : i32
    %c0_i32_1 = arith.constant 0 : i32
    return %c0_i32, %c0_i32_0 : i32, i32
  }
  func.func @transform_5(%arg0: i32) -> (i32, i32) {
    %c0_i32 = arith.constant 0 : i32
    %c0_i32_0 = arith.constant 0 : i32
    %c0_i32_1 = arith.constant 0 : i32
    return %c0_i32, %c0_i32_0 : i32, i32
  }
  func.func @transform_6(%arg0: i32) -> (i32, i32) {
    %c0_i32 = arith.constant 0 : i32
    %c0_i32_0 = arith.constant 0 : i32
    %c0_i32_1 = arith.constant 0 : i32
    return %c0_i32, %c0_i32_0 : i32, i32
  }
  func.func @transform_7(%arg0: i32) -> (i32, i32) {
    %c0_i32 = arith.constant 0 : i32
    %c0_i32_0 = arith.constant 0 : i32
    %c0_i32_1 = arith.constant 0 : i32
    return %c0_i32, %c0_i32_0 : i32, i32
  }
  func.func @transform_8(%arg0: i32) -> (i32, i32) {
    %c0_i32 = arith.constant 0 : i32
    %c0_i32_0 = arith.constant 0 : i32
    %c0_i32_1 = arith.constant 0 : i32
    return %c0_i32, %c0_i32_0 : i32, i32
  }
  func.func @transform_9(%arg0: i32) -> (i32, i32) {
    %c0_i32 = arith.constant 0 : i32
    %c0_i32_0 = arith.constant 0 : i32
    %c0_i32_1 = arith.constant 0 : i32
    return %c0_i32, %c0_i32_0 : i32, i32
  }
  func.func @transform_10(%arg0: i32) -> (i32, i32) {
    %c0_i32 = arith.constant 0 : i32
    %c0_i32_0 = arith.constant 0 : i32
    return %arg0, %c0_i32 : i32, i32
  }
  func.func @transform_11(%arg0: i32) -> (i32, i32, i32) {
    %c0_i32 = arith.constant 0 : i32
    %c0_i32_0 = arith.constant 0 : i32
    %c0_i32_1 = arith.constant 0 : i32
    return %c0_i32, %arg0, %c0_i32_0 : i32, i32, i32
  }
}

module attributes {stable_mosaic.version = 14 : i64} {
  func.func @_upd_head_body(%arg0: i32, %arg1: memref<1024x128xf32, #tpu.memory_space<vmem>>, %arg2: memref<2x1024x128xf32, #tpu.memory_space<vmem>>, %arg3: memref<1x1xf32, #tpu.memory_space<vmem>>, %arg4: memref<128x128xf32, #tpu.memory_space<vmem>>, %arg5: memref<1x128xf32, #tpu.memory_space<vmem>>, %arg6: memref<128x128xf32, #tpu.memory_space<vmem>>, %arg7: memref<1x128xf32, #tpu.memory_space<vmem>>, %arg8: memref<256x128xf32, #tpu.memory_space<vmem>>, %arg9: memref<1x128xf32, #tpu.memory_space<vmem>>, %arg10: memref<128x1xf32, #tpu.memory_space<vmem>>, %arg11: memref<1x1xf32, #tpu.memory_space<vmem>>, %arg12: memref<512x1xf32, #tpu.memory_space<vmem>>) attributes {dimension_semantics = [#tpu.dimension_semantics<arbitrary>], iteration_bounds = array<i64: 1>, scalar_prefetch = 0 : i64, scratch_operands = 0 : i64, tpu.core_type = #tpu.core_type<tc>, window_params = [{pipeline_mode = #tpu.pipeline_mode<synchronous>, transform_indices = @transform_0, window_bounds = array<i64: 1024, 128>}, {pipeline_mode = #tpu.pipeline_mode<synchronous>, transform_indices = @transform_1, window_bounds = array<i64: 2, 1024, 128>}, {pipeline_mode = #tpu.pipeline_mode<synchronous>, transform_indices = @transform_2, window_bounds = array<i64: 1, 1>}, {pipeline_mode = #tpu.pipeline_mode<synchronous>, transform_indices = @transform_3, window_bounds = array<i64: 128, 128>}, {pipeline_mode = #tpu.pipeline_mode<synchronous>, transform_indices = @transform_4, window_bounds = array<i64: 1, 128>}, {pipeline_mode = #tpu.pipeline_mode<synchronous>, transform_indices = @transform_5, window_bounds = array<i64: 128, 128>}, {pipeline_mode = #tpu.pipeline_mode<synchronous>, transform_indices = @transform_6, window_bounds = array<i64: 1, 128>}, {pipeline_mode = #tpu.pipeline_mode<synchronous>, transform_indices = @transform_7, window_bounds = array<i64: 256, 128>}, {pipeline_mode = #tpu.pipeline_mode<synchronous>, transform_indices = @transform_8, window_bounds = array<i64: 1, 128>}, {pipeline_mode = #tpu.pipeline_mode<synchronous>, transform_indices = @transform_9, window_bounds = array<i64: 128, 1>}, {pipeline_mode = #tpu.pipeline_mode<synchronous>, transform_indices = @transform_10, window_bounds = array<i64: 1, 1>}, {pipeline_mode = #tpu.pipeline_mode<synchronous>, transform_indices = @transform_11, window_bounds = array<i64: 512, 1>}]} {
    %get3A = arith.constant 0 : index
    %get3A_0 = arith.constant 0 : index
    %get3A_1 = arith.constant 0 : index
    %get3A_2 = vector.load %arg2[%get3A, %get3A_0, %get3A_1] : memref<2x1024x128xf32, #tpu.memory_space<vmem>>, vector<1x1024x128xf32>
    %get3A_3 = vector.shape_cast %get3A_2 : vector<1x1024x128xf32> to vector<1024x128xf32>
    %get3A_4 = arith.constant 1 : index
    %get3A_5 = arith.constant 0 : index
    %get3A_6 = arith.constant 0 : index
    %get3A_7 = vector.load %arg2[%get3A_4, %get3A_5, %get3A_6] : memref<2x1024x128xf32, #tpu.memory_space<vmem>>, vector<1x1024x128xf32>
    %get3A_8 = vector.shape_cast %get3A_7 : vector<1x1024x128xf32> to vector<1024x128xf32>
    %add3A = arith.addf %get3A_3, %get3A_8 : vector<1024x128xf32>
    %get3A_9 = arith.constant 0 : index
    %get3A_10 = arith.constant 0 : index
    %get3A_11 = vector.load %arg1[%get3A_9, %get3A_10] : memref<1024x128xf32, #tpu.memory_space<vmem>>, vector<1024x128xf32>
    %get3A_12 = arith.constant 0 : index
    %get3A_13 = arith.constant 0 : index
    %get3A_14 = vector.load %arg3[%get3A_12, %get3A_13] : memref<1x1xf32, #tpu.memory_space<vmem>>, vector<1x1xf32>
    %get3A_15 = vector.extract %get3A_14[0, 0] : f32 from vector<1x1xf32>
    %mul3A = vector.broadcast %get3A_15 : f32 to vector<1024x128xf32>
    %mul3A_16 = arith.mulf %get3A_11, %mul3A : vector<1024x128xf32>
    %add3A_17 = arith.addf %mul3A_16, %add3A : vector<1024x128xf32>
    %get3A_18 = arith.constant 0 : index
    %get3A_19 = arith.constant 0 : index
    %get3A_20 = vector.load %arg4[%get3A_18, %get3A_19] : memref<128x128xf32, #tpu.memory_space<vmem>>, vector<128x128xf32>
    %dot_general3A = arith.constant dense<0.000000e+00> : vector<1024x128xf32>
    %dot_general3A_21 = tpu.matmul %add3A_17, %get3A_20, %dot_general3A {dimension_numbers = #tpu.dot_dimension_numbers<[1], [0], [0], [1], [0, 0, 1, 1], [], []>, transpose_lhs_hint = false} : vector<1024x128xf32>, vector<128x128xf32>, vector<1024x128xf32> -> vector<1024x128xf32>
    %get3A_22 = arith.constant 0 : index
    %get3A_23 = arith.constant 0 : index
    %get3A_24 = vector.load %arg5[%get3A_22, %get3A_23] : memref<1x128xf32, #tpu.memory_space<vmem>>, vector<1x128xf32>
    %add3A_25 = vector.broadcast %get3A_24 : vector<1x128xf32> to vector<1024x128xf32>
    %add3A_26 = arith.addf %dot_general3A_21, %add3A_25 : vector<1024x128xf32>
    %max3A = arith.constant 0.000000e+00 : f32
    %max3A_27 = vector.broadcast %max3A : f32 to vector<1024x128xf32>
    %max3A_28 = arith.maximumf %add3A_26, %max3A_27 : vector<1024x128xf32>
    %get3A_29 = arith.constant 0 : index
    %get3A_30 = arith.constant 0 : index
    %get3A_31 = vector.load %arg6[%get3A_29, %get3A_30] : memref<128x128xf32, #tpu.memory_space<vmem>>, vector<128x128xf32>
    %dot_general3A_32 = arith.constant dense<0.000000e+00> : vector<1024x128xf32>
    %dot_general3A_33 = tpu.matmul %max3A_28, %get3A_31, %dot_general3A_32 {dimension_numbers = #tpu.dot_dimension_numbers<[1], [0], [0], [1], [0, 0, 1, 1], [], []>, transpose_lhs_hint = false} : vector<1024x128xf32>, vector<128x128xf32>, vector<1024x128xf32> -> vector<1024x128xf32>
    %get3A_34 = arith.constant 0 : index
    %get3A_35 = arith.constant 0 : index
    %get3A_36 = vector.load %arg7[%get3A_34, %get3A_35] : memref<1x128xf32, #tpu.memory_space<vmem>>, vector<1x128xf32>
    %add3A_37 = vector.broadcast %get3A_36 : vector<1x128xf32> to vector<1024x128xf32>
    %add3A_38 = arith.addf %dot_general3A_33, %add3A_37 : vector<1024x128xf32>
    %max3A_39 = arith.constant 0.000000e+00 : f32
    %max3A_40 = vector.broadcast %max3A_39 : f32 to vector<1024x128xf32>
    %max3A_41 = arith.maximumf %add3A_38, %max3A_40 : vector<1024x128xf32>
    %slice3A = vector.extract_strided_slice %max3A_41 {offsets = [0, 0], sizes = [512, 128], strides = [1, 1]} : vector<1024x128xf32> to vector<512x128xf32>
    %slice3A_42 = vector.extract_strided_slice %max3A_41 {offsets = [512, 0], sizes = [512, 128], strides = [1, 1]} : vector<1024x128xf32> to vector<512x128xf32>
    %concatenate3A = tpu.concatenate %slice3A, %slice3A_42 in 1 : vector<512x128xf32>, vector<512x128xf32> -> vector<512x256xf32>
    %get3A_43 = arith.constant 0 : index
    %get3A_44 = arith.constant 0 : index
    %get3A_45 = vector.load %arg8[%get3A_43, %get3A_44] : memref<256x128xf32, #tpu.memory_space<vmem>>, vector<256x128xf32>
    %dot_general3A_46 = arith.constant dense<0.000000e+00> : vector<512x128xf32>
    %dot_general3A_47 = tpu.matmul %concatenate3A, %get3A_45, %dot_general3A_46 {dimension_numbers = #tpu.dot_dimension_numbers<[1], [0], [0], [1], [0, 0, 1, 1], [], []>, transpose_lhs_hint = false} : vector<512x256xf32>, vector<256x128xf32>, vector<512x128xf32> -> vector<512x128xf32>
    %get3A_48 = arith.constant 0 : index
    %get3A_49 = arith.constant 0 : index
    %get3A_50 = vector.load %arg9[%get3A_48, %get3A_49] : memref<1x128xf32, #tpu.memory_space<vmem>>, vector<1x128xf32>
    %add3A_51 = vector.broadcast %get3A_50 : vector<1x128xf32> to vector<512x128xf32>
    %add3A_52 = arith.addf %dot_general3A_47, %add3A_51 : vector<512x128xf32>
    %max3A_53 = arith.constant 0.000000e+00 : f32
    %max3A_54 = vector.broadcast %max3A_53 : f32 to vector<512x128xf32>
    %max3A_55 = arith.maximumf %add3A_52, %max3A_54 : vector<512x128xf32>
    %get3A_56 = arith.constant 0 : index
    %get3A_57 = arith.constant 0 : index
    %get3A_58 = vector.load %arg10[%get3A_56, %get3A_57] : memref<128x1xf32, #tpu.memory_space<vmem>>, vector<128x1xf32>
    %dot_general3A_59 = arith.constant dense<0.000000e+00> : vector<512x1xf32>
    %dot_general3A_60 = tpu.matmul %max3A_55, %get3A_58, %dot_general3A_59 {dimension_numbers = #tpu.dot_dimension_numbers<[1], [0], [0], [1], [0, 0, 1, 1], [], []>, transpose_lhs_hint = false} : vector<512x128xf32>, vector<128x1xf32>, vector<512x1xf32> -> vector<512x1xf32>
    %get3A_61 = arith.constant 0 : index
    %get3A_62 = arith.constant 0 : index
    %get3A_63 = vector.load %arg11[%get3A_61, %get3A_62] : memref<1x1xf32, #tpu.memory_space<vmem>>, vector<1x1xf32>
    %add3A_64 = vector.broadcast %get3A_63 : vector<1x1xf32> to vector<512x1xf32>
    %add3A_65 = arith.addf %dot_general3A_60, %add3A_64 : vector<512x1xf32>
    %swap3A = arith.constant 0 : index
    %swap3A_66 = arith.constant 0 : index
    %swap3A_67 = vector.load %arg12[%swap3A, %swap3A_66] : memref<512x1xf32, #tpu.memory_space<vmem>>, vector<512x1xf32>
    tpu.vector_store %arg12[%swap3A, %swap3A_66], %add3A_65 {strides = array<i32>} : memref<512x1xf32, #tpu.memory_space<vmem>>, vector<512x1xf32>,
    return
  }
  func.func @transform_0(%arg0: i32) -> (i32, i32) {
    %c0_i32 = arith.constant 0 : i32
    %c0_i32_0 = arith.constant 0 : i32
    %c0_i32_1 = arith.constant 0 : i32
    return %c0_i32, %c0_i32_0 : i32, i32
  }
  func.func @transform_1(%arg0: i32) -> (i32, i32, i32) {
    %c0_i32 = arith.constant 0 : i32
    %c0_i32_0 = arith.constant 0 : i32
    %c0_i32_1 = arith.constant 0 : i32
    %c0_i32_2 = arith.constant 0 : i32
    return %c0_i32, %c0_i32_0, %c0_i32_1 : i32, i32, i32
  }
  func.func @transform_2(%arg0: i32) -> (i32, i32) {
    %c0_i32 = arith.constant 0 : i32
    %c0_i32_0 = arith.constant 0 : i32
    %c0_i32_1 = arith.constant 0 : i32
    return %c0_i32, %c0_i32_0 : i32, i32
  }
  func.func @transform_3(%arg0: i32) -> (i32, i32) {
    %c0_i32 = arith.constant 0 : i32
    %c0_i32_0 = arith.constant 0 : i32
    %c0_i32_1 = arith.constant 0 : i32
    return %c0_i32, %c0_i32_0 : i32, i32
  }
  func.func @transform_4(%arg0: i32) -> (i32, i32) {
    %c0_i32 = arith.constant 0 : i32
    %c0_i32_0 = arith.constant 0 : i32
    %c0_i32_1 = arith.constant 0 : i32
    return %c0_i32, %c0_i32_0 : i32, i32
  }
  func.func @transform_5(%arg0: i32) -> (i32, i32) {
    %c0_i32 = arith.constant 0 : i32
    %c0_i32_0 = arith.constant 0 : i32
    %c0_i32_1 = arith.constant 0 : i32
    return %c0_i32, %c0_i32_0 : i32, i32
  }
  func.func @transform_6(%arg0: i32) -> (i32, i32) {
    %c0_i32 = arith.constant 0 : i32
    %c0_i32_0 = arith.constant 0 : i32
    %c0_i32_1 = arith.constant 0 : i32
    return %c0_i32, %c0_i32_0 : i32, i32
  }
  func.func @transform_7(%arg0: i32) -> (i32, i32) {
    %c0_i32 = arith.constant 0 : i32
    %c0_i32_0 = arith.constant 0 : i32
    %c0_i32_1 = arith.constant 0 : i32
    return %c0_i32, %c0_i32_0 : i32, i32
  }
  func.func @transform_8(%arg0: i32) -> (i32, i32) {
    %c0_i32 = arith.constant 0 : i32
    %c0_i32_0 = arith.constant 0 : i32
    %c0_i32_1 = arith.constant 0 : i32
    return %c0_i32, %c0_i32_0 : i32, i32
  }
  func.func @transform_9(%arg0: i32) -> (i32, i32) {
    %c0_i32 = arith.constant 0 : i32
    %c0_i32_0 = arith.constant 0 : i32
    %c0_i32_1 = arith.constant 0 : i32
    return %c0_i32, %c0_i32_0 : i32, i32
  }
  func.func @transform_10(%arg0: i32) -> (i32, i32) {
    %c0_i32 = arith.constant 0 : i32
    %c0_i32_0 = arith.constant 0 : i32
    %c0_i32_1 = arith.constant 0 : i32
    return %c0_i32, %c0_i32_0 : i32, i32
  }
  func.func @transform_11(%arg0: i32) -> (i32, i32) {
    %c0_i32 = arith.constant 0 : i32
    %c0_i32_0 = arith.constant 0 : i32
    %c0_i32_1 = arith.constant 0 : i32
    return %c0_i32, %c0_i32_0 : i32, i32
  }
}

</mosaic_0001>

<sc_bundles>
// kernel: kernel.12.cloned.1.call-start
scs
__scs_entry_jumppad:
0x0: {  	(pc) =	sbr.rel $0x88, $3  }
0x1: {  	(tag) =	ssettag $0x0;
	lr =	simm.s32 $0x1  }
0x2: {  	[smem:$0x3F90] =	sst lr;
	_ =	strace $0xD0000000  }
0x3: {  	_ = 	snop  }
0x4: {  	_ = 	snop  }
0x5: {  	_ = 	snop  }
0x6: {  	_ = 	snop  }
0x7: {  	_ = 	snop  }
__scs_overlays_trampoline_lowered:
0x8: {  	[smem:$0x3F9F] =	sst s0  }
0x9: {  	[smem:$0x3FA0] =	sst s1  }
0xa: {  	[smem:$0x3FA1] =	sst s2  }
0xb: {  	[smem:$0x3FA2] =	sst s3  }
0xc: {  	[smem:$0x3FA3] =	sst s4  }
0xd: {  	[smem:$0x3FA4] =	sst s5  }
0xe: {  	[smem:$0x3FA5] =	sst s6  }
0xf: {  	[smem:$0x3FA6] =	sst s7  }
0x10: {  	[smem:$0x3FA7] =	sst s8  }
0x11: {  	[smem:$0x3FA8] =	sst s9;
	s0 =	simm.s32 @!p0 $0x0  }
0x12: {  	s1 =	sld [smem:$0x3F8E];
	s0 =	simm.s32 @p0 $0x1  }
0x13: {  	[smem:$0x3FA9] =	sst s0;
	s0 =	simm.s32 @!p1 $0x0  }
0x14: {  	s2 =	sld [smem:$0x3F8D];
	s0 =	simm.s32 @p1 $0x1  }
0x15: {  	[smem:$0x3FAA] =	sst s0;
	s0 =	simm.s32 @!p2 $0x0  }
0x16: {  	s3 =	sld [smem:$0x3FDB];
	s0 =	simm.s32 @p2 $0x1  }
0x17: {  	s4 =	simm.s32 $0x1BF5;
	[smem:$0x3FAC] =	sst s0  }
0x18: {  	s0 =	sld [smem:$0x3F8F];
	_ =	swait.ge [sflag:s4], $0x0  }
0x19: {  	s7 =	sld [smem:$0x3F90]  }
0x1a: {  	s8 =	sadd.s32 $0xFFFFE003, lr  }
0x1b: {  	s9 =	sadd.s32 $0xFFFFFEF7, lr;
	s5 =	simm.s32 $0xFFFFFFFF;
	p2 =	slt.u32 s8, $0xFFFFF086  }
0x1c: {  	p1 =	slt.u32 s9, $0xF7A;
	s5 =	simm.s32 @!p2 $0x0  }
0x1d: {  	s5 =	simm.s32 @p1 $0x1;
	p0 =	seq.s32 s7, s2  }
0x1e: {  	s7 =	smul.u32 @!p0 $0xF7A, s2;
	p2 =	seq.s32 @!p0 s5, $0x0  }
0x1f: {  	s9 =	smul.u32 $0xF7A, s1;
	s8 =	simm.s32 @!p0 $0x1BF5;
	p2 =	por !p2, p0  }
0x20: {  	[sflag:s8] =	ssyncset.s32 @!p0 $0xFFFFF086;
	s6 =	sadd.s32 @!p0 s3, s7;
	s7 =	simm.s32 @!p0 $0x108  }
0x21: {  	s3 =	sadd.s32 s3, s9;
	s6 =	sadd.s32 @!p0 $0x88, s6;
	s7 =	simm.s32 @p2 $0x1082  }
0x22: {  	[simem:s7], [sflag:s8] =	dma.local @!p0 [hbm:s6], $0xF7A  }
0x23: {  	s9 =	sor.u32 $0xD0000000, s2;
	s6 =	simm.s32 $0x108;
	_ =	swait.ge @!p0 [sflag:s8], $0x0  }
0x24: {  	s3 =	sadd.s32 $0x88, s3;
	s6 =	simm.s32 @!p1 $0x1082;
	[sflag:s4] =	ssyncset.s32 $0xFFFFF086  }
0x25: {  	[simem:s6], [sflag:s4] =	dma.local [hbm:s3], $0xF7A  }
0x26: {  	[smem:$0x3F90] =	sst s1;
	(tag) =	ssettag s2;
	_ =	strace s9  }
0x27: {  	s1 =	sld [smem:$0x3FA0]  }
0x28: {  	s2 =	sld [smem:$0x3FA1]  }
0x29: {  	s4 =	sld [smem:$0x3FA3]  }
0x2a: {  	p0 =	seq.s32 s5, $0x0;
	s5 =	sld [smem:$0x3FA4]  }
0x2b: {  	s6 =	sld [smem:$0x3FA5]  }
0x2c: {  	s7 =	sld [smem:$0x3FA6]  }
0x2d: {  	s3 =	simm.s32 $0x108;
	s8 =	sld [smem:$0x3FA7]  }
0x2e: {  	s3 =	simm.s32 @!p0 $0x1082;
	s9 =	sld [smem:$0x3FA8]  }
0x2f: {  	lr =	sadd.s32 s0, s3;
	s0 =	sld [smem:$0x3F9F]  }
0x30: {  	s3 =	sld [smem:$0x3FA2]  }
0x31: {  	[smem:$0x3FAB] =	sst s10  }
0x32: {  	s10 =	sld [smem:$0x3FA9];
	_ =	sdelay $0x3  }
0x33: {  	p0 =	seq.s32 s10, $0x1;
	s10 =	sld [smem:$0x3FAB];
	_ =	sdelay $0x3  }
0x34: {  	[smem:$0x3FAB] =	sst s10  }
0x35: {  	s10 =	sld [smem:$0x3FAA];
	_ =	sdelay $0x3  }
0x36: {  	p1 =	seq.s32 s10, $0x1;
	s10 =	sld [smem:$0x3FAB];
	_ =	sdelay $0x3  }
0x37: {  	[smem:$0x3FAB] =	sst s10  }
0x38: {  	s10 =	sld [smem:$0x3FAC]  }
0x39: {  	_ = 	snop;
	(pc) =	sbr.ind lr, $3  }
0x3a: {  	_ = 	snop  }
0x3b: {  	_ = 	snop  }
0x3c: {  	p2 =	seq.s32 s10, $0x1;
	s10 =	sld [smem:$0x3FAB]  }
0x3d: {  	_ =	shalt  }
0x3e: {  	_ =	shalt  }
0x3f: {  	_ =	shalt  }
0x40: {  	_ =	shalt  }
0x41: {  	_ =	shalt  }
0x42: {  	_ =	shalt  }
0x43: {  	_ =	shalt  }
0x44: {  	_ =	shalt  }
0x45: {  	_ =	shalt  }
0x46: {  	_ =	shalt  }
0x47: {  	_ =	shalt  }
0x48: {  	_ =	shalt  }
0x49: {  	_ =	shalt  }
0x4a: {  	_ =	shalt  }
0x4b: {  	_ =	shalt  }
0x4c: {  	_ =	shalt  }
0x4d: {  	_ =	shalt  }
0x4e: {  	_ =	shalt  }
0x4f: {  	_ =	shalt  }
0x50: {  	_ =	shalt  }
0x51: {  	_ =	shalt  }
0x52: {  	_ =	shalt  }
0x53: {  	_ =	shalt  }
0x54: {  	_ =	shalt  }
0x55: {  	_ =	shalt  }
0x56: {  	_ =	shalt  }
0x57: {  	_ =	shalt  }
0x58: {  	_ =	shalt  }
0x59: {  	_ =	shalt  }
0x5a: {  	_ =	shalt  }
0x5b: {  	_ =	shalt  }
0x5c: {  	_ =	shalt  }
0x5d: {  	_ =	shalt  }
0x5e: {  	_ =	shalt  }
0x5f: {  	_ =	shalt  }
0x60: {  	_ =	shalt  }
0x61: {  	_ =	shalt  }
0x62: {  	_ =	shalt  }
0x63: {  	_ =	shalt  }
0x64: {  	_ =	shalt  }
0x65: {  	_ =	shalt  }
0x66: {  	_ =	shalt  }
0x67: {  	_ =	shalt  }
0x68: {  	_ =	shalt  }
0x69: {  	_ =	shalt  }
0x6a: {  	_ =	shalt  }
0x6b: {  	_ =	shalt  }
0x6c: {  	_ =	shalt  }
0x6d: {  	_ =	shalt  }
0x6e: {  	_ =	shalt  }
0x6f: {  	_ =	shalt  }
0x70: {  	_ =	shalt  }
0x71: {  	_ =	shalt  }
0x72: {  	_ =	shalt  }
0x73: {  	_ =	shalt  }
0x74: {  	_ =	shalt  }
0x75: {  	_ =	shalt  }
0x76: {  	_ =	shalt  }
0x77: {  	_ =	shalt  }
0x78: {  	_ =	shalt  }
0x79: {  	_ =	shalt  }
0x7a: {  	_ =	shalt  }
0x7b: {  	_ =	shalt  }
0x7c: {  	_ =	shalt  }
0x7d: {  	_ =	shalt  }
0x7e: {  	_ =	shalt  }
0x7f: {  	_ =	shalt  }
0x80: {  	_ =	shalt  }
0x81: {  	_ =	shalt  }
0x82: {  	_ =	shalt  }
0x83: {  	_ =	shalt  }
0x84: {  	_ =	shalt  }
0x85: {  	_ =	shalt  }
0x86: {  	_ =	shalt  }
0x87: {  	_ =	shalt  }
.Lfunc_end0:
.L_simem_size_0:
called_computation.1_lowered:
.L_overlay_start_0:
0x88: {  	s2 =	sld [smem:$0x3FD9]  }
0x89: {  	s3 =	sld [smem:$0x3FFE];
	_ =	sdelay $0x1  }
0x8a: {  	s1 =	srdreg.scid  }
0x8b: {  	s0 =	sand.u32 $0x1, s1  }
0x8c: {  	s16 =	sshll.u32 s0, $0xA;
	s2 =	sadd.s32 s3, s2  }
0x8d: {  	s2 =	sadd.s32 s2, s16  }
0x8e: {  	[smem:$0x3FB7] =	sst s2  }
0x8f: {  	_ = 	snop  }
0x90: {  	(tm) =	ssettm $0x1  }
0x91: {  	s17 =	sld [smem:$0x3FFB];
	_ =	sdelay $0x3  }
0x92: {  	_ =	strace s17  }
0x93: {  	s2 =	sld [smem:$0x3FFC];
	_ =	sdelay $0x3  }
0x94: {  	_ =	strace s2  }
0x95: {  	s2 =	sld [smem:$0x3FFD];
	_ =	sdelay $0x3  }
0x96: {  	_ =	strace s2  }
0x97: {  	_ =	strace $0x8FFFFFFF  }
0x98: {  	s18 =	sld [smem:$0x3FDB];
	_ =	sdelay $0x1  }
0x99: {  	s19 =	simm.s32 $_scs_section_size  }
0x9a: {  	s4 =	simm.s32 $_size__tile_overlayer_lowered;
	s5 =	simm.s32 $_tile_overlayer_lowered  }
0x9b: {  	s22 =	simm.s32 $0x1BFF;
	s21 =	sshll.u32 s5, $0x1;
	s2 =	sadd.s32 s19, s18  }
0x9c: {  	s6 =	simm.s32 $0x0;
	s20 =	sshll.u32 s4, $0x1;
	s4 =	sadd.s32 s21, s2  }
0x9d: {  	[timem:s6], [sflag:s22] =	dma.local [hbm:s4], s20  }
0x9e: {  	_ =	swait.ge [sflag:s22], s20  }
0x9f: {  	s3 =	ssub.s32 $0x0, s20;
	[sflag:s22] =	ssyncset.done $0x0  }
0xa0: {  	[sflag:s22] =	ssyncadd.s32 s3;
	_ =	sdelay $0x1  }
0xa1: {  	s23 =	simm.s32 $0x1B8B  }
0xa2: {  	_ =	swait.ge [sflag:s23], $0x1  }
0xa3: {  	[sflag:s23] =	ssyncset.done $0x0  }
0xa4: {  	s25 =	simm.s32 $0x1B8E;
	s24 =	sld [smem:$0x3FFE];
	[sflag:s23] =	ssyncadd.s32 $0xFFFFFFFF  }
0xa5: {  	s26 =	simm.s32 $execute0_lowered;
	[smem:$0x3FD2] =	sst s25  }
0xa6: {  	s4 =	sshll.u32 s26, $0x1;
	_ =	strace $0x80000049;
	[dreg:$0x1] =	wrdreg $0xFFFFFFFF  }
0xa7: {  	s28 =	simm.s32 $_size_execute0_lowered;
	s2 =	sadd.s32 s2, s4;
	[dreg:$0x0] =	wrdreg $0x0  }
0xa8: {  	s4 =	sshll.u32 s28, $0x1;
	[dreg:$0x2] =	wrdreg s2  }
0xa9: {  	[dreg:$0x3] =	wrdreg s4  }
0xaa: {  	[dreg:$0x4] =	wrdreg $0xC0  }
0xab: {  	_ =	task [dreg:s6], $0x5FFFF  }
0xac: {  	[dreg:$0x1] =	wrdreg $0xFFFFFFFF  }
0xad: {  	[dreg:$0x0] =	wrdreg $0x60  }
0xae: {  	[dreg:$0x2] =	wrdreg s24  }
0xaf: {  	[dreg:$0x3] =	wrdreg $0x82000  }
0xb0: {  	[dreg:$0x4] =	wrdreg $0x9  }
0xb1: {  	_ =	task.clear_ibuf [dreg:s6], $0x5FFFF;
	_ =	strace $0x90000049  }
0xb2: {  	s29 =	simm.s32 $0x9;
	_ =	strace $0x8000004B  }
0xb3: {  	_ =	swait.ge [sflag:s29], $0x1  }
0xb4: {  	[sflag:s29] =	ssyncadd.s32 $0xFFFFFFFF  }
0xb5: {  	_ =	strace $0x9000004B  }
0xb6: {  	_ =	sfence  }
0xb7: {  	s30 =	sld [smem:$0x0];
	_ =	sdelay $0x2  }
0xb8: {  	s31 =	sshll.u32 s1, $0xD;
	s1 =	sshrl.u32 s1, $0x2  }
0xb9: {  	s3 =	sand.u32 $0x4000, s31;
	s1 =	sadd.s32 s1, s30  }
0xba: {  	s0 =	sor.u32 s3, s0;
	s1 =	sshll.u32 s1, $0x11  }
0xbb: {  	s0 =	sor.u32 s1, s0  }
0xbc: {  	s0 =	sadd.s32 $0x8F2B, s0  }
0xbd: {  	[sflag:s0] =	ssyncadd.remote.s32 $0x1  }
0xbe: {  	_ =	sfence.sel $0xFFFF  }
0xbf: {  	[dreg:$0x0] =	wrdreg $0xFFFFFFFF;
	(pc) =	sbr.abs _section_cstart, $3  }
0xc0: {  	[dreg:$0x1] =	wrdreg $0xFFFFFFFF  }
0xc1: {  	_ =	task.clear_ibuf [dreg:s6], $0x2FFFF;
	_ =	strace $0x9FFFFFFF  }
0xc2: {  	(tm) =	ssettm $0x7FFFFFFF  }
0xc3: {  	_ =	shalt  }
tec
execute0_lowered:
.L_overlay_start_1:
0x0: {  	(tag) =	ssettag $0x1  }
0x1: {  	s5 =	rddreg [dreg:$0x0]  }
0x2: {  	s2 =	rddreg [dreg:$0x1];
	s3 =	simm.s32 $0x0;
	s0 =	stileid.u32  }
0x3: {  	s4 =	srdreg.scid;
	s21 =	simm.s32 $0x180;
	s22 =	simm.s32 $0x4200  }
0x4: {  	s23 =	simm.s32 $0x1;
	s24 =	simm.s32 $0x3;
	s25 =	simm.s32 $0x2  }
0x5: {  	s26 =	simm.s32 $0x4;
	[smem:$0x7FF] =	sst s3;
	s17 =	smul.u32 $0x2780, s0  }
0x6: {  	s6 =	sand.u32 $0x1, s4;
	s4 =	sadd.s32 $0x17400, s5;
	s29 =	smul.u32 $0x4F000, s0  }
0x7: {  	s14 =	sadd.s32 $0xD400, s5;
	s13 =	sadd.s32 $0x3400, s5;
	s16 =	smul.u32 $0xA0, s0  }
0x8: {  	s30 =	sshll.u32 s0, $0x6;
	s10 =	smul.u32 $0xA00, s0;
	_ =	strace $0x8000004A  }
0x9: {  	s7 =	smul.u32 $0x27800, s6;
	s8 =	ssub.s32 $0x2, s6;
	p0 =	seq.s32 s6, $0x1  }
0xa: {  	s9 =	sadd.s32 s17, s5;
	s28 =	sshrl.u32 s8, $0x1;
	s6 =	sshrl.u32 s29, $0x2  }
0xb: {  	s16 =	simm.s32 @p0 $0xA00;
	s0 =	sadd.s32 s14, s10;
	s11 =	sor.u32 $0x10, s10  }
0xc: {  	s12 =	sadd.s32 s7, s5;
	s5 =	simm.s32 $0x0;
	s15 =	ssub.s32 s8, s28  }
0xd: {  	s18 =	sadd.s32 s6, s2;
	s6 =	sadd.s32 $0xB3800, s9;
	s7 =	sor.u32 $0x1C05, s30  }
0xe: {  	[dreg:$0x4] =	wrdreg s0;
	s9 =	sadd.s32 s13, s10;
	s10 =	sadd.s32 s14, s11  }
0xf: {  	s11 =	sadd.s32 s13, s11;
	s16 =	sshll.u32 s16, $0x4;
	s5 =	simm.s32 @!p0 $0xA0  }
.Ltmp0:
0x10: {  	s20 =	sadd.s32 $0xDB000, s12;
	s12 =	smax.u32 s15, $0x1;
	(pc) =	sbr.rel .LBB2_1-.Ltmp0, $4  }
0x11: {  	s13 =	sadd.s32 s16, s13;
	s14 =	sadd.s32 s16, s14;
	s19 =	sshrl.u32 s5, $0x1  }
0x12: {  	s15 =	sshrl.u32 s18, $0x3;
	s16 =	simm.s32 $0x5;
	s19 =	smax.u32 s19, $0x1  }
0x13: {  	s18 =	simm.s32 $0x100;
	s17 =	sadd.s32 s17, s20;
	s31 =	sshll.u32 s19, $0x5  }
0x14: {  	s20 =	simm.s32 $0x200;
	s19 =	simm.s32 $0x80;
	[dreg:$0x3] =	wrdreg s31  }
.LBB2_4:
0x15: {  	s3 =	sadd.s32 $0x1, s3  }
0x16: {  	p1 =	sne.s32 s3, s12  }
.Ltmp1:
0x17: {  	[bflag:$0x0] =	sbarrier.arrive $0xFFFF;
	(pc) =	sbr.rel @!p1 .LBB2_5-.Ltmp1, $4  }
0x18: {  	[hbm:s17], [sflag:s7] =	dma.local [spmem:s15], $0x2780  }
0x19: {  	_ =	swait.ge [sflag:s16], $0x2780  }
0x1a: {  	[sflag:s16] =	ssyncset.done $0x0  }
0x1b: {  	[sflag:s16] =	ssyncadd.s32 $0xFFFFD880  }
.LBB2_1:
0x1c: {  	[spmem:s15], [sflag:s7] =	dma.local [hbm:s6], $0x2780  }
.Ltmp2:
0x1d: {  	_ =	swait.ge [sflag:s16], $0x2780;
	(pc) =	sbr.rel @p0 .LBB2_4-.Ltmp2, $3  }
0x1e: {  	[sflag:s16] =	ssyncset.done $0x0  }
0x1f: {  	[sflag:s16] =	ssyncadd.s32 $0xFFFFD880  }
0x20: {  	[bflag:$0x0] =	sbarrier.arrive $0xFFFF;
	_ =	sdelay $0x1  }
0x21: {  	s28 =	simm.s32 $0x0;
	s0 =	rddreg [dreg:$0x4]  }
0x22: {  	[tilespmem:s28], [sflag:$0x5] =	stream.linear.gather [hbm4b:s0+s28], $0x80, $0x38;
	[tilespmem:$0x1BE00] =	vst v63  }
0x23: {  	_ =	swait.ge [sflag:s16], $0x80  }
0x24: {  	[sflag:s16] =	ssyncset.done $0x0  }
0x25: {  	[sflag:s16] =	ssyncadd.s32 $0xFFFFFF80  }
0x26: {  	[tilespmem:s18], [sflag:$0x5] =	stream.linear.gather [hbm4b:s9+s28], $0x80, $0x38;
	[tilespmem:$0x1BE00] =	vst v63  }
0x27: {  	_ =	swait.ge [sflag:s16], $0x80  }
0x28: {  	[sflag:s16] =	ssyncset.done $0x0  }
0x29: {  	[sflag:s16] =	ssyncadd.s32 $0xFFFFFF80  }
0x2a: {  	[tilespmem:s20], [sflag:$0x1] =	stream.indirect.gather [hbm4b:s4+s19], $0x80, s28, s19, $0xb8;
	[tilespmem:$0x1BE00] =	vst v63  }
0x2b: {  	_ = 	snop  }
0x2c: {  	[tilespmem:s19], [sflag:$0x5] =	stream.linear.gather [hbm4b:s10+s28], $0x80, $0x38;
	[tilespmem:$0x1BE00] =	vst v63  }
0x2d: {  	_ =	swait.ge [sflag:s16], $0x80  }
0x2e: {  	[sflag:s16] =	ssyncset.done $0x0  }
0x2f: {  	[sflag:s16] =	ssyncadd.s32 $0xFFFFFF80  }
0x30: {  	[tilespmem:s21], [sflag:$0x5] =	stream.linear.gather [hbm4b:s11+s28], $0x80, $0x38;
	[tilespmem:$0x1BE00] =	vst v63  }
0x31: {  	_ =	swait.ge [sflag:s16], $0x80  }
0x32: {  	[sflag:s16] =	ssyncset.done $0x0  }
0x33: {  	s29 =	simm.s32 $0x2;
	[sflag:s16] =	ssyncadd.s32 $0xFFFFFF80  }
0x34: {  	[tilespmem:s22], [sflag:$0x2] =	stream.indirect.gather [hbm4b:s4+s19], $0x80, s19, s19, $0xb8;
	[tilespmem:$0x1BE00] =	vst v63  }
.LBB2_3:
0x35: {  	_ =	swait.ge [sflag:s23], $0x4000  }
0x36: {  	[sflag:s23] =	ssyncset.done $0x0  }
0x37: {  	[sflag:s23] =	ssyncadd.s32 $0xFFFFC000  }
0x38: {  	[spmem:s2] =	stream.indirect.scatter.add.f32 [tilespmem:s20], [sflag:$0x3], $0x80, s18, s19, $0xb8;
	[tilespmem:$0x1BE00] =	vst v63  }
0x39: {  	p1 =	sge.u32 s29, s5;
	_ =	swait.ge [sflag:s24], $0x4000  }
0x3a: {  	s30 =	sadd.s32 @!p1 s28, s14;
	[sflag:s24] =	ssyncset.done $0x0  }
0x3b: {  	s31 =	simm.s32 @!p1 $0x0;
	s30 =	sadd.s32 @!p1 $0x20, s30;
	[sflag:s24] =	ssyncadd.s32 $0xFFFFC000  }
0x3c: {  	[tilespmem:s31], [sflag:$0x5] =	stream.linear.gather @!p1 [hbm4b:s30+s31], $0x80, $0x38;
	[tilespmem:$0x1BE00] =	vst v63  }
0x3d: {  	s30 =	simm.s32 @!p1 $0x5  }
0x3e: {  	_ =	swait.ge @!p1 [sflag:s30], $0x80  }
0x3f: {  	s0 =	sadd.s32 @!p1 s28, s13;
	[sflag:s30] =	ssyncset.done @!p1 $0x0  }
0x40: {  	s1 =	simm.s32 @!p1 $0x100;
	s0 =	sadd.s32 @!p1 $0x20, s0;
	[sflag:s30] =	ssyncadd.s32 @!p1 $0xFFFFFF80  }
0x41: {  	[tilespmem:s1], [sflag:$0x5] =	stream.linear.gather @!p1 [hbm4b:s0+s31], $0x80, $0x38;
	[tilespmem:$0x1BE00] =	vst v63  }
0x42: {  	_ =	swait.ge @!p1 [sflag:s30], $0x80  }
0x43: {  	[sflag:s30] =	ssyncset.done @!p1 $0x0  }
0x44: {  	s0 =	simm.s32 @!p1 $0x80;
	s1 =	simm.s32 @!p1 $0x200;
	[sflag:s30] =	ssyncadd.s32 @!p1 $0xFFFFFF80  }
0x45: {  	[tilespmem:s1], [sflag:$0x1] =	stream.indirect.gather @!p1 [hbm4b:s4+s0], $0x80, s31, s0, $0xb8;
	[tilespmem:$0x1BE00] =	vst v63  }
0x46: {  	_ =	swait.ge [sflag:s25], $0x4000  }
0x47: {  	[sflag:s25] =	ssyncset.done $0x0  }
0x48: {  	s30 =	sadd.s32 $0x1, s29;
	[sflag:s25] =	ssyncadd.s32 $0xFFFFC000  }
0x49: {  	[spmem:s2] =	stream.indirect.scatter.add.f32 [tilespmem:s22], [sflag:$0x4], $0x80, s21, s19, $0xb8;
	[tilespmem:$0x1BE00] =	vst v63  }
0x4a: {  	p1 =	sge.u32 s30, s5;
	_ =	swait.ge [sflag:s26], $0x4000  }
0x4b: {  	s0 =	sadd.s32 @!p1 s28, s14;
	s1 =	simm.s32 @!p1 $0x0;
	[sflag:s26] =	ssyncset.done $0x0  }
0x4c: {  	s30 =	simm.s32 @!p1 $0x80;
	s0 =	sadd.s32 @!p1 $0x30, s0;
	[sflag:s26] =	ssyncadd.s32 $0xFFFFC000  }
0x4d: {  	[tilespmem:s30], [sflag:$0x5] =	stream.linear.gather @!p1 [hbm4b:s0+s1], $0x80, $0x38;
	[tilespmem:$0x1BE00] =	vst v63  }
0x4e: {  	s0 =	simm.s32 @!p1 $0x5  }
0x4f: {  	_ =	swait.ge @!p1 [sflag:s0], $0x80  }
0x50: {  	s31 =	sadd.s32 @!p1 s28, s13;
	[sflag:s0] =	ssyncset.done @!p1 $0x0  }
0x51: {  	s8 =	simm.s32 @!p1 $0x180;
	s31 =	sadd.s32 @!p1 $0x30, s31;
	[sflag:s0] =	ssyncadd.s32 @!p1 $0xFFFFFF80  }
0x52: {  	[tilespmem:s8], [sflag:$0x5] =	stream.linear.gather @!p1 [hbm4b:s31+s1], $0x80, $0x38;
	[tilespmem:$0x1BE00] =	vst v63  }
0x53: {  	_ =	swait.ge @!p1 [sflag:s0], $0x80  }
0x54: {  	s28 =	sadd.s32 $0x20, s28;
	[sflag:s0] =	ssyncset.done @!p1 $0x0  }
0x55: {  	s31 =	rddreg [dreg:$0x3];
	[sflag:s0] =	ssyncadd.s32 @!p1 $0xFFFFFF80;
	s0 =	simm.s32 @!p1 $0x4200  }
0x56: {  	[tilespmem:s0], [sflag:$0x2] =	stream.indirect.gather @!p1 [hbm4b:s4+s30], $0x80, s30, s30, $0xb8;
	[tilespmem:$0x1BE00] =	vst v63  }
0x57: {  	p1 =	sne.s32 s31, s28  }
.Ltmp3:
0x58: {  	_ = 	snop;
	(pc) =	sbr.rel @p1 .LBB2_3-.Ltmp3, $2  }
0x59: {  	_ =	sdelay $0x2  }
0x5a: {  	s29 =	sadd.s32 $0x2, s29  }
.Ltmp4:
0x5b: {  	_ = 	snop;
	(pc) =	sbr.rel .LBB2_4-.Ltmp4, $1  }
0x5c: {  	_ =	sdelay $0x3  }
.LBB2_5:
0x5d: {  	_ =	sfence.sel $0x180000  }
0x5e: {  	[bflag:$0x0] =	sbarrier.arrive $0xFFFF  }
0x5f: {  	_ =	strace $0x9000004A  }
0x60: {  	s0 =	stileid.u32;
	[bflag:$0x2] =	sbarrier.arrive $0xFFFF  }
0x61: {  	p0 =	sne.s32 s0, $0x0;
	s0 =	rddreg [dreg:$0x2]  }
0x62: {  	s0 =	sadd.s32 @!p0 $0x100000, s0  }
0x63: {  	[sflag:s0] =	ssyncadd.tile.s32 @!p0 $0x1;
	_ =	shalt  }
.Lfunc_end2:
_tile_overlayer_lowered:
.L_overlay_start_2:
0x64: {  	(tag) =	ssettag $0x2  }
0x65: {  	s0 =	rddreg [dreg:$0x0];
	s2 =	stileid.u32  }
0x66: {  	s1 =	rddreg [dreg:$0x1];
	p0 =	sne.s32 s2, $0x0  }
0x67: {  	s3 =	rddreg [dreg:$0x2];
	[bflag:$0x3] =	sbarrier.arrive $0xFFFF;
	s2 =	simm.s32 @!p0 $0x1C05  }
0x68: {  	[timem:s3], [sflag:s2] =	dma.local @!p0 [hbm:s0], s1  }
0x69: {  	s0 =	simm.s32 @!p0 $0x5  }
0x6a: {  	_ =	swait.ge @!p0 [sflag:s0], s1  }
0x6b: {  	s1 =	ssub.s32 @!p0 $0x0, s1;
	[sflag:s0] =	ssyncset.done @!p0 $0x0  }
0x6c: {  	[sflag:s0] =	ssyncadd.s32 @!p0 s1  }
0x6d: {  	[bflag:$0x3] =	sbarrier.arrive $0xFFFF  }
0x6e: {  	_ =	shalt  }

// kernel: kernel.15.cloned.1.call-start
scs
__scs_entry_jumppad:
0x0: {  	(pc) =	sbr.rel $0x88, $3  }
0x1: {  	(tag) =	ssettag $0x0;
	lr =	simm.s32 $0x1  }
0x2: {  	[smem:$0x3F90] =	sst lr;
	_ =	strace $0xD0000000  }
0x3: {  	_ = 	snop  }
0x4: {  	_ = 	snop  }
0x5: {  	_ = 	snop  }
0x6: {  	_ = 	snop  }
0x7: {  	_ = 	snop  }
__scs_overlays_trampoline_lowered:
0x8: {  	[smem:$0x3F9F] =	sst s0  }
0x9: {  	[smem:$0x3FA0] =	sst s1  }
0xa: {  	[smem:$0x3FA1] =	sst s2  }
0xb: {  	[smem:$0x3FA2] =	sst s3  }
0xc: {  	[smem:$0x3FA3] =	sst s4  }
0xd: {  	[smem:$0x3FA4] =	sst s5  }
0xe: {  	[smem:$0x3FA5] =	sst s6  }
0xf: {  	[smem:$0x3FA6] =	sst s7  }
0x10: {  	[smem:$0x3FA7] =	sst s8  }
0x11: {  	[smem:$0x3FA8] =	sst s9;
	s0 =	simm.s32 @!p0 $0x0  }
0x12: {  	s1 =	sld [smem:$0x3F8E];
	s0 =	simm.s32 @p0 $0x1  }
0x13: {  	[smem:$0x3FA9] =	sst s0;
	s0 =	simm.s32 @!p1 $0x0  }
0x14: {  	s2 =	sld [smem:$0x3F8D];
	s0 =	simm.s32 @p1 $0x1  }
0x15: {  	[smem:$0x3FAA] =	sst s0;
	s0 =	simm.s32 @!p2 $0x0  }
0x16: {  	s3 =	sld [smem:$0x3FDB];
	s0 =	simm.s32 @p2 $0x1  }
0x17: {  	s4 =	simm.s32 $0x1BF5;
	[smem:$0x3FAC] =	sst s0  }
0x18: {  	s0 =	sld [smem:$0x3F8F];
	_ =	swait.ge [sflag:s4], $0x0  }
0x19: {  	s7 =	sld [smem:$0x3F90]  }
0x1a: {  	s8 =	sadd.s32 $0xFFFFE003, lr  }
0x1b: {  	s9 =	sadd.s32 $0xFFFFFEF7, lr;
	s5 =	simm.s32 $0xFFFFFFFF;
	p2 =	slt.u32 s8, $0xFFFFF086  }
0x1c: {  	p1 =	slt.u32 s9, $0xF7A;
	s5 =	simm.s32 @!p2 $0x0  }
0x1d: {  	s5 =	simm.s32 @p1 $0x1;
	p0 =	seq.s32 s7, s2  }
0x1e: {  	s7 =	smul.u32 @!p0 $0xF7A, s2;
	p2 =	seq.s32 @!p0 s5, $0x0  }
0x1f: {  	s9 =	smul.u32 $0xF7A, s1;
	s8 =	simm.s32 @!p0 $0x1BF5;
	p2 =	por !p2, p0  }
0x20: {  	[sflag:s8] =	ssyncset.s32 @!p0 $0xFFFFF086;
	s6 =	sadd.s32 @!p0 s3, s7;
	s7 =	simm.s32 @!p0 $0x108  }
0x21: {  	s3 =	sadd.s32 s3, s9;
	s6 =	sadd.s32 @!p0 $0x88, s6;
	s7 =	simm.s32 @p2 $0x1082  }
0x22: {  	[simem:s7], [sflag:s8] =	dma.local @!p0 [hbm:s6], $0xF7A  }
0x23: {  	s9 =	sor.u32 $0xD0000000, s2;
	s6 =	simm.s32 $0x108;
	_ =	swait.ge @!p0 [sflag:s8], $0x0  }
0x24: {  	s3 =	sadd.s32 $0x88, s3;
	s6 =	simm.s32 @!p1 $0x1082;
	[sflag:s4] =	ssyncset.s32 $0xFFFFF086  }
0x25: {  	[simem:s6], [sflag:s4] =	dma.local [hbm:s3], $0xF7A  }
0x26: {  	[smem:$0x3F90] =	sst s1;
	(tag) =	ssettag s2;
	_ =	strace s9  }
0x27: {  	s1 =	sld [smem:$0x3FA0]  }
0x28: {  	s2 =	sld [smem:$0x3FA1]  }
0x29: {  	s4 =	sld [smem:$0x3FA3]  }
0x2a: {  	p0 =	seq.s32 s5, $0x0;
	s5 =	sld [smem:$0x3FA4]  }
0x2b: {  	s6 =	sld [smem:$0x3FA5]  }
0x2c: {  	s7 =	sld [smem:$0x3FA6]  }
0x2d: {  	s3 =	simm.s32 $0x108;
	s8 =	sld [smem:$0x3FA7]  }
0x2e: {  	s3 =	simm.s32 @!p0 $0x1082;
	s9 =	sld [smem:$0x3FA8]  }
0x2f: {  	lr =	sadd.s32 s0, s3;
	s0 =	sld [smem:$0x3F9F]  }
0x30: {  	s3 =	sld [smem:$0x3FA2]  }
0x31: {  	[smem:$0x3FAB] =	sst s10  }
0x32: {  	s10 =	sld [smem:$0x3FA9];
	_ =	sdelay $0x3  }
0x33: {  	p0 =	seq.s32 s10, $0x1;
	s10 =	sld [smem:$0x3FAB];
	_ =	sdelay $0x3  }
0x34: {  	[smem:$0x3FAB] =	sst s10  }
0x35: {  	s10 =	sld [smem:$0x3FAA];
	_ =	sdelay $0x3  }
0x36: {  	p1 =	seq.s32 s10, $0x1;
	s10 =	sld [smem:$0x3FAB];
	_ =	sdelay $0x3  }
0x37: {  	[smem:$0x3FAB] =	sst s10  }
0x38: {  	s10 =	sld [smem:$0x3FAC]  }
0x39: {  	_ = 	snop;
	(pc) =	sbr.ind lr, $3  }
0x3a: {  	_ = 	snop  }
0x3b: {  	_ = 	snop  }
0x3c: {  	p2 =	seq.s32 s10, $0x1;
	s10 =	sld [smem:$0x3FAB]  }
0x3d: {  	_ =	shalt  }
0x3e: {  	_ =	shalt  }
0x3f: {  	_ =	shalt  }
0x40: {  	_ =	shalt  }
0x41: {  	_ =	shalt  }
0x42: {  	_ =	shalt  }
0x43: {  	_ =	shalt  }
0x44: {  	_ =	shalt  }
0x45: {  	_ =	shalt  }
0x46: {  	_ =	shalt  }
0x47: {  	_ =	shalt  }
0x48: {  	_ =	shalt  }
0x49: {  	_ =	shalt  }
0x4a: {  	_ =	shalt  }
0x4b: {  	_ =	shalt  }
0x4c: {  	_ =	shalt  }
0x4d: {  	_ =	shalt  }
0x4e: {  	_ =	shalt  }
0x4f: {  	_ =	shalt  }
0x50: {  	_ =	shalt  }
0x51: {  	_ =	shalt  }
0x52: {  	_ =	shalt  }
0x53: {  	_ =	shalt  }
0x54: {  	_ =	shalt  }
0x55: {  	_ =	shalt  }
0x56: {  	_ =	shalt  }
0x57: {  	_ =	shalt  }
0x58: {  	_ =	shalt  }
0x59: {  	_ =	shalt  }
0x5a: {  	_ =	shalt  }
0x5b: {  	_ =	shalt  }
0x5c: {  	_ =	shalt  }
0x5d: {  	_ =	shalt  }
0x5e: {  	_ =	shalt  }
0x5f: {  	_ =	shalt  }
0x60: {  	_ =	shalt  }
0x61: {  	_ =	shalt  }
0x62: {  	_ =	shalt  }
0x63: {  	_ =	shalt  }
0x64: {  	_ =	shalt  }
0x65: {  	_ =	shalt  }
0x66: {  	_ =	shalt  }
0x67: {  	_ =	shalt  }
0x68: {  	_ =	shalt  }
0x69: {  	_ =	shalt  }
0x6a: {  	_ =	shalt  }
0x6b: {  	_ =	shalt  }
0x6c: {  	_ =	shalt  }
0x6d: {  	_ =	shalt  }
0x6e: {  	_ =	shalt  }
0x6f: {  	_ =	shalt  }
0x70: {  	_ =	shalt  }
0x71: {  	_ =	shalt  }
0x72: {  	_ =	shalt  }
0x73: {  	_ =	shalt  }
0x74: {  	_ =	shalt  }
0x75: {  	_ =	shalt  }
0x76: {  	_ =	shalt  }
0x77: {  	_ =	shalt  }
0x78: {  	_ =	shalt  }
0x79: {  	_ =	shalt  }
0x7a: {  	_ =	shalt  }
0x7b: {  	_ =	shalt  }
0x7c: {  	_ =	shalt  }
0x7d: {  	_ =	shalt  }
0x7e: {  	_ =	shalt  }
0x7f: {  	_ =	shalt  }
0x80: {  	_ =	shalt  }
0x81: {  	_ =	shalt  }
0x82: {  	_ =	shalt  }
0x83: {  	_ =	shalt  }
0x84: {  	_ =	shalt  }
0x85: {  	_ =	shalt  }
0x86: {  	_ =	shalt  }
0x87: {  	_ =	shalt  }
.Lfunc_end0:
.L_simem_size_0:
called_computation.2_lowered:
.L_overlay_start_0:
0x88: {  	s2 =	sld [smem:$0x3FD9]  }
0x89: {  	s3 =	sld [smem:$0x3FFE];
	_ =	sdelay $0x1  }
0x8a: {  	s1 =	srdreg.scid  }
0x8b: {  	s0 =	sand.u32 $0x1, s1  }
0x8c: {  	s16 =	sshll.u32 s0, $0xA;
	s2 =	sadd.s32 s3, s2  }
0x8d: {  	s2 =	sadd.s32 s2, s16  }
0x8e: {  	[smem:$0x3FB7] =	sst s2  }
0x8f: {  	_ = 	snop  }
0x90: {  	(tm) =	ssettm $0x1  }
0x91: {  	s17 =	sld [smem:$0x3FFB];
	_ =	sdelay $0x3  }
0x92: {  	_ =	strace s17  }
0x93: {  	s2 =	sld [smem:$0x3FFC];
	_ =	sdelay $0x3  }
0x94: {  	_ =	strace s2  }
0x95: {  	s2 =	sld [smem:$0x3FFD];
	_ =	sdelay $0x3  }
0x96: {  	_ =	strace s2  }
0x97: {  	_ =	strace $0x8FFFFFFF  }
0x98: {  	s18 =	sld [smem:$0x3FDB];
	_ =	sdelay $0x1  }
0x99: {  	s19 =	simm.s32 $_scs_section_size  }
0x9a: {  	s4 =	simm.s32 $_size__tile_overlayer_lowered;
	s5 =	simm.s32 $_tile_overlayer_lowered  }
0x9b: {  	s22 =	simm.s32 $0x1BFF;
	s21 =	sshll.u32 s5, $0x1;
	s2 =	sadd.s32 s19, s18  }
0x9c: {  	s6 =	simm.s32 $0x0;
	s20 =	sshll.u32 s4, $0x1;
	s4 =	sadd.s32 s21, s2  }
0x9d: {  	[timem:s6], [sflag:s22] =	dma.local [hbm:s4], s20  }
0x9e: {  	_ =	swait.ge [sflag:s22], s20  }
0x9f: {  	s3 =	ssub.s32 $0x0, s20;
	[sflag:s22] =	ssyncset.done $0x0  }
0xa0: {  	[sflag:s22] =	ssyncadd.s32 s3;
	_ =	sdelay $0x1  }
0xa1: {  	s23 =	simm.s32 $0x1B8B  }
0xa2: {  	_ =	swait.ge [sflag:s23], $0x1  }
0xa3: {  	[sflag:s23] =	ssyncset.done $0x0  }
0xa4: {  	s25 =	simm.s32 $0x1B8E;
	s24 =	sld [smem:$0x3FFE];
	[sflag:s23] =	ssyncadd.s32 $0xFFFFFFFF  }
0xa5: {  	s26 =	simm.s32 $execute0_lowered;
	[smem:$0x3FD2] =	sst s25  }
0xa6: {  	s4 =	sshll.u32 s26, $0x1;
	_ =	strace $0x8000004C;
	[dreg:$0x1] =	wrdreg $0xFFFFFFFF  }
0xa7: {  	s28 =	simm.s32 $_size_execute0_lowered;
	s2 =	sadd.s32 s2, s4;
	[dreg:$0x0] =	wrdreg $0x0  }
0xa8: {  	s4 =	sshll.u32 s28, $0x1;
	[dreg:$0x2] =	wrdreg s2  }
0xa9: {  	[dreg:$0x3] =	wrdreg s4  }
0xaa: {  	[dreg:$0x4] =	wrdreg $0xC0  }
0xab: {  	_ =	task [dreg:s6], $0x5FFFF  }
0xac: {  	[dreg:$0x1] =	wrdreg $0xFFFFFFFF  }
0xad: {  	[dreg:$0x0] =	wrdreg $0x60  }
0xae: {  	[dreg:$0x2] =	wrdreg s24  }
0xaf: {  	[dreg:$0x3] =	wrdreg $0x82000  }
0xb0: {  	[dreg:$0x4] =	wrdreg $0x9  }
0xb1: {  	_ =	task.clear_ibuf [dreg:s6], $0x5FFFF;
	_ =	strace $0x9000004C  }
0xb2: {  	s29 =	simm.s32 $0x9;
	_ =	strace $0x8000004E  }
0xb3: {  	_ =	swait.ge [sflag:s29], $0x1  }
0xb4: {  	[sflag:s29] =	ssyncadd.s32 $0xFFFFFFFF  }
0xb5: {  	_ =	strace $0x9000004E  }
0xb6: {  	_ =	sfence  }
0xb7: {  	s30 =	sld [smem:$0x0];
	_ =	sdelay $0x2  }
0xb8: {  	s31 =	sshll.u32 s1, $0xD;
	s1 =	sshrl.u32 s1, $0x2  }
0xb9: {  	s3 =	sand.u32 $0x4000, s31;
	s1 =	sadd.s32 s1, s30  }
0xba: {  	s0 =	sor.u32 s3, s0;
	s1 =	sshll.u32 s1, $0x11  }
0xbb: {  	s0 =	sor.u32 s1, s0  }
0xbc: {  	s0 =	sadd.s32 $0x8F2B, s0  }
0xbd: {  	[sflag:s0] =	ssyncadd.remote.s32 $0x1  }
0xbe: {  	_ =	sfence.sel $0xFFFF  }
0xbf: {  	[dreg:$0x0] =	wrdreg $0xFFFFFFFF;
	(pc) =	sbr.abs _section_cstart, $3  }
0xc0: {  	[dreg:$0x1] =	wrdreg $0xFFFFFFFF  }
0xc1: {  	_ =	task.clear_ibuf [dreg:s6], $0x2FFFF;
	_ =	strace $0x9FFFFFFF  }
0xc2: {  	(tm) =	ssettm $0x7FFFFFFF  }
0xc3: {  	_ =	shalt  }
tec
execute0_lowered:
.L_overlay_start_1:
0x0: {  	(tag) =	ssettag $0x1  }
0x1: {  	s5 =	rddreg [dreg:$0x0]  }
0x2: {  	s2 =	rddreg [dreg:$0x1];
	s3 =	simm.s32 $0x0;
	s0 =	stileid.u32  }
0x3: {  	s4 =	srdreg.scid;
	s21 =	simm.s32 $0x180;
	s22 =	simm.s32 $0x4200  }
0x4: {  	s23 =	simm.s32 $0x1;
	s24 =	simm.s32 $0x3;
	s25 =	simm.s32 $0x2  }
0x5: {  	s26 =	simm.s32 $0x4;
	[smem:$0x7FF] =	sst s3;
	s17 =	smul.u32 $0x2780, s0  }
0x6: {  	s6 =	sand.u32 $0x1, s4;
	s4 =	sadd.s32 $0x17400, s5;
	s29 =	smul.u32 $0x4F000, s0  }
0x7: {  	s14 =	sadd.s32 $0xD400, s5;
	s13 =	sadd.s32 $0x3400, s5;
	s16 =	smul.u32 $0xA0, s0  }
0x8: {  	s30 =	sshll.u32 s0, $0x6;
	s10 =	smul.u32 $0xA00, s0;
	_ =	strace $0x8000004D  }
0x9: {  	s7 =	smul.u32 $0x27800, s6;
	s8 =	ssub.s32 $0x2, s6;
	p0 =	seq.s32 s6, $0x1  }
0xa: {  	s9 =	sadd.s32 s17, s5;
	s28 =	sshrl.u32 s8, $0x1;
	s6 =	sshrl.u32 s29, $0x2  }
0xb: {  	s16 =	simm.s32 @p0 $0xA00;
	s0 =	sadd.s32 s14, s10;
	s11 =	sor.u32 $0x10, s10  }
0xc: {  	s12 =	sadd.s32 s7, s5;
	s5 =	simm.s32 $0x0;
	s15 =	ssub.s32 s8, s28  }
0xd: {  	s18 =	sadd.s32 s6, s2;
	s6 =	sadd.s32 $0xB3800, s9;
	s7 =	sor.u32 $0x1C05, s30  }
0xe: {  	[dreg:$0x4] =	wrdreg s0;
	s9 =	sadd.s32 s13, s10;
	s10 =	sadd.s32 s14, s11  }
0xf: {  	s11 =	sadd.s32 s13, s11;
	s16 =	sshll.u32 s16, $0x4;
	s5 =	simm.s32 @!p0 $0xA0  }
.Ltmp0:
0x10: {  	s20 =	sadd.s32 $0xDB000, s12;
	s12 =	smax.u32 s15, $0x1;
	(pc) =	sbr.rel .LBB2_1-.Ltmp0, $4  }
0x11: {  	s13 =	sadd.s32 s16, s13;
	s14 =	sadd.s32 s16, s14;
	s19 =	sshrl.u32 s5, $0x1  }
0x12: {  	s15 =	sshrl.u32 s18, $0x3;
	s16 =	simm.s32 $0x5;
	s19 =	smax.u32 s19, $0x1  }
0x13: {  	s18 =	simm.s32 $0x100;
	s17 =	sadd.s32 s17, s20;
	s31 =	sshll.u32 s19, $0x5  }
0x14: {  	s20 =	simm.s32 $0x200;
	s19 =	simm.s32 $0x80;
	[dreg:$0x3] =	wrdreg s31  }
.LBB2_4:
0x15: {  	s3 =	sadd.s32 $0x1, s3  }
0x16: {  	p1 =	sne.s32 s3, s12  }
.Ltmp1:
0x17: {  	[bflag:$0x0] =	sbarrier.arrive $0xFFFF;
	(pc) =	sbr.rel @!p1 .LBB2_5-.Ltmp1, $4  }
0x18: {  	[hbm:s17], [sflag:s7] =	dma.local [spmem:s15], $0x2780  }
0x19: {  	_ =	swait.ge [sflag:s16], $0x2780  }
0x1a: {  	[sflag:s16] =	ssyncset.done $0x0  }
0x1b: {  	[sflag:s16] =	ssyncadd.s32 $0xFFFFD880  }
.LBB2_1:
0x1c: {  	[spmem:s15], [sflag:s7] =	dma.local [hbm:s6], $0x2780  }
.Ltmp2:
0x1d: {  	_ =	swait.ge [sflag:s16], $0x2780;
	(pc) =	sbr.rel @p0 .LBB2_4-.Ltmp2, $3  }
0x1e: {  	[sflag:s16] =	ssyncset.done $0x0  }
0x1f: {  	[sflag:s16] =	ssyncadd.s32 $0xFFFFD880  }
0x20: {  	[bflag:$0x0] =	sbarrier.arrive $0xFFFF;
	_ =	sdelay $0x1  }
0x21: {  	s28 =	simm.s32 $0x0;
	s0 =	rddreg [dreg:$0x4]  }
0x22: {  	[tilespmem:s28], [sflag:$0x5] =	stream.linear.gather [hbm4b:s0+s28], $0x80, $0x38;
	[tilespmem:$0x1BE00] =	vst v63  }
0x23: {  	_ =	swait.ge [sflag:s16], $0x80  }
0x24: {  	[sflag:s16] =	ssyncset.done $0x0  }
0x25: {  	[sflag:s16] =	ssyncadd.s32 $0xFFFFFF80  }
0x26: {  	[tilespmem:s18], [sflag:$0x5] =	stream.linear.gather [hbm4b:s9+s28], $0x80, $0x38;
	[tilespmem:$0x1BE00] =	vst v63  }
0x27: {  	_ =	swait.ge [sflag:s16], $0x80  }
0x28: {  	[sflag:s16] =	ssyncset.done $0x0  }
0x29: {  	[sflag:s16] =	ssyncadd.s32 $0xFFFFFF80  }
0x2a: {  	[tilespmem:s20], [sflag:$0x1] =	stream.indirect.gather [hbm4b:s4+s19], $0x80, s28, s19, $0xb8;
	[tilespmem:$0x1BE00] =	vst v63  }
0x2b: {  	_ = 	snop  }
0x2c: {  	[tilespmem:s19], [sflag:$0x5] =	stream.linear.gather [hbm4b:s10+s28], $0x80, $0x38;
	[tilespmem:$0x1BE00] =	vst v63  }
0x2d: {  	_ =	swait.ge [sflag:s16], $0x80  }
0x2e: {  	[sflag:s16] =	ssyncset.done $0x0  }
0x2f: {  	[sflag:s16] =	ssyncadd.s32 $0xFFFFFF80  }
0x30: {  	[tilespmem:s21], [sflag:$0x5] =	stream.linear.gather [hbm4b:s11+s28], $0x80, $0x38;
	[tilespmem:$0x1BE00] =	vst v63  }
0x31: {  	_ =	swait.ge [sflag:s16], $0x80  }
0x32: {  	[sflag:s16] =	ssyncset.done $0x0  }
0x33: {  	s29 =	simm.s32 $0x2;
	[sflag:s16] =	ssyncadd.s32 $0xFFFFFF80  }
0x34: {  	[tilespmem:s22], [sflag:$0x2] =	stream.indirect.gather [hbm4b:s4+s19], $0x80, s19, s19, $0xb8;
	[tilespmem:$0x1BE00] =	vst v63  }
.LBB2_3:
0x35: {  	_ =	swait.ge [sflag:s23], $0x4000  }
0x36: {  	[sflag:s23] =	ssyncset.done $0x0  }
0x37: {  	[sflag:s23] =	ssyncadd.s32 $0xFFFFC000  }
0x38: {  	[spmem:s2] =	stream.indirect.scatter.add.f32 [tilespmem:s20], [sflag:$0x3], $0x80, s18, s19, $0xb8;
	[tilespmem:$0x1BE00] =	vst v63  }
0x39: {  	p1 =	sge.u32 s29, s5;
	_ =	swait.ge [sflag:s24], $0x4000  }
0x3a: {  	s30 =	sadd.s32 @!p1 s28, s14;
	[sflag:s24] =	ssyncset.done $0x0  }
0x3b: {  	s31 =	simm.s32 @!p1 $0x0;
	s30 =	sadd.s32 @!p1 $0x20, s30;
	[sflag:s24] =	ssyncadd.s32 $0xFFFFC000  }
0x3c: {  	[tilespmem:s31], [sflag:$0x5] =	stream.linear.gather @!p1 [hbm4b:s30+s31], $0x80, $0x38;
	[tilespmem:$0x1BE00] =	vst v63  }
0x3d: {  	s30 =	simm.s32 @!p1 $0x5  }
0x3e: {  	_ =	swait.ge @!p1 [sflag:s30], $0x80  }
0x3f: {  	s0 =	sadd.s32 @!p1 s28, s13;
	[sflag:s30] =	ssyncset.done @!p1 $0x0  }
0x40: {  	s1 =	simm.s32 @!p1 $0x100;
	s0 =	sadd.s32 @!p1 $0x20, s0;
	[sflag:s30] =	ssyncadd.s32 @!p1 $0xFFFFFF80  }
0x41: {  	[tilespmem:s1], [sflag:$0x5] =	stream.linear.gather @!p1 [hbm4b:s0+s31], $0x80, $0x38;
	[tilespmem:$0x1BE00] =	vst v63  }
0x42: {  	_ =	swait.ge @!p1 [sflag:s30], $0x80  }
0x43: {  	[sflag:s30] =	ssyncset.done @!p1 $0x0  }
0x44: {  	s0 =	simm.s32 @!p1 $0x80;
	s1 =	simm.s32 @!p1 $0x200;
	[sflag:s30] =	ssyncadd.s32 @!p1 $0xFFFFFF80  }
0x45: {  	[tilespmem:s1], [sflag:$0x1] =	stream.indirect.gather @!p1 [hbm4b:s4+s0], $0x80, s31, s0, $0xb8;
	[tilespmem:$0x1BE00] =	vst v63  }
0x46: {  	_ =	swait.ge [sflag:s25], $0x4000  }
0x47: {  	[sflag:s25] =	ssyncset.done $0x0  }
0x48: {  	s30 =	sadd.s32 $0x1, s29;
	[sflag:s25] =	ssyncadd.s32 $0xFFFFC000  }
0x49: {  	[spmem:s2] =	stream.indirect.scatter.add.f32 [tilespmem:s22], [sflag:$0x4], $0x80, s21, s19, $0xb8;
	[tilespmem:$0x1BE00] =	vst v63  }
0x4a: {  	p1 =	sge.u32 s30, s5;
	_ =	swait.ge [sflag:s26], $0x4000  }
0x4b: {  	s0 =	sadd.s32 @!p1 s28, s14;
	s1 =	simm.s32 @!p1 $0x0;
	[sflag:s26] =	ssyncset.done $0x0  }
0x4c: {  	s30 =	simm.s32 @!p1 $0x80;
	s0 =	sadd.s32 @!p1 $0x30, s0;
	[sflag:s26] =	ssyncadd.s32 $0xFFFFC000  }
0x4d: {  	[tilespmem:s30], [sflag:$0x5] =	stream.linear.gather @!p1 [hbm4b:s0+s1], $0x80, $0x38;
	[tilespmem:$0x1BE00] =	vst v63  }
0x4e: {  	s0 =	simm.s32 @!p1 $0x5  }
0x4f: {  	_ =	swait.ge @!p1 [sflag:s0], $0x80  }
0x50: {  	s31 =	sadd.s32 @!p1 s28, s13;
	[sflag:s0] =	ssyncset.done @!p1 $0x0  }
0x51: {  	s8 =	simm.s32 @!p1 $0x180;
	s31 =	sadd.s32 @!p1 $0x30, s31;
	[sflag:s0] =	ssyncadd.s32 @!p1 $0xFFFFFF80  }
0x52: {  	[tilespmem:s8], [sflag:$0x5] =	stream.linear.gather @!p1 [hbm4b:s31+s1], $0x80, $0x38;
	[tilespmem:$0x1BE00] =	vst v63  }
0x53: {  	_ =	swait.ge @!p1 [sflag:s0], $0x80  }
0x54: {  	s28 =	sadd.s32 $0x20, s28;
	[sflag:s0] =	ssyncset.done @!p1 $0x0  }
0x55: {  	s31 =	rddreg [dreg:$0x3];
	[sflag:s0] =	ssyncadd.s32 @!p1 $0xFFFFFF80;
	s0 =	simm.s32 @!p1 $0x4200  }
0x56: {  	[tilespmem:s0], [sflag:$0x2] =	stream.indirect.gather @!p1 [hbm4b:s4+s30], $0x80, s30, s30, $0xb8;
	[tilespmem:$0x1BE00] =	vst v63  }
0x57: {  	p1 =	sne.s32 s31, s28  }
.Ltmp3:
0x58: {  	_ = 	snop;
	(pc) =	sbr.rel @p1 .LBB2_3-.Ltmp3, $2  }
0x59: {  	_ =	sdelay $0x2  }
0x5a: {  	s29 =	sadd.s32 $0x2, s29  }
.Ltmp4:
0x5b: {  	_ = 	snop;
	(pc) =	sbr.rel .LBB2_4-.Ltmp4, $1  }
0x5c: {  	_ =	sdelay $0x3  }
.LBB2_5:
0x5d: {  	_ =	sfence.sel $0x180000  }
0x5e: {  	[bflag:$0x0] =	sbarrier.arrive $0xFFFF  }
0x5f: {  	_ =	strace $0x9000004D  }
0x60: {  	s0 =	stileid.u32;
	[bflag:$0x2] =	sbarrier.arrive $0xFFFF  }
0x61: {  	p0 =	sne.s32 s0, $0x0;
	s0 =	rddreg [dreg:$0x2]  }
0x62: {  	s0 =	sadd.s32 @!p0 $0x100000, s0  }
0x63: {  	[sflag:s0] =	ssyncadd.tile.s32 @!p0 $0x1;
	_ =	shalt  }
.Lfunc_end2:
_tile_overlayer_lowered:
.L_overlay_start_2:
0x64: {  	(tag) =	ssettag $0x2  }
0x65: {  	s0 =	rddreg [dreg:$0x0];
	s2 =	stileid.u32  }
0x66: {  	s1 =	rddreg [dreg:$0x1];
	p0 =	sne.s32 s2, $0x0  }
0x67: {  	s3 =	rddreg [dreg:$0x2];
	[bflag:$0x3] =	sbarrier.arrive $0xFFFF;
	s2 =	simm.s32 @!p0 $0x1C05  }
0x68: {  	[timem:s3], [sflag:s2] =	dma.local @!p0 [hbm:s0], s1  }
0x69: {  	s0 =	simm.s32 @!p0 $0x5  }
0x6a: {  	_ =	swait.ge @!p0 [sflag:s0], s1  }
0x6b: {  	s1 =	ssub.s32 @!p0 $0x0, s1;
	[sflag:s0] =	ssyncset.done @!p0 $0x0  }
0x6c: {  	[sflag:s0] =	ssyncadd.s32 @!p0 s1  }
0x6d: {  	[bflag:$0x3] =	sbarrier.arrive $0xFFFF  }
0x6e: {  	_ =	shalt  }

// kernel: kernel.9.cloned.1.call-start
scs
__scs_entry_jumppad:
0x0: {  	(pc) =	sbr.rel $0x88, $3  }
0x1: {  	(tag) =	ssettag $0x0;
	lr =	simm.s32 $0x1  }
0x2: {  	[smem:$0x3F90] =	sst lr;
	_ =	strace $0xD0000000  }
0x3: {  	_ = 	snop  }
0x4: {  	_ = 	snop  }
0x5: {  	_ = 	snop  }
0x6: {  	_ = 	snop  }
0x7: {  	_ = 	snop  }
__scs_overlays_trampoline_lowered:
0x8: {  	[smem:$0x3F9F] =	sst s0  }
0x9: {  	[smem:$0x3FA0] =	sst s1  }
0xa: {  	[smem:$0x3FA1] =	sst s2  }
0xb: {  	[smem:$0x3FA2] =	sst s3  }
0xc: {  	[smem:$0x3FA3] =	sst s4  }
0xd: {  	[smem:$0x3FA4] =	sst s5  }
0xe: {  	[smem:$0x3FA5] =	sst s6  }
0xf: {  	[smem:$0x3FA6] =	sst s7  }
0x10: {  	[smem:$0x3FA7] =	sst s8  }
0x11: {  	[smem:$0x3FA8] =	sst s9;
	s0 =	simm.s32 @!p0 $0x0  }
0x12: {  	s1 =	sld [smem:$0x3F8E];
	s0 =	simm.s32 @p0 $0x1  }
0x13: {  	[smem:$0x3FA9] =	sst s0;
	s0 =	simm.s32 @!p1 $0x0  }
0x14: {  	s2 =	sld [smem:$0x3F8D];
	s0 =	simm.s32 @p1 $0x1  }
0x15: {  	[smem:$0x3FAA] =	sst s0;
	s0 =	simm.s32 @!p2 $0x0  }
0x16: {  	s3 =	sld [smem:$0x3FDB];
	s0 =	simm.s32 @p2 $0x1  }
0x17: {  	s4 =	simm.s32 $0x1BF5;
	[smem:$0x3FAC] =	sst s0  }
0x18: {  	s0 =	sld [smem:$0x3F8F];
	_ =	swait.ge [sflag:s4], $0x0  }
0x19: {  	s7 =	sld [smem:$0x3F90]  }
0x1a: {  	s8 =	sadd.s32 $0xFFFFE003, lr  }
0x1b: {  	s9 =	sadd.s32 $0xFFFFFEF7, lr;
	s5 =	simm.s32 $0xFFFFFFFF;
	p2 =	slt.u32 s8, $0xFFFFF086  }
0x1c: {  	p1 =	slt.u32 s9, $0xF7A;
	s5 =	simm.s32 @!p2 $0x0  }
0x1d: {  	s5 =	simm.s32 @p1 $0x1;
	p0 =	seq.s32 s7, s2  }
0x1e: {  	s7 =	smul.u32 @!p0 $0xF7A, s2;
	p2 =	seq.s32 @!p0 s5, $0x0  }
0x1f: {  	s9 =	smul.u32 $0xF7A, s1;
	s8 =	simm.s32 @!p0 $0x1BF5;
	p2 =	por !p2, p0  }
0x20: {  	[sflag:s8] =	ssyncset.s32 @!p0 $0xFFFFF086;
	s6 =	sadd.s32 @!p0 s3, s7;
	s7 =	simm.s32 @!p0 $0x108  }
0x21: {  	s3 =	sadd.s32 s3, s9;
	s6 =	sadd.s32 @!p0 $0x88, s6;
	s7 =	simm.s32 @p2 $0x1082  }
0x22: {  	[simem:s7], [sflag:s8] =	dma.local @!p0 [hbm:s6], $0xF7A  }
0x23: {  	s9 =	sor.u32 $0xD0000000, s2;
	s6 =	simm.s32 $0x108;
	_ =	swait.ge @!p0 [sflag:s8], $0x0  }
0x24: {  	s3 =	sadd.s32 $0x88, s3;
	s6 =	simm.s32 @!p1 $0x1082;
	[sflag:s4] =	ssyncset.s32 $0xFFFFF086  }
0x25: {  	[simem:s6], [sflag:s4] =	dma.local [hbm:s3], $0xF7A  }
0x26: {  	[smem:$0x3F90] =	sst s1;
	(tag) =	ssettag s2;
	_ =	strace s9  }
0x27: {  	s1 =	sld [smem:$0x3FA0]  }
0x28: {  	s2 =	sld [smem:$0x3FA1]  }
0x29: {  	s4 =	sld [smem:$0x3FA3]  }
0x2a: {  	p0 =	seq.s32 s5, $0x0;
	s5 =	sld [smem:$0x3FA4]  }
0x2b: {  	s6 =	sld [smem:$0x3FA5]  }
0x2c: {  	s7 =	sld [smem:$0x3FA6]  }
0x2d: {  	s3 =	simm.s32 $0x108;
	s8 =	sld [smem:$0x3FA7]  }
0x2e: {  	s3 =	simm.s32 @!p0 $0x1082;
	s9 =	sld [smem:$0x3FA8]  }
0x2f: {  	lr =	sadd.s32 s0, s3;
	s0 =	sld [smem:$0x3F9F]  }
0x30: {  	s3 =	sld [smem:$0x3FA2]  }
0x31: {  	[smem:$0x3FAB] =	sst s10  }
0x32: {  	s10 =	sld [smem:$0x3FA9];
	_ =	sdelay $0x3  }
0x33: {  	p0 =	seq.s32 s10, $0x1;
	s10 =	sld [smem:$0x3FAB];
	_ =	sdelay $0x3  }
0x34: {  	[smem:$0x3FAB] =	sst s10  }
0x35: {  	s10 =	sld [smem:$0x3FAA];
	_ =	sdelay $0x3  }
0x36: {  	p1 =	seq.s32 s10, $0x1;
	s10 =	sld [smem:$0x3FAB];
	_ =	sdelay $0x3  }
0x37: {  	[smem:$0x3FAB] =	sst s10  }
0x38: {  	s10 =	sld [smem:$0x3FAC]  }
0x39: {  	_ = 	snop;
	(pc) =	sbr.ind lr, $3  }
0x3a: {  	_ = 	snop  }
0x3b: {  	_ = 	snop  }
0x3c: {  	p2 =	seq.s32 s10, $0x1;
	s10 =	sld [smem:$0x3FAB]  }
0x3d: {  	_ =	shalt  }
0x3e: {  	_ =	shalt  }
0x3f: {  	_ =	shalt  }
0x40: {  	_ =	shalt  }
0x41: {  	_ =	shalt  }
0x42: {  	_ =	shalt  }
0x43: {  	_ =	shalt  }
0x44: {  	_ =	shalt  }
0x45: {  	_ =	shalt  }
0x46: {  	_ =	shalt  }
0x47: {  	_ =	shalt  }
0x48: {  	_ =	shalt  }
0x49: {  	_ =	shalt  }
0x4a: {  	_ =	shalt  }
0x4b: {  	_ =	shalt  }
0x4c: {  	_ =	shalt  }
0x4d: {  	_ =	shalt  }
0x4e: {  	_ =	shalt  }
0x4f: {  	_ =	shalt  }
0x50: {  	_ =	shalt  }
0x51: {  	_ =	shalt  }
0x52: {  	_ =	shalt  }
0x53: {  	_ =	shalt  }
0x54: {  	_ =	shalt  }
0x55: {  	_ =	shalt  }
0x56: {  	_ =	shalt  }
0x57: {  	_ =	shalt  }
0x58: {  	_ =	shalt  }
0x59: {  	_ =	shalt  }
0x5a: {  	_ =	shalt  }
0x5b: {  	_ =	shalt  }
0x5c: {  	_ =	shalt  }
0x5d: {  	_ =	shalt  }
0x5e: {  	_ =	shalt  }
0x5f: {  	_ =	shalt  }
0x60: {  	_ =	shalt  }
0x61: {  	_ =	shalt  }
0x62: {  	_ =	shalt  }
0x63: {  	_ =	shalt  }
0x64: {  	_ =	shalt  }
0x65: {  	_ =	shalt  }
0x66: {  	_ =	shalt  }
0x67: {  	_ =	shalt  }
0x68: {  	_ =	shalt  }
0x69: {  	_ =	shalt  }
0x6a: {  	_ =	shalt  }
0x6b: {  	_ =	shalt  }
0x6c: {  	_ =	shalt  }
0x6d: {  	_ =	shalt  }
0x6e: {  	_ =	shalt  }
0x6f: {  	_ =	shalt  }
0x70: {  	_ =	shalt  }
0x71: {  	_ =	shalt  }
0x72: {  	_ =	shalt  }
0x73: {  	_ =	shalt  }
0x74: {  	_ =	shalt  }
0x75: {  	_ =	shalt  }
0x76: {  	_ =	shalt  }
0x77: {  	_ =	shalt  }
0x78: {  	_ =	shalt  }
0x79: {  	_ =	shalt  }
0x7a: {  	_ =	shalt  }
0x7b: {  	_ =	shalt  }
0x7c: {  	_ =	shalt  }
0x7d: {  	_ =	shalt  }
0x7e: {  	_ =	shalt  }
0x7f: {  	_ =	shalt  }
0x80: {  	_ =	shalt  }
0x81: {  	_ =	shalt  }
0x82: {  	_ =	shalt  }
0x83: {  	_ =	shalt  }
0x84: {  	_ =	shalt  }
0x85: {  	_ =	shalt  }
0x86: {  	_ =	shalt  }
0x87: {  	_ =	shalt  }
.Lfunc_end0:
.L_simem_size_0:
called_computation_lowered:
.L_overlay_start_0:
0x88: {  	s2 =	sld [smem:$0x3FD9]  }
0x89: {  	s3 =	sld [smem:$0x3FFE];
	_ =	sdelay $0x1  }
0x8a: {  	s1 =	srdreg.scid  }
0x8b: {  	s0 =	sand.u32 $0x1, s1  }
0x8c: {  	s16 =	sshll.u32 s0, $0xA;
	s2 =	sadd.s32 s3, s2  }
0x8d: {  	s2 =	sadd.s32 s2, s16  }
0x8e: {  	[smem:$0x3FB7] =	sst s2  }
0x8f: {  	_ = 	snop  }
0x90: {  	(tm) =	ssettm $0x1  }
0x91: {  	s17 =	sld [smem:$0x3FFB];
	_ =	sdelay $0x3  }
0x92: {  	_ =	strace s17  }
0x93: {  	s2 =	sld [smem:$0x3FFC];
	_ =	sdelay $0x3  }
0x94: {  	_ =	strace s2  }
0x95: {  	s2 =	sld [smem:$0x3FFD];
	_ =	sdelay $0x3  }
0x96: {  	_ =	strace s2  }
0x97: {  	_ =	strace $0x8FFFFFFF  }
0x98: {  	s18 =	sld [smem:$0x3FDB];
	_ =	sdelay $0x1  }
0x99: {  	s19 =	simm.s32 $_scs_section_size  }
0x9a: {  	s4 =	simm.s32 $_size__tile_overlayer_lowered;
	s5 =	simm.s32 $_tile_overlayer_lowered  }
0x9b: {  	s22 =	simm.s32 $0x1BFF;
	s21 =	sshll.u32 s5, $0x1;
	s2 =	sadd.s32 s19, s18  }
0x9c: {  	s6 =	simm.s32 $0x0;
	s20 =	sshll.u32 s4, $0x1;
	s4 =	sadd.s32 s21, s2  }
0x9d: {  	[timem:s6], [sflag:s22] =	dma.local [hbm:s4], s20  }
0x9e: {  	_ =	swait.ge [sflag:s22], s20  }
0x9f: {  	s3 =	ssub.s32 $0x0, s20;
	[sflag:s22] =	ssyncset.done $0x0  }
0xa0: {  	[sflag:s22] =	ssyncadd.s32 s3;
	_ =	sdelay $0x1  }
0xa1: {  	s23 =	simm.s32 $0x1B8B  }
0xa2: {  	_ =	swait.ge [sflag:s23], $0x1  }
0xa3: {  	[sflag:s23] =	ssyncset.done $0x0  }
0xa4: {  	s25 =	simm.s32 $0x1B8E;
	s24 =	sld [smem:$0x3FFE];
	[sflag:s23] =	ssyncadd.s32 $0xFFFFFFFF  }
0xa5: {  	s26 =	simm.s32 $execute0_lowered;
	[smem:$0x3FD2] =	sst s25  }
0xa6: {  	s4 =	sshll.u32 s26, $0x1;
	_ =	strace $0x80000046;
	[dreg:$0x1] =	wrdreg $0xFFFFFFFF  }
0xa7: {  	s28 =	simm.s32 $_size_execute0_lowered;
	s2 =	sadd.s32 s2, s4;
	[dreg:$0x0] =	wrdreg $0x0  }
0xa8: {  	s4 =	sshll.u32 s28, $0x1;
	[dreg:$0x2] =	wrdreg s2  }
0xa9: {  	[dreg:$0x3] =	wrdreg s4  }
0xaa: {  	[dreg:$0x4] =	wrdreg $0xC0  }
0xab: {  	_ =	task [dreg:s6], $0x5FFFF  }
0xac: {  	[dreg:$0x1] =	wrdreg $0xFFFFFFFF  }
0xad: {  	[dreg:$0x0] =	wrdreg $0x60  }
0xae: {  	[dreg:$0x2] =	wrdreg s24  }
0xaf: {  	[dreg:$0x3] =	wrdreg $0x82000  }
0xb0: {  	[dreg:$0x4] =	wrdreg $0x9  }
0xb1: {  	_ =	task.clear_ibuf [dreg:s6], $0x5FFFF;
	_ =	strace $0x90000046  }
0xb2: {  	s29 =	simm.s32 $0x9;
	_ =	strace $0x80000048  }
0xb3: {  	_ =	swait.ge [sflag:s29], $0x1  }
0xb4: {  	[sflag:s29] =	ssyncadd.s32 $0xFFFFFFFF  }
0xb5: {  	_ =	strace $0x90000048  }
0xb6: {  	_ =	sfence  }
0xb7: {  	s30 =	sld [smem:$0x0];
	_ =	sdelay $0x2  }
0xb8: {  	s31 =	sshll.u32 s1, $0xD;
	s1 =	sshrl.u32 s1, $0x2  }
0xb9: {  	s3 =	sand.u32 $0x4000, s31;
	s1 =	sadd.s32 s1, s30  }
0xba: {  	s0 =	sor.u32 s3, s0;
	s1 =	sshll.u32 s1, $0x11  }
0xbb: {  	s0 =	sor.u32 s1, s0  }
0xbc: {  	s0 =	sadd.s32 $0x8F2B, s0  }
0xbd: {  	[sflag:s0] =	ssyncadd.remote.s32 $0x1  }
0xbe: {  	_ =	sfence.sel $0xFFFF  }
0xbf: {  	[dreg:$0x0] =	wrdreg $0xFFFFFFFF;
	(pc) =	sbr.abs _section_cstart, $3  }
0xc0: {  	[dreg:$0x1] =	wrdreg $0xFFFFFFFF  }
0xc1: {  	_ =	task.clear_ibuf [dreg:s6], $0x2FFFF;
	_ =	strace $0x9FFFFFFF  }
0xc2: {  	(tm) =	ssettm $0x7FFFFFFF  }
0xc3: {  	_ =	shalt  }
tec
execute0_lowered:
.L_overlay_start_1:
0x0: {  	(tag) =	ssettag $0x1  }
0x1: {  	s5 =	rddreg [dreg:$0x0]  }
0x2: {  	s2 =	rddreg [dreg:$0x1];
	s3 =	simm.s32 $0x0;
	s0 =	stileid.u32  }
0x3: {  	s4 =	srdreg.scid;
	s21 =	simm.s32 $0x180;
	s22 =	simm.s32 $0x4200  }
0x4: {  	s23 =	simm.s32 $0x1;
	s24 =	simm.s32 $0x3;
	s25 =	simm.s32 $0x2  }
0x5: {  	s26 =	simm.s32 $0x4;
	[smem:$0x7FF] =	sst s3;
	s17 =	smul.u32 $0x2780, s0  }
0x6: {  	s6 =	sand.u32 $0x1, s4;
	s4 =	sadd.s32 $0x17400, s5;
	s29 =	smul.u32 $0x4F000, s0  }
0x7: {  	s14 =	sadd.s32 $0xD400, s5;
	s13 =	sadd.s32 $0x3400, s5;
	s16 =	smul.u32 $0xA0, s0  }
0x8: {  	s30 =	sshll.u32 s0, $0x6;
	s10 =	smul.u32 $0xA00, s0;
	_ =	strace $0x80000047  }
0x9: {  	s7 =	smul.u32 $0x27800, s6;
	s8 =	ssub.s32 $0x2, s6;
	p0 =	seq.s32 s6, $0x1  }
0xa: {  	s9 =	sadd.s32 s17, s5;
	s28 =	sshrl.u32 s8, $0x1;
	s6 =	sshrl.u32 s29, $0x2  }
0xb: {  	s16 =	simm.s32 @p0 $0xA00;
	s0 =	sadd.s32 s14, s10;
	s11 =	sor.u32 $0x10, s10  }
0xc: {  	s12 =	sadd.s32 s7, s5;
	s5 =	simm.s32 $0x0;
	s15 =	ssub.s32 s8, s28  }
0xd: {  	s18 =	sadd.s32 s6, s2;
	s6 =	sadd.s32 $0xB3800, s9;
	s7 =	sor.u32 $0x1C05, s30  }
0xe: {  	[dreg:$0x4] =	wrdreg s0;
	s9 =	sadd.s32 s13, s10;
	s10 =	sadd.s32 s14, s11  }
0xf: {  	s11 =	sadd.s32 s13, s11;
	s16 =	sshll.u32 s16, $0x4;
	s5 =	simm.s32 @!p0 $0xA0  }
.Ltmp0:
0x10: {  	s20 =	sadd.s32 $0xDB000, s12;
	s12 =	smax.u32 s15, $0x1;
	(pc) =	sbr.rel .LBB2_1-.Ltmp0, $4  }
0x11: {  	s13 =	sadd.s32 s16, s13;
	s14 =	sadd.s32 s16, s14;
	s19 =	sshrl.u32 s5, $0x1  }
0x12: {  	s15 =	sshrl.u32 s18, $0x3;
	s16 =	simm.s32 $0x5;
	s19 =	smax.u32 s19, $0x1  }
0x13: {  	s18 =	simm.s32 $0x100;
	s17 =	sadd.s32 s17, s20;
	s31 =	sshll.u32 s19, $0x5  }
0x14: {  	s20 =	simm.s32 $0x200;
	s19 =	simm.s32 $0x80;
	[dreg:$0x3] =	wrdreg s31  }
.LBB2_4:
0x15: {  	s3 =	sadd.s32 $0x1, s3  }
0x16: {  	p1 =	sne.s32 s3, s12  }
.Ltmp1:
0x17: {  	[bflag:$0x0] =	sbarrier.arrive $0xFFFF;
	(pc) =	sbr.rel @!p1 .LBB2_5-.Ltmp1, $4  }
0x18: {  	[hbm:s17], [sflag:s7] =	dma.local [spmem:s15], $0x2780  }
0x19: {  	_ =	swait.ge [sflag:s16], $0x2780  }
0x1a: {  	[sflag:s16] =	ssyncset.done $0x0  }
0x1b: {  	[sflag:s16] =	ssyncadd.s32 $0xFFFFD880  }
.LBB2_1:
0x1c: {  	[spmem:s15], [sflag:s7] =	dma.local [hbm:s6], $0x2780  }
.Ltmp2:
0x1d: {  	_ =	swait.ge [sflag:s16], $0x2780;
	(pc) =	sbr.rel @p0 .LBB2_4-.Ltmp2, $3  }
0x1e: {  	[sflag:s16] =	ssyncset.done $0x0  }
0x1f: {  	[sflag:s16] =	ssyncadd.s32 $0xFFFFD880  }
0x20: {  	[bflag:$0x0] =	sbarrier.arrive $0xFFFF;
	_ =	sdelay $0x1  }
0x21: {  	s28 =	simm.s32 $0x0;
	s0 =	rddreg [dreg:$0x4]  }
0x22: {  	[tilespmem:s28], [sflag:$0x5] =	stream.linear.gather [hbm4b:s0+s28], $0x80, $0x38;
	[tilespmem:$0x1BE00] =	vst v63  }
0x23: {  	_ =	swait.ge [sflag:s16], $0x80  }
0x24: {  	[sflag:s16] =	ssyncset.done $0x0  }
0x25: {  	[sflag:s16] =	ssyncadd.s32 $0xFFFFFF80  }
0x26: {  	[tilespmem:s18], [sflag:$0x5] =	stream.linear.gather [hbm4b:s9+s28], $0x80, $0x38;
	[tilespmem:$0x1BE00] =	vst v63  }
0x27: {  	_ =	swait.ge [sflag:s16], $0x80  }
0x28: {  	[sflag:s16] =	ssyncset.done $0x0  }
0x29: {  	[sflag:s16] =	ssyncadd.s32 $0xFFFFFF80  }
0x2a: {  	[tilespmem:s20], [sflag:$0x1] =	stream.indirect.gather [hbm4b:s4+s19], $0x80, s28, s19, $0xb8;
	[tilespmem:$0x1BE00] =	vst v63  }
0x2b: {  	_ = 	snop  }
0x2c: {  	[tilespmem:s19], [sflag:$0x5] =	stream.linear.gather [hbm4b:s10+s28], $0x80, $0x38;
	[tilespmem:$0x1BE00] =	vst v63  }
0x2d: {  	_ =	swait.ge [sflag:s16], $0x80  }
0x2e: {  	[sflag:s16] =	ssyncset.done $0x0  }
0x2f: {  	[sflag:s16] =	ssyncadd.s32 $0xFFFFFF80  }
0x30: {  	[tilespmem:s21], [sflag:$0x5] =	stream.linear.gather [hbm4b:s11+s28], $0x80, $0x38;
	[tilespmem:$0x1BE00] =	vst v63  }
0x31: {  	_ =	swait.ge [sflag:s16], $0x80  }
0x32: {  	[sflag:s16] =	ssyncset.done $0x0  }
0x33: {  	s29 =	simm.s32 $0x2;
	[sflag:s16] =	ssyncadd.s32 $0xFFFFFF80  }
0x34: {  	[tilespmem:s22], [sflag:$0x2] =	stream.indirect.gather [hbm4b:s4+s19], $0x80, s19, s19, $0xb8;
	[tilespmem:$0x1BE00] =	vst v63  }
.LBB2_3:
0x35: {  	_ =	swait.ge [sflag:s23], $0x4000  }
0x36: {  	[sflag:s23] =	ssyncset.done $0x0  }
0x37: {  	[sflag:s23] =	ssyncadd.s32 $0xFFFFC000  }
0x38: {  	[spmem:s2] =	stream.indirect.scatter.add.f32 [tilespmem:s20], [sflag:$0x3], $0x80, s18, s19, $0xb8;
	[tilespmem:$0x1BE00] =	vst v63  }
0x39: {  	p1 =	sge.u32 s29, s5;
	_ =	swait.ge [sflag:s24], $0x4000  }
0x3a: {  	s30 =	sadd.s32 @!p1 s28, s14;
	[sflag:s24] =	ssyncset.done $0x0  }
0x3b: {  	s31 =	simm.s32 @!p1 $0x0;
	s30 =	sadd.s32 @!p1 $0x20, s30;
	[sflag:s24] =	ssyncadd.s32 $0xFFFFC000  }
0x3c: {  	[tilespmem:s31], [sflag:$0x5] =	stream.linear.gather @!p1 [hbm4b:s30+s31], $0x80, $0x38;
	[tilespmem:$0x1BE00] =	vst v63  }
0x3d: {  	s30 =	simm.s32 @!p1 $0x5  }
0x3e: {  	_ =	swait.ge @!p1 [sflag:s30], $0x80  }
0x3f: {  	s0 =	sadd.s32 @!p1 s28, s13;
	[sflag:s30] =	ssyncset.done @!p1 $0x0  }
0x40: {  	s1 =	simm.s32 @!p1 $0x100;
	s0 =	sadd.s32 @!p1 $0x20, s0;
	[sflag:s30] =	ssyncadd.s32 @!p1 $0xFFFFFF80  }
0x41: {  	[tilespmem:s1], [sflag:$0x5] =	stream.linear.gather @!p1 [hbm4b:s0+s31], $0x80, $0x38;
	[tilespmem:$0x1BE00] =	vst v63  }
0x42: {  	_ =	swait.ge @!p1 [sflag:s30], $0x80  }
0x43: {  	[sflag:s30] =	ssyncset.done @!p1 $0x0  }
0x44: {  	s0 =	simm.s32 @!p1 $0x80;
	s1 =	simm.s32 @!p1 $0x200;
	[sflag:s30] =	ssyncadd.s32 @!p1 $0xFFFFFF80  }
0x45: {  	[tilespmem:s1], [sflag:$0x1] =	stream.indirect.gather @!p1 [hbm4b:s4+s0], $0x80, s31, s0, $0xb8;
	[tilespmem:$0x1BE00] =	vst v63  }
0x46: {  	_ =	swait.ge [sflag:s25], $0x4000  }
0x47: {  	[sflag:s25] =	ssyncset.done $0x0  }
0x48: {  	s30 =	sadd.s32 $0x1, s29;
	[sflag:s25] =	ssyncadd.s32 $0xFFFFC000  }
0x49: {  	[spmem:s2] =	stream.indirect.scatter.add.f32 [tilespmem:s22], [sflag:$0x4], $0x80, s21, s19, $0xb8;
	[tilespmem:$0x1BE00] =	vst v63  }
0x4a: {  	p1 =	sge.u32 s30, s5;
	_ =	swait.ge [sflag:s26], $0x4000  }
0x4b: {  	s0 =	sadd.s32 @!p1 s28, s14;
	s1 =	simm.s32 @!p1 $0x0;
	[sflag:s26] =	ssyncset.done $0x0  }
0x4c: {  	s30 =	simm.s32 @!p1 $0x80;
	s0 =	sadd.s32 @!p1 $0x30, s0;
	[sflag:s26] =	ssyncadd.s32 $0xFFFFC000  }
0x4d: {  	[tilespmem:s30], [sflag:$0x5] =	stream.linear.gather @!p1 [hbm4b:s0+s1], $0x80, $0x38;
	[tilespmem:$0x1BE00] =	vst v63  }
0x4e: {  	s0 =	simm.s32 @!p1 $0x5  }
0x4f: {  	_ =	swait.ge @!p1 [sflag:s0], $0x80  }
0x50: {  	s31 =	sadd.s32 @!p1 s28, s13;
	[sflag:s0] =	ssyncset.done @!p1 $0x0  }
0x51: {  	s8 =	simm.s32 @!p1 $0x180;
	s31 =	sadd.s32 @!p1 $0x30, s31;
	[sflag:s0] =	ssyncadd.s32 @!p1 $0xFFFFFF80  }
0x52: {  	[tilespmem:s8], [sflag:$0x5] =	stream.linear.gather @!p1 [hbm4b:s31+s1], $0x80, $0x38;
	[tilespmem:$0x1BE00] =	vst v63  }
0x53: {  	_ =	swait.ge @!p1 [sflag:s0], $0x80  }
0x54: {  	s28 =	sadd.s32 $0x20, s28;
	[sflag:s0] =	ssyncset.done @!p1 $0x0  }
0x55: {  	s31 =	rddreg [dreg:$0x3];
	[sflag:s0] =	ssyncadd.s32 @!p1 $0xFFFFFF80;
	s0 =	simm.s32 @!p1 $0x4200  }
0x56: {  	[tilespmem:s0], [sflag:$0x2] =	stream.indirect.gather @!p1 [hbm4b:s4+s30], $0x80, s30, s30, $0xb8;
	[tilespmem:$0x1BE00] =	vst v63  }
0x57: {  	p1 =	sne.s32 s31, s28  }
.Ltmp3:
0x58: {  	_ = 	snop;
	(pc) =	sbr.rel @p1 .LBB2_3-.Ltmp3, $2  }
0x59: {  	_ =	sdelay $0x2  }
0x5a: {  	s29 =	sadd.s32 $0x2, s29  }
.Ltmp4:
0x5b: {  	_ = 	snop;
	(pc) =	sbr.rel .LBB2_4-.Ltmp4, $1  }
0x5c: {  	_ =	sdelay $0x3  }
.LBB2_5:
0x5d: {  	_ =	sfence.sel $0x180000  }
0x5e: {  	[bflag:$0x0] =	sbarrier.arrive $0xFFFF  }
0x5f: {  	_ =	strace $0x90000047  }
0x60: {  	s0 =	stileid.u32;
	[bflag:$0x2] =	sbarrier.arrive $0xFFFF  }
0x61: {  	p0 =	sne.s32 s0, $0x0;
	s0 =	rddreg [dreg:$0x2]  }
0x62: {  	s0 =	sadd.s32 @!p0 $0x100000, s0  }
0x63: {  	[sflag:s0] =	ssyncadd.tile.s32 @!p0 $0x1;
	_ =	shalt  }
.Lfunc_end2:
_tile_overlayer_lowered:
.L_overlay_start_2:
0x64: {  	(tag) =	ssettag $0x2  }
0x65: {  	s0 =	rddreg [dreg:$0x0];
	s2 =	stileid.u32  }
0x66: {  	s1 =	rddreg [dreg:$0x1];
	p0 =	sne.s32 s2, $0x0  }
0x67: {  	s3 =	rddreg [dreg:$0x2];
	[bflag:$0x3] =	sbarrier.arrive $0xFFFF;
	s2 =	simm.s32 @!p0 $0x1C05  }
0x68: {  	[timem:s3], [sflag:s2] =	dma.local @!p0 [hbm:s0], s1  }
0x69: {  	s0 =	simm.s32 @!p0 $0x5  }
0x6a: {  	_ =	swait.ge @!p0 [sflag:s0], s1  }
0x6b: {  	s1 =	ssub.s32 @!p0 $0x0, s1;
	[sflag:s0] =	ssyncset.done @!p0 $0x0  }
0x6c: {  	[sflag:s0] =	ssyncadd.s32 @!p0 s1  }
0x6d: {  	[bflag:$0x3] =	sbarrier.arrive $0xFFFF  }
0x6e: {  	_ =	shalt  }

</sc_bundles>
